<compile_context>
chip_gen: v7x
topology: tpu7x:2x2x1
jax: 0.10.2.dev20260603
libtpu: 0.0.44.dev20260713+nightly
codegen_flags: <defaults>
</compile_context>

<pallas_src>
import functools
import jax
import jax.numpy as jnp
from jax import lax
from jax.experimental import pallas as pl
from jax.experimental.pallas import tpu as pltpu
from jax.experimental.pallas import tpu_sc as plsc

DH = 128
NB = 1000
F32 = jnp.float32



@functools.lru_cache(maxsize=None)
def _sc_segsum(N, E, K=80):
    NS = 16
    e_per_tile = E // NS
    n_chunks = e_per_tile // K
    assert e_per_tile % K == 0 and N % NS == 0
    rpt = (N // NS) // 8 * 8
    rem = N - NS * rpt
    mesh = plsc.VectorSubcoreMesh(core_axis_name="c", subcore_axis_name="s")

    @functools.partial(
        pl.kernel,
        out_type=jax.ShapeDtypeStruct((2 * N, DH), F32),
        mesh=mesh,
        scratch_types=[
            pltpu.VMEM((K,), jnp.int32),
            pltpu.VMEM((K,), jnp.int32),
            pltpu.VMEM((K, DH), F32),
            pltpu.VMEM_SHARED((N, DH), F32),
            pltpu.SemaphoreType.DMA,
        ],
    )
    def kern(h_hbm, src2_hbm, dst_hbm, init_hbm, out_hbm,
             src_v, dst_v, rows_v, acc, sem):
        c = lax.axis_index("c")
        s = lax.axis_index("s")
        r0 = s * rpt
        pltpu.sync_copy(init_hbm.at[pl.ds(c * N + r0, rpt)],
                        acc.at[pl.ds(r0, rpt)])
        if rem:
            @pl.when(s == 0)
            def _():
                pltpu.sync_copy(init_hbm.at[pl.ds(c * N + NS * rpt, rem)],
                                acc.at[pl.ds(NS * rpt, rem)])
        plsc.subcore_barrier()
        base_e = c * E + s * e_per_tile

        def body(j, carry):
            off = base_e + j * K
            pltpu.sync_copy(src2_hbm.at[pl.ds(off, K)], src_v)
            pltpu.sync_copy(dst_hbm.at[pl.ds(off - c * E, K)], dst_v)
            pltpu.async_copy(h_hbm.at[src_v], rows_v, sem).wait()
            pltpu.sync_copy(rows_v, acc.at[dst_v], add=True)
            return carry

        lax.fori_loop(0, n_chunks, body, 0)
        plsc.subcore_barrier()
        pltpu.sync_copy(acc.at[pl.ds(r0, rpt)],
                        out_hbm.at[pl.ds(c * N + r0, rpt)])
        if rem:
            @pl.when(s == 0)
            def _():
                pltpu.sync_copy(acc.at[pl.ds(NS * rpt, rem)],
                                out_hbm.at[pl.ds(c * N + NS * rpt, rem)])

    return kern


@functools.lru_cache(maxsize=None)
def _sc_cdeg(N, E, K=40):
    NS = 16
    e_per_tile = E // (2 * NS)
    n_chunks = e_per_tile // K
    assert E % (2 * NS) == 0 and e_per_tile % K == 0
    rpt = (N // NS) // 8 * 8
    rem = N - NS * rpt
    mesh = plsc.VectorSubcoreMesh(core_axis_name="c", subcore_axis_name="s")

    @functools.partial(
        pl.kernel,
        out_type=jax.ShapeDtypeStruct((2 * N, DH), F32),
        mesh=mesh,
        scratch_types=[
            pltpu.VMEM((K,), jnp.int32),
            pltpu.VMEM((K,), jnp.int32),
            pltpu.VMEM((K, DH), F32),
            pltpu.VMEM_SHARED((N, DH), F32),
            pltpu.SemaphoreType.DMA,
        ],
    )
    def kern(tab_hbm, code_hbm, dst_hbm, zero_hbm, out_hbm,
             code_v, dst_v, rows_v, acc, sem):
        c = lax.axis_index("c")
        s = lax.axis_index("s")
        r0 = s * rpt
        pltpu.sync_copy(zero_hbm.at[pl.ds(c * N + r0, rpt)],
                        acc.at[pl.ds(r0, rpt)])
        if rem:
            @pl.when(s == 0)
            def _():
                pltpu.sync_copy(zero_hbm.at[pl.ds(c * N + NS * rpt, rem)],
                                acc.at[pl.ds(NS * rpt, rem)])
        plsc.subcore_barrier()
        base_e = (c * NS + s) * e_per_tile

        def body(j, carry):
            off = base_e + j * K
            pltpu.sync_copy(code_hbm.at[pl.ds(off, K)], code_v)
            pltpu.sync_copy(dst_hbm.at[pl.ds(off, K)], dst_v)
            pltpu.async_copy(tab_hbm.at[code_v], rows_v, sem).wait()
            pltpu.sync_copy(rows_v, acc.at[dst_v], add=True)
            return carry

        lax.fori_loop(0, n_chunks, body, 0)
        plsc.subcore_barrier()
        pltpu.sync_copy(acc.at[pl.ds(r0, rpt)],
                        out_hbm.at[pl.ds(c * N + r0, rpt)])
        if rem:
            @pl.when(s == 0)
            def _():
                pltpu.sync_copy(acc.at[pl.ds(NS * rpt, rem)],
                                out_hbm.at[pl.ds(c * N + NS * rpt, rem)])

    return kern



def _mm_body(with_stats, a0_ref, a1_ref, wt_ref, b_ref, *outs):
    i = pl.program_id(0)
    h = (jnp.dot(a0_ref[...], wt_ref[:DH, :], preferred_element_type=F32)
         + jnp.dot(a1_ref[...], wt_ref[DH:, :], preferred_element_type=F32)
         + b_ref[...])
    outs[0][...] = h
    if with_stats:
        stats_ref = outs[1]

        @pl.when(i == 0)
        def _():
            stats_ref[...] = jnp.zeros_like(stats_ref)

        srow = jnp.sum(h, axis=0, keepdims=True)
        s2row = jnp.sum(h * h, axis=0, keepdims=True)
        pad = jnp.zeros((6, h.shape[1]), F32)
        stats_ref[...] += jnp.concatenate([srow, s2row, pad], axis=0)


@functools.lru_cache(maxsize=None)
def _tc_matmul(N, D, with_stats):
    nblk = N // NB
    out_shape = [jax.ShapeDtypeStruct((N, D), F32)]
    out_specs = [pl.BlockSpec((NB, D), lambda i: (i, 0))]
    if with_stats:
        out_shape.append(jax.ShapeDtypeStruct((8, D), F32))
        out_specs.append(pl.BlockSpec((8, D), lambda i: (0, 0)))
    return pl.pallas_call(
        functools.partial(_mm_body, with_stats),
        grid=(nblk,),
        in_specs=[
            pl.BlockSpec((NB, DH), lambda i: (i, 0)),
            pl.BlockSpec((NB, DH), lambda i: (i + nblk, 0)),
            pl.BlockSpec((D, D), lambda i: (0, 0)),
            pl.BlockSpec((1, D), lambda i: (0, 0)),
        ],
        out_specs=out_specs,
        out_shape=out_shape,
    )


def _norm_body(apply_bn, N, hp_ref, stats_ref, g_ref, be_ref, cd0_ref, cd1_ref,
               dp_ref, base_ref, h_out, init_out):
    hp = hp_ref[...]
    if apply_bn:
        mu = stats_ref[0:1, :] * (1.0 / N)
        var = stats_ref[1:2, :] * (1.0 / N) - mu * mu
        inv = lax.rsqrt(var + 1e-5)
        h = jnp.maximum(g_ref[...] * (hp - mu) * inv + be_ref[...], 0.0)
    else:
        h = hp
    cd = cd0_ref[:, :16] + cd1_ref[:, :16]
    k = jnp.dot(cd, dp_ref[...], preferred_element_type=F32,
                precision=lax.Precision.HIGHEST) + base_ref[...]
    init = h + k
    h_out[0, :, :] = h[:, :DH]
    h_out[1, :, :] = h[:, DH:]
    init_out[0, :, :] = init[:, :DH]
    init_out[1, :, :] = init[:, DH:]


@functools.lru_cache(maxsize=None)
def _tc_norm(N, D, apply_bn):
    nblk = N // NB
    return pl.pallas_call(
        functools.partial(_norm_body, apply_bn, N),
        grid=(nblk,),
        in_specs=[
            pl.BlockSpec((NB, D), lambda i: (i, 0)),
            pl.BlockSpec((8, D), lambda i: (0, 0)),
            pl.BlockSpec((1, D), lambda i: (0, 0)),
            pl.BlockSpec((1, D), lambda i: (0, 0)),
            pl.BlockSpec((NB, DH), lambda i: (i, 0)),
            pl.BlockSpec((NB, DH), lambda i: (i + nblk, 0)),
            pl.BlockSpec((16, D), lambda i: (0, 0)),
            pl.BlockSpec((1, D), lambda i: (0, 0)),
        ],
        out_specs=[
            pl.BlockSpec((2, NB, DH), lambda i: (0, i, 0)),
            pl.BlockSpec((2, NB, DH), lambda i: (0, i, 0)),
        ],
        out_shape=[
            jax.ShapeDtypeStruct((2, N, DH), F32),
            jax.ShapeDtypeStruct((2, N, DH), F32),
        ],
    )



def kernel(x, edge_index, edge_attr, params):
    N, D = x.shape
    E = edge_index.shape[1]
    L = len(params['layers'])

    src = edge_index[0].astype(jnp.int32)
    dst = edge_index[1].astype(jnp.int32)
    src2 = jnp.concatenate([src, src + N])
    nf = edge_attr.shape[1]
    code = jnp.sum(edge_attr.astype(jnp.int32)
                   * (2 ** jnp.arange(nf, dtype=jnp.int32)), axis=1)
    m = jnp.arange(2 ** nf, dtype=jnp.int32)
    bits = ((m[:, None] >> jnp.arange(nf, dtype=jnp.int32)[None, :]) & 1)
    table = jnp.concatenate(
        [bits.astype(F32),
         jnp.ones((2 ** nf, 1), F32),
         jnp.zeros((2 ** nf, DH - nf - 1), F32)], axis=1)

    WTs, bs, gs, betas, DPs, bases = [], [], [], [], [], []
    for l in range(L):
        p = params['layers'][l]
        WTs.append(p['W'].T)
        bs.append(p['b'].reshape(1, D))
        gs.append(p['gamma'].reshape(1, D))
        betas.append(p['beta'].reshape(1, D))
        base = sum(e[0] for e in p['embs'])
        delta = jnp.stack([e[1] - e[0] for e in p['embs']])
        dp = jnp.zeros((16, D), F32).at[:5].set(delta).at[5].set(base)
        DPs.append(dp)
        bases.append(base.reshape(1, D))
    zero_dp = jnp.zeros((16, D), F32)
    zero_base = jnp.zeros((1, D), F32)
    zero_stats = jnp.zeros((8, D), F32)

    cdeg = _sc_cdeg(N, E)(table, code, dst, jnp.zeros((2 * N, DH), F32))

    h2, init = _tc_norm(N, D, False)(
        x, zero_stats, zero_base, zero_base, cdeg, cdeg, DPs[0], bases[0])
    for l in range(L):
        aggr = _sc_segsum(N, E)(
            h2.reshape(2 * N, DH), src2, dst, init.reshape(2 * N, DH))
        hp, stats = _tc_matmul(N, D, True)(aggr, aggr, WTs[l], bs[l])
        if l + 1 < L:
            dp_n, base_n = DPs[l + 1], bases[l + 1]
        else:
            dp_n, base_n = zero_dp, zero_base
        h2, init = _tc_norm(N, D, True)(
            hp, stats, gs[l], betas[l], cdeg, cdeg, dp_n, base_n)

    hf = h2.reshape(2 * N, DH)
    out = _tc_matmul(N, D, False)(
        hf, hf, params['W_out'].T, params['b_out'].reshape(1, D))
    return out[0]

# --- scband reference (transcript-rebuilt; emitter-appended) ---
"""Pipeline reference for scband-gnndecoder-17961553232341 (READ-ONLY COPY).

The authoritative reference and input builder live on the scoring server;
editing this copy changes nothing except your own understanding.
"""

import jax, jax.numpy as jnp
import numpy as np

N = 10000
E = 160000
D = 256
L = 4
BOND_DIMS = [6, 6, 2, 2, 2]


def _batch_norm(h, gamma, beta, eps=1e-5):
    mu = jnp.mean(h, axis=0)
    var = jnp.var(h, axis=0)
    return gamma * (h - mu) / jnp.sqrt(var + eps) + beta


def _gnn_layer(x, edge_index, edge_attr, p):
    n = x.shape[0]
    # add_self_loops with zero edge_attr rows
    loops = jnp.arange(n, dtype=edge_index.dtype)
    ei = jnp.concatenate([edge_index, jnp.stack([loops, loops], axis=0)], axis=1)
    ea = jnp.concatenate([edge_attr, jnp.zeros((n, edge_attr.shape[1]), dtype=edge_attr.dtype)], axis=0)
    # BondEncoder: sum of per-feature embedding lookups
    edge_emb = jnp.zeros((ei.shape[1], D), dtype=x.dtype)
    for i in range(len(BOND_DIMS)):
        edge_emb = edge_emb + jnp.take(p['embs'][i], ea[:, i], axis=0)
    # message: x_j + edge_attr ; aggregate: add at dst nodes
    msg = jnp.take(x, ei[0], axis=0) + edge_emb
    aggr = jax.ops.segment_sum(msg, ei[1], num_segments=n)
    # update: relu(batchnorm(linear(aggr)))
    h = aggr @ p['W'].T + p['b']
    h = _batch_norm(h, p['gamma'], p['beta'])
    return jax.nn.relu(h)


def setup_inputs(seed: int = 0):
    key = jax.random.key(seed)
    ks = jax.random.split(key, 40)
    x = jax.random.normal(ks[0], (N, D), dtype=jnp.float32)
    edge_index = jax.random.randint(ks[1], (2, E), 0, N, dtype=jnp.int32)
    edge_attr = jax.random.randint(ks[2], (E, 5), 0, 2, dtype=jnp.int32)
    k = 3
    layers = []
    for l in range(L):
        W = jax.random.normal(ks[k], (D, D), dtype=jnp.float32) * (1.0 / np.sqrt(D)); k += 1
        embs = []
        for d in BOND_DIMS:
            embs.append(jax.random.normal(ks[k], (d + 1, D), dtype=jnp.float32) * (1.0 / np.sqrt(D))); k += 1
        layers.append({
            'W': W,
            'b': jnp.zeros((D,), dtype=jnp.float32),
            'gamma': jnp.ones((D,), dtype=jnp.float32),
            'beta': jnp.zeros((D,), dtype=jnp.float32),
            'embs': embs,
        })
    W_out = jax.random.normal(ks[k], (D, D), dtype=jnp.float32) * (1.0 / np.sqrt(D)); k += 1
    params = {'layers': layers, 'W_out': W_out, 'b_out': jnp.zeros((D,), dtype=jnp.float32)}
    return {'x': x, 'edge_index': edge_index, 'edge_attr': edge_attr, 'params': params}


def reference(x, edge_index, edge_attr, params):
    h = x
    for l in range(L):
        h = _gnn_layer(h, edge_index, edge_attr, params['layers'][l])
    # JK == 'last'
    return h @ params['W_out'].T + params['b_out']

if __name__ == "__main__":
    import jax
    _d = setup_inputs()
    print(jax.jit(kernel)(*tuple(_d.values())))

</pallas_src>

<mosaic_0001>
#map = affine_map<(d0, d1) -> (0, 0)>
#map1 = affine_map<(d0, d1) -> (0)>
module attributes {stable_mosaic.version = 14 : i64} {
  func.func @kern(%arg0: i32, %arg1: i32, %arg2: memref<20000x128xf32, #tpu.memory_space<hbm>>, %arg3: memref<320000xi32, #tpu.memory_space<hbm>>, %arg4: memref<160000xi32, #tpu.memory_space<hbm>>, %arg5: memref<20000x128xf32, #tpu.memory_space<hbm>>, %arg6: memref<20000x128xf32, #tpu.memory_space<hbm>>, %arg7: memref<80xi32, #tpu.memory_space<vmem>>, %arg8: memref<80xi32, #tpu.memory_space<vmem>>, %arg9: memref<80x128xf32, #tpu.memory_space<vmem>>, %arg10: memref<10000x128xf32, #tpu.memory_space<vmem_shared>>, %arg11: memref<!tpu.dma_semaphore, #tpu.memory_space<semaphore_mem>>) attributes {dimension_semantics = [#tpu.dimension_semantics<core_parallel>, #tpu.dimension_semantics<subcore_parallel>], iteration_bounds = array<i64: 2, 16>, scalar_prefetch = 0 : i64, scratch_operands = 5 : i64, tpu.core_type = #tpu.core_type<sc_vector_subcore>, window_params = [{transform_indices = #map}, {transform_indices = #map1}, {transform_indices = #map1}, {transform_indices = #map}, {transform_indices = #map}]} {
    %mul3A = arith.constant 624 : i32
    %mul3A_0 = arith.muli %arg1, %mul3A : i32
    %mul3A_1 = arith.constant 10000 : i32
    %mul3A_2 = arith.muli %arg0, %mul3A_1 : i32
    %add3A = arith.addi %mul3A_2, %mul3A_0 : i32
    "tpu.region"() ({
      %run_scoped3A = tpu.sem_alloc : memref<!tpu.dma_semaphore, #tpu.memory_space<semaphore_mem>>
      %dma_start3A = arith.constant 0 : i32
      %dma_start3A_24 = tpu.memref_slice %arg10[%mul3A_0, %dma_start3A] : memref<10000x128xf32, #tpu.memory_space<vmem_shared>> -> memref<624x128xf32, #tpu.memory_space<vmem_shared>>
      %dma_start3A_25 = arith.constant 0 : i32
      %dma_start3A_26 = tpu.memref_slice %arg5[%add3A, %dma_start3A_25] : memref<20000x128xf32, #tpu.memory_space<hbm>> -> memref<624x128xf32, #tpu.memory_space<hbm>>
      tpu.enqueue_dma source(%dma_start3A_26 : memref<624x128xf32, #tpu.memory_space<hbm>>) target(%dma_start3A_24 : memref<624x128xf32, #tpu.memory_space<vmem_shared>>) target_semaphore(%run_scoped3A : memref<!tpu.dma_semaphore, #tpu.memory_space<semaphore_mem>>)
      %dma_wait3A = arith.constant 0 : i32
      %dma_wait3A_27 = tpu.memref_slice %arg10[%mul3A_0, %dma_wait3A] : memref<10000x128xf32, #tpu.memory_space<vmem_shared>> -> memref<624x128xf32, #tpu.memory_space<vmem_shared>>
      %dma_wait3A_28 = arith.constant 0 : i32
      %dma_wait3A_29 = tpu.memref_slice %arg5[%add3A, %dma_wait3A_28] : memref<20000x128xf32, #tpu.memory_space<hbm>> -> memref<624x128xf32, #tpu.memory_space<hbm>>
      tpu.wait_dma2 semaphore(%run_scoped3A : memref<!tpu.dma_semaphore, #tpu.memory_space<semaphore_mem>>) src(%dma_wait3A_29 : memref<624x128xf32, #tpu.memory_space<hbm>>) dst(%dma_wait3A_27 : memref<624x128xf32, #tpu.memory_space<vmem_shared>>)
      tpu.yield
    }) : () -> ()
    %eq3A = arith.constant 0 : i32
    %eq3A_3 = arith.cmpi eq, %arg1, %eq3A : i32
    %convert_element_type3A = arith.extui %eq3A_3 : i1 to i32
    %cond3A = arith.constant 0 : i32
    %cond3A_4 = arith.cmpi ne, %convert_element_type3A, %cond3A : i32
    scf.if %cond3A_4 {
      %mul3A_24 = arith.constant 10000 : i32
      %mul3A_25 = arith.muli %arg0, %mul3A_24 : i32
      %add3A_26 = arith.constant 9984 : i32
      %add3A_27 = arith.addi %mul3A_25, %add3A_26 : i32
      "tpu.region"() ({
        %run_scoped3A = tpu.sem_alloc : memref<!tpu.dma_semaphore, #tpu.memory_space<semaphore_mem>>
        %dma_start3A = arith.constant 9984 : i32
        %dma_start3A_28 = arith.constant 0 : i32
        %dma_start3A_29 = tpu.memref_slice %arg10[%dma_start3A, %dma_start3A_28] : memref<10000x128xf32, #tpu.memory_space<vmem_shared>> -> memref<16x128xf32, #tpu.memory_space<vmem_shared>>
        %dma_start3A_30 = arith.constant 0 : i32
        %dma_start3A_31 = tpu.memref_slice %arg5[%add3A_27, %dma_start3A_30] : memref<20000x128xf32, #tpu.memory_space<hbm>> -> memref<16x128xf32, #tpu.memory_space<hbm>>
        tpu.enqueue_dma source(%dma_start3A_31 : memref<16x128xf32, #tpu.memory_space<hbm>>) target(%dma_start3A_29 : memref<16x128xf32, #tpu.memory_space<vmem_shared>>) target_semaphore(%run_scoped3A : memref<!tpu.dma_semaphore, #tpu.memory_space<semaphore_mem>>)
        %dma_wait3A = arith.constant 9984 : i32
        %dma_wait3A_32 = arith.constant 0 : i32
        %dma_wait3A_33 = tpu.memref_slice %arg10[%dma_wait3A, %dma_wait3A_32] : memref<10000x128xf32, #tpu.memory_space<vmem_shared>> -> memref<16x128xf32, #tpu.memory_space<vmem_shared>>
        %dma_wait3A_34 = arith.constant 0 : i32
        %dma_wait3A_35 = tpu.memref_slice %arg5[%add3A_27, %dma_wait3A_34] : memref<20000x128xf32, #tpu.memory_space<hbm>> -> memref<16x128xf32, #tpu.memory_space<hbm>>
        tpu.wait_dma2 semaphore(%run_scoped3A : memref<!tpu.dma_semaphore, #tpu.memory_space<semaphore_mem>>) src(%dma_wait3A_35 : memref<16x128xf32, #tpu.memory_space<hbm>>) dst(%dma_wait3A_33 : memref<16x128xf32, #tpu.memory_space<vmem_shared>>)
        tpu.yield
      }) : () -> ()
    } else {
    }
    %barrier3A = arith.constant 0 : index
    tpu.barrier barrier_id(%barrier3A)
    %mul3A_5 = arith.constant 160000 : i32
    %mul3A_6 = arith.muli %arg0, %mul3A_5 : i32
    %mul3A_7 = arith.constant 10000 : i32
    %mul3A_8 = arith.muli %arg1, %mul3A_7 : i32
    %add3A_9 = arith.addi %mul3A_6, %mul3A_8 : i32
    %scan3A = arith.constant 0 : i32
    %scan3A_10 = arith.constant 0 : i32
    %scan3A_11 = arith.constant 125 : i32
    %scan3A_12 = arith.addi %scan3A_10, %scan3A_11 : i32
    %scan3A_13 = arith.constant 1 : i32
    scf.for %scan3A_24 = %scan3A_10 to %scan3A_12 step %scan3A_13  : i32 {
      %mul3A_25 = arith.constant 80 : i32
      %mul3A_26 = arith.muli %scan3A_24, %mul3A_25 : i32
      %add3A_27 = arith.addi %add3A_9, %mul3A_26 : i32
      "tpu.region"() ({
        %run_scoped3A = tpu.sem_alloc : memref<!tpu.dma_semaphore, #tpu.memory_space<semaphore_mem>>
        %dma_start3A_34 = tpu.memref_slice %arg3[%add3A_27] : memref<320000xi32, #tpu.memory_space<hbm>> -> memref<80xi32, #tpu.memory_space<hbm>>
        %dma_start3A_35 = tpu.memref_slice %arg3[%add3A_27] : memref<320000xi32, #tpu.memory_space<hbm>> -> memref<80xi32, #tpu.memory_space<hbm>>
        tpu.enqueue_dma source(%dma_start3A_35 : memref<80xi32, #tpu.memory_space<hbm>>) target(%arg7 : memref<80xi32, #tpu.memory_space<vmem>>) target_semaphore(%run_scoped3A : memref<!tpu.dma_semaphore, #tpu.memory_space<semaphore_mem>>)
        %dma_wait3A_36 = tpu.memref_slice %arg3[%add3A_27] : memref<320000xi32, #tpu.memory_space<hbm>> -> memref<80xi32, #tpu.memory_space<hbm>>
        %dma_wait3A_37 = tpu.memref_slice %arg3[%add3A_27] : memref<320000xi32, #tpu.memory_space<hbm>> -> memref<80xi32, #tpu.memory_space<hbm>>
        tpu.wait_dma2 semaphore(%run_scoped3A : memref<!tpu.dma_semaphore, #tpu.memory_space<semaphore_mem>>) src(%dma_wait3A_37 : memref<80xi32, #tpu.memory_space<hbm>>) dst(%arg7 : memref<80xi32, #tpu.memory_space<vmem>>)
        tpu.yield
      }) : () -> ()
      %mul3A_28 = arith.constant 160000 : i32
      %mul3A_29 = arith.muli %arg0, %mul3A_28 : i32
      %sub3A = arith.subi %add3A_27, %mul3A_29 : i32
      "tpu.region"() ({
        %run_scoped3A = tpu.sem_alloc : memref<!tpu.dma_semaphore, #tpu.memory_space<semaphore_mem>>
        %dma_start3A_34 = tpu.memref_slice %arg4[%sub3A] : memref<160000xi32, #tpu.memory_space<hbm>> -> memref<80xi32, #tpu.memory_space<hbm>>
        %dma_start3A_35 = tpu.memref_slice %arg4[%sub3A] : memref<160000xi32, #tpu.memory_space<hbm>> -> memref<80xi32, #tpu.memory_space<hbm>>
        tpu.enqueue_dma source(%dma_start3A_35 : memref<80xi32, #tpu.memory_space<hbm>>) target(%arg8 : memref<80xi32, #tpu.memory_space<vmem>>) target_semaphore(%run_scoped3A : memref<!tpu.dma_semaphore, #tpu.memory_space<semaphore_mem>>)
        %dma_wait3A_36 = tpu.memref_slice %arg4[%sub3A] : memref<160000xi32, #tpu.memory_space<hbm>> -> memref<80xi32, #tpu.memory_space<hbm>>
        %dma_wait3A_37 = tpu.memref_slice %arg4[%sub3A] : memref<160000xi32, #tpu.memory_space<hbm>> -> memref<80xi32, #tpu.memory_space<hbm>>
        tpu.wait_dma2 semaphore(%run_scoped3A : memref<!tpu.dma_semaphore, #tpu.memory_space<semaphore_mem>>) src(%dma_wait3A_37 : memref<80xi32, #tpu.memory_space<hbm>>) dst(%arg8 : memref<80xi32, #tpu.memory_space<vmem>>)
        tpu.yield
      }) : () -> ()
      %dma_start3A = arith.constant 0 : i32
      %dma_start3A_30 = arith.constant 0 : i32
      %dma_start3A_31 = tpu.memref_slice %arg2[%dma_start3A, %dma_start3A_30] : memref<20000x128xf32, #tpu.memory_space<hbm>> -> memref<20000x128xf32, #tpu.memory_space<hbm>>
      tpu.enqueue_indirect_dma source(%dma_start3A_31 : memref<20000x128xf32, #tpu.memory_space<hbm>>) target(%arg9 : memref<80x128xf32, #tpu.memory_space<vmem>>) offsets(%arg7 : memref<80xi32, #tpu.memory_space<vmem>>) semaphore(%arg11 : memref<!tpu.dma_semaphore, #tpu.memory_space<semaphore_mem>>)
      %dma_wait3A = arith.constant 0 : i32
      %dma_wait3A_32 = arith.constant 0 : i32
      %dma_wait3A_33 = tpu.memref_slice %arg2[%dma_wait3A, %dma_wait3A_32] : memref<20000x128xf32, #tpu.memory_space<hbm>> -> memref<20000x128xf32, #tpu.memory_space<hbm>>
      tpu.wait_indirect_dma semaphore(%arg11 : memref<!tpu.dma_semaphore, #tpu.memory_space<semaphore_mem>>) src(%dma_wait3A_33 : memref<20000x128xf32, #tpu.memory_space<hbm>>) dst(%arg9 : memref<80x128xf32, #tpu.memory_space<vmem>>)
      "tpu.region"() ({
        %run_scoped3A = tpu.sem_alloc : memref<!tpu.dma_semaphore, #tpu.memory_space<semaphore_mem>>
        %dma_start3A_34 = arith.constant 0 : i32
        %dma_start3A_35 = arith.constant 0 : i32
        %dma_start3A_36 = tpu.memref_slice %arg10[%dma_start3A_34, %dma_start3A_35] : memref<10000x128xf32, #tpu.memory_space<vmem_shared>> -> memref<10000x128xf32, #tpu.memory_space<vmem_shared>>
        tpu.enqueue_indirect_dma source(%arg9 : memref<80x128xf32, #tpu.memory_space<vmem>>) target(%dma_start3A_36 : memref<10000x128xf32, #tpu.memory_space<vmem_shared>>) offsets(%arg8 : memref<80xi32, #tpu.memory_space<vmem>>) semaphore(%run_scoped3A : memref<!tpu.dma_semaphore, #tpu.memory_space<semaphore_mem>>) {add = true}
        %dma_wait3A_37 = arith.constant 0 : i32
        %dma_wait3A_38 = arith.constant 0 : i32
        %dma_wait3A_39 = tpu.memref_slice %arg10[%dma_wait3A_37, %dma_wait3A_38] : memref<10000x128xf32, #tpu.memory_space<vmem_shared>> -> memref<10000x128xf32, #tpu.memory_space<vmem_shared>>
        tpu.wait_indirect_dma semaphore(%run_scoped3A : memref<!tpu.dma_semaphore, #tpu.memory_space<semaphore_mem>>) src(%arg9 : memref<80x128xf32, #tpu.memory_space<vmem>>) dst(%dma_wait3A_39 : memref<10000x128xf32, #tpu.memory_space<vmem_shared>>)
        tpu.yield
      }) : () -> ()
    }
    %scan3A_14 = arith.constant 125 : i32
    %barrier3A_15 = arith.constant 0 : index
    tpu.barrier barrier_id(%barrier3A_15)
    %mul3A_16 = arith.constant 10000 : i32
    %mul3A_17 = arith.muli %arg0, %mul3A_16 : i32
    %add3A_18 = arith.addi %mul3A_17, %mul3A_0 : i32
    "tpu.region"() ({
      %run_scoped3A = tpu.sem_alloc : memref<!tpu.dma_semaphore, #tpu.memory_space<semaphore_mem>>
      %dma_start3A = arith.constant 0 : i32
      %dma_start3A_24 = tpu.memref_slice %arg6[%add3A_18, %dma_start3A] : memref<20000x128xf32, #tpu.memory_space<hbm>> -> memref<624x128xf32, #tpu.memory_space<hbm>>
      %dma_start3A_25 = arith.constant 0 : i32
      %dma_start3A_26 = tpu.memref_slice %arg10[%mul3A_0, %dma_start3A_25] : memref<10000x128xf32, #tpu.memory_space<vmem_shared>> -> memref<624x128xf32, #tpu.memory_space<vmem_shared>>
      tpu.enqueue_dma source(%dma_start3A_26 : memref<624x128xf32, #tpu.memory_space<vmem_shared>>) target(%dma_start3A_24 : memref<624x128xf32, #tpu.memory_space<hbm>>) target_semaphore(%run_scoped3A : memref<!tpu.dma_semaphore, #tpu.memory_space<semaphore_mem>>)
      %dma_wait3A = arith.constant 0 : i32
      %dma_wait3A_27 = tpu.memref_slice %arg6[%add3A_18, %dma_wait3A] : memref<20000x128xf32, #tpu.memory_space<hbm>> -> memref<624x128xf32, #tpu.memory_space<hbm>>
      %dma_wait3A_28 = arith.constant 0 : i32
      %dma_wait3A_29 = tpu.memref_slice %arg10[%mul3A_0, %dma_wait3A_28] : memref<10000x128xf32, #tpu.memory_space<vmem_shared>> -> memref<624x128xf32, #tpu.memory_space<vmem_shared>>
      tpu.wait_dma2 semaphore(%run_scoped3A : memref<!tpu.dma_semaphore, #tpu.memory_space<semaphore_mem>>) src(%dma_wait3A_29 : memref<624x128xf32, #tpu.memory_space<vmem_shared>>) dst(%dma_wait3A_27 : memref<624x128xf32, #tpu.memory_space<hbm>>)
      tpu.yield
    }) : () -> ()
    %eq3A_19 = arith.constant 0 : i32
    %eq3A_20 = arith.cmpi eq, %arg1, %eq3A_19 : i32
    %convert_element_type3A_21 = arith.extui %eq3A_20 : i1 to i32
    %cond3A_22 = arith.constant 0 : i32
    %cond3A_23 = arith.cmpi ne, %convert_element_type3A_21, %cond3A_22 : i32
    scf.if %cond3A_23 {
      %mul3A_24 = arith.constant 10000 : i32
      %mul3A_25 = arith.muli %arg0, %mul3A_24 : i32
      %add3A_26 = arith.constant 9984 : i32
      %add3A_27 = arith.addi %mul3A_25, %add3A_26 : i32
      "tpu.region"() ({
        %run_scoped3A = tpu.sem_alloc : memref<!tpu.dma_semaphore, #tpu.memory_space<semaphore_mem>>
        %dma_start3A = arith.constant 0 : i32
        %dma_start3A_28 = tpu.memref_slice %arg6[%add3A_27, %dma_start3A] : memref<20000x128xf32, #tpu.memory_space<hbm>> -> memref<16x128xf32, #tpu.memory_space<hbm>>
        %dma_start3A_29 = arith.constant 9984 : i32
        %dma_start3A_30 = arith.constant 0 : i32
        %dma_start3A_31 = tpu.memref_slice %arg10[%dma_start3A_29, %dma_start3A_30] : memref<10000x128xf32, #tpu.memory_space<vmem_shared>> -> memref<16x128xf32, #tpu.memory_space<vmem_shared>>
        tpu.enqueue_dma source(%dma_start3A_31 : memref<16x128xf32, #tpu.memory_space<vmem_shared>>) target(%dma_start3A_28 : memref<16x128xf32, #tpu.memory_space<hbm>>) target_semaphore(%run_scoped3A : memref<!tpu.dma_semaphore, #tpu.memory_space<semaphore_mem>>)
        %dma_wait3A = arith.constant 0 : i32
        %dma_wait3A_32 = tpu.memref_slice %arg6[%add3A_27, %dma_wait3A] : memref<20000x128xf32, #tpu.memory_space<hbm>> -> memref<16x128xf32, #tpu.memory_space<hbm>>
        %dma_wait3A_33 = arith.constant 9984 : i32
        %dma_wait3A_34 = arith.constant 0 : i32
        %dma_wait3A_35 = tpu.memref_slice %arg10[%dma_wait3A_33, %dma_wait3A_34] : memref<10000x128xf32, #tpu.memory_space<vmem_shared>> -> memref<16x128xf32, #tpu.memory_space<vmem_shared>>
        tpu.wait_dma2 semaphore(%run_scoped3A : memref<!tpu.dma_semaphore, #tpu.memory_space<semaphore_mem>>) src(%dma_wait3A_35 : memref<16x128xf32, #tpu.memory_space<vmem_shared>>) dst(%dma_wait3A_32 : memref<16x128xf32, #tpu.memory_space<hbm>>)
        tpu.yield
      }) : () -> ()
    } else {
    }
    return
  }
}

#map = affine_map<(d0, d1) -> (0, 0)>
#map1 = affine_map<(d0, d1) -> (0)>
module attributes {stable_mosaic.version = 14 : i64} {
  func.func @kern(%arg0: i32, %arg1: i32, %arg2: memref<20000x128xf32, #tpu.memory_space<hbm>>, %arg3: memref<320000xi32, #tpu.memory_space<hbm>>, %arg4: memref<160000xi32, #tpu.memory_space<hbm>>, %arg5: memref<20000x128xf32, #tpu.memory_space<hbm>>, %arg6: memref<20000x128xf32, #tpu.memory_space<hbm>>, %arg7: memref<80xi32, #tpu.memory_space<vmem>>, %arg8: memref<80xi32, #tpu.memory_space<vmem>>, %arg9: memref<80x128xf32, #tpu.memory_space<vmem>>, %arg10: memref<10000x128xf32, #tpu.memory_space<vmem_shared>>, %arg11: memref<!tpu.dma_semaphore, #tpu.memory_space<semaphore_mem>>) attributes {dimension_semantics = [#tpu.dimension_semantics<core_parallel>, #tpu.dimension_semantics<subcore_parallel>], iteration_bounds = array<i64: 2, 16>, scalar_prefetch = 0 : i64, scratch_operands = 5 : i64, tpu.core_type = #tpu.core_type<sc_vector_subcore>, window_params = [{transform_indices = #map}, {transform_indices = #map1}, {transform_indices = #map1}, {transform_indices = #map}, {transform_indices = #map}]} {
    %mul3A = arith.constant 624 : i32
    %mul3A_0 = arith.muli %arg1, %mul3A : i32
    %mul3A_1 = arith.constant 10000 : i32
    %mul3A_2 = arith.muli %arg0, %mul3A_1 : i32
    %add3A = arith.addi %mul3A_2, %mul3A_0 : i32
    "tpu.region"() ({
      %run_scoped3A = tpu.sem_alloc : memref<!tpu.dma_semaphore, #tpu.memory_space<semaphore_mem>>
      %dma_start3A = arith.constant 0 : i32
      %dma_start3A_24 = tpu.memref_slice %arg10[%mul3A_0, %dma_start3A] : memref<10000x128xf32, #tpu.memory_space<vmem_shared>> -> memref<624x128xf32, #tpu.memory_space<vmem_shared>>
      %dma_start3A_25 = arith.constant 0 : i32
      %dma_start3A_26 = tpu.memref_slice %arg5[%add3A, %dma_start3A_25] : memref<20000x128xf32, #tpu.memory_space<hbm>> -> memref<624x128xf32, #tpu.memory_space<hbm>>
      tpu.enqueue_dma source(%dma_start3A_26 : memref<624x128xf32, #tpu.memory_space<hbm>>) target(%dma_start3A_24 : memref<624x128xf32, #tpu.memory_space<vmem_shared>>) target_semaphore(%run_scoped3A : memref<!tpu.dma_semaphore, #tpu.memory_space<semaphore_mem>>)
      %dma_wait3A = arith.constant 0 : i32
      %dma_wait3A_27 = tpu.memref_slice %arg10[%mul3A_0, %dma_wait3A] : memref<10000x128xf32, #tpu.memory_space<vmem_shared>> -> memref<624x128xf32, #tpu.memory_space<vmem_shared>>
      %dma_wait3A_28 = arith.constant 0 : i32
      %dma_wait3A_29 = tpu.memref_slice %arg5[%add3A, %dma_wait3A_28] : memref<20000x128xf32, #tpu.memory_space<hbm>> -> memref<624x128xf32, #tpu.memory_space<hbm>>
      tpu.wait_dma2 semaphore(%run_scoped3A : memref<!tpu.dma_semaphore, #tpu.memory_space<semaphore_mem>>) src(%dma_wait3A_29 : memref<624x128xf32, #tpu.memory_space<hbm>>) dst(%dma_wait3A_27 : memref<624x128xf32, #tpu.memory_space<vmem_shared>>)
      tpu.yield
    }) : () -> ()
    %eq3A = arith.constant 0 : i32
    %eq3A_3 = arith.cmpi eq, %arg1, %eq3A : i32
    %convert_element_type3A = arith.extui %eq3A_3 : i1 to i32
    %cond3A = arith.constant 0 : i32
    %cond3A_4 = arith.cmpi ne, %convert_element_type3A, %cond3A : i32
    scf.if %cond3A_4 {
      %mul3A_24 = arith.constant 10000 : i32
      %mul3A_25 = arith.muli %arg0, %mul3A_24 : i32
      %add3A_26 = arith.constant 9984 : i32
      %add3A_27 = arith.addi %mul3A_25, %add3A_26 : i32
      "tpu.region"() ({
        %run_scoped3A = tpu.sem_alloc : memref<!tpu.dma_semaphore, #tpu.memory_space<semaphore_mem>>
        %dma_start3A = arith.constant 9984 : i32
        %dma_start3A_28 = arith.constant 0 : i32
        %dma_start3A_29 = tpu.memref_slice %arg10[%dma_start3A, %dma_start3A_28] : memref<10000x128xf32, #tpu.memory_space<vmem_shared>> -> memref<16x128xf32, #tpu.memory_space<vmem_shared>>
        %dma_start3A_30 = arith.constant 0 : i32
        %dma_start3A_31 = tpu.memref_slice %arg5[%add3A_27, %dma_start3A_30] : memref<20000x128xf32, #tpu.memory_space<hbm>> -> memref<16x128xf32, #tpu.memory_space<hbm>>
        tpu.enqueue_dma source(%dma_start3A_31 : memref<16x128xf32, #tpu.memory_space<hbm>>) target(%dma_start3A_29 : memref<16x128xf32, #tpu.memory_space<vmem_shared>>) target_semaphore(%run_scoped3A : memref<!tpu.dma_semaphore, #tpu.memory_space<semaphore_mem>>)
        %dma_wait3A = arith.constant 9984 : i32
        %dma_wait3A_32 = arith.constant 0 : i32
        %dma_wait3A_33 = tpu.memref_slice %arg10[%dma_wait3A, %dma_wait3A_32] : memref<10000x128xf32, #tpu.memory_space<vmem_shared>> -> memref<16x128xf32, #tpu.memory_space<vmem_shared>>
        %dma_wait3A_34 = arith.constant 0 : i32
        %dma_wait3A_35 = tpu.memref_slice %arg5[%add3A_27, %dma_wait3A_34] : memref<20000x128xf32, #tpu.memory_space<hbm>> -> memref<16x128xf32, #tpu.memory_space<hbm>>
        tpu.wait_dma2 semaphore(%run_scoped3A : memref<!tpu.dma_semaphore, #tpu.memory_space<semaphore_mem>>) src(%dma_wait3A_35 : memref<16x128xf32, #tpu.memory_space<hbm>>) dst(%dma_wait3A_33 : memref<16x128xf32, #tpu.memory_space<vmem_shared>>)
        tpu.yield
      }) : () -> ()
    } else {
    }
    %barrier3A = arith.constant 0 : index
    tpu.barrier barrier_id(%barrier3A)
    %mul3A_5 = arith.constant 160000 : i32
    %mul3A_6 = arith.muli %arg0, %mul3A_5 : i32
    %mul3A_7 = arith.constant 10000 : i32
    %mul3A_8 = arith.muli %arg1, %mul3A_7 : i32
    %add3A_9 = arith.addi %mul3A_6, %mul3A_8 : i32
    %scan3A = arith.constant 0 : i32
    %scan3A_10 = arith.constant 0 : i32
    %scan3A_11 = arith.constant 125 : i32
    %scan3A_12 = arith.addi %scan3A_10, %scan3A_11 : i32
    %scan3A_13 = arith.constant 1 : i32
    scf.for %scan3A_24 = %scan3A_10 to %scan3A_12 step %scan3A_13  : i32 {
      %mul3A_25 = arith.constant 80 : i32
      %mul3A_26 = arith.muli %scan3A_24, %mul3A_25 : i32
      %add3A_27 = arith.addi %add3A_9, %mul3A_26 : i32
      "tpu.region"() ({
        %run_scoped3A = tpu.sem_alloc : memref<!tpu.dma_semaphore, #tpu.memory_space<semaphore_mem>>
        %dma_start3A_34 = tpu.memref_slice %arg3[%add3A_27] : memref<320000xi32, #tpu.memory_space<hbm>> -> memref<80xi32, #tpu.memory_space<hbm>>
        %dma_start3A_35 = tpu.memref_slice %arg3[%add3A_27] : memref<320000xi32, #tpu.memory_space<hbm>> -> memref<80xi32, #tpu.memory_space<hbm>>
        tpu.enqueue_dma source(%dma_start3A_35 : memref<80xi32, #tpu.memory_space<hbm>>) target(%arg7 : memref<80xi32, #tpu.memory_space<vmem>>) target_semaphore(%run_scoped3A : memref<!tpu.dma_semaphore, #tpu.memory_space<semaphore_mem>>)
        %dma_wait3A_36 = tpu.memref_slice %arg3[%add3A_27] : memref<320000xi32, #tpu.memory_space<hbm>> -> memref<80xi32, #tpu.memory_space<hbm>>
        %dma_wait3A_37 = tpu.memref_slice %arg3[%add3A_27] : memref<320000xi32, #tpu.memory_space<hbm>> -> memref<80xi32, #tpu.memory_space<hbm>>
        tpu.wait_dma2 semaphore(%run_scoped3A : memref<!tpu.dma_semaphore, #tpu.memory_space<semaphore_mem>>) src(%dma_wait3A_37 : memref<80xi32, #tpu.memory_space<hbm>>) dst(%arg7 : memref<80xi32, #tpu.memory_space<vmem>>)
        tpu.yield
      }) : () -> ()
      %mul3A_28 = arith.constant 160000 : i32
      %mul3A_29 = arith.muli %arg0, %mul3A_28 : i32
      %sub3A = arith.subi %add3A_27, %mul3A_29 : i32
      "tpu.region"() ({
        %run_scoped3A = tpu.sem_alloc : memref<!tpu.dma_semaphore, #tpu.memory_space<semaphore_mem>>
        %dma_start3A_34 = tpu.memref_slice %arg4[%sub3A] : memref<160000xi32, #tpu.memory_space<hbm>> -> memref<80xi32, #tpu.memory_space<hbm>>
        %dma_start3A_35 = tpu.memref_slice %arg4[%sub3A] : memref<160000xi32, #tpu.memory_space<hbm>> -> memref<80xi32, #tpu.memory_space<hbm>>
        tpu.enqueue_dma source(%dma_start3A_35 : memref<80xi32, #tpu.memory_space<hbm>>) target(%arg8 : memref<80xi32, #tpu.memory_space<vmem>>) target_semaphore(%run_scoped3A : memref<!tpu.dma_semaphore, #tpu.memory_space<semaphore_mem>>)
        %dma_wait3A_36 = tpu.memref_slice %arg4[%sub3A] : memref<160000xi32, #tpu.memory_space<hbm>> -> memref<80xi32, #tpu.memory_space<hbm>>
        %dma_wait3A_37 = tpu.memref_slice %arg4[%sub3A] : memref<160000xi32, #tpu.memory_space<hbm>> -> memref<80xi32, #tpu.memory_space<hbm>>
        tpu.wait_dma2 semaphore(%run_scoped3A : memref<!tpu.dma_semaphore, #tpu.memory_space<semaphore_mem>>) src(%dma_wait3A_37 : memref<80xi32, #tpu.memory_space<hbm>>) dst(%arg8 : memref<80xi32, #tpu.memory_space<vmem>>)
        tpu.yield
      }) : () -> ()
      %dma_start3A = arith.constant 0 : i32
      %dma_start3A_30 = arith.constant 0 : i32
      %dma_start3A_31 = tpu.memref_slice %arg2[%dma_start3A, %dma_start3A_30] : memref<20000x128xf32, #tpu.memory_space<hbm>> -> memref<20000x128xf32, #tpu.memory_space<hbm>>
      tpu.enqueue_indirect_dma source(%dma_start3A_31 : memref<20000x128xf32, #tpu.memory_space<hbm>>) target(%arg9 : memref<80x128xf32, #tpu.memory_space<vmem>>) offsets(%arg7 : memref<80xi32, #tpu.memory_space<vmem>>) semaphore(%arg11 : memref<!tpu.dma_semaphore, #tpu.memory_space<semaphore_mem>>)
      %dma_wait3A = arith.constant 0 : i32
      %dma_wait3A_32 = arith.constant 0 : i32
      %dma_wait3A_33 = tpu.memref_slice %arg2[%dma_wait3A, %dma_wait3A_32] : memref<20000x128xf32, #tpu.memory_space<hbm>> -> memref<20000x128xf32, #tpu.memory_space<hbm>>
      tpu.wait_indirect_dma semaphore(%arg11 : memref<!tpu.dma_semaphore, #tpu.memory_space<semaphore_mem>>) src(%dma_wait3A_33 : memref<20000x128xf32, #tpu.memory_space<hbm>>) dst(%arg9 : memref<80x128xf32, #tpu.memory_space<vmem>>)
      "tpu.region"() ({
        %run_scoped3A = tpu.sem_alloc : memref<!tpu.dma_semaphore, #tpu.memory_space<semaphore_mem>>
        %dma_start3A_34 = arith.constant 0 : i32
        %dma_start3A_35 = arith.constant 0 : i32
        %dma_start3A_36 = tpu.memref_slice %arg10[%dma_start3A_34, %dma_start3A_35] : memref<10000x128xf32, #tpu.memory_space<vmem_shared>> -> memref<10000x128xf32, #tpu.memory_space<vmem_shared>>
        tpu.enqueue_indirect_dma source(%arg9 : memref<80x128xf32, #tpu.memory_space<vmem>>) target(%dma_start3A_36 : memref<10000x128xf32, #tpu.memory_space<vmem_shared>>) offsets(%arg8 : memref<80xi32, #tpu.memory_space<vmem>>) semaphore(%run_scoped3A : memref<!tpu.dma_semaphore, #tpu.memory_space<semaphore_mem>>) {add = true}
        %dma_wait3A_37 = arith.constant 0 : i32
        %dma_wait3A_38 = arith.constant 0 : i32
        %dma_wait3A_39 = tpu.memref_slice %arg10[%dma_wait3A_37, %dma_wait3A_38] : memref<10000x128xf32, #tpu.memory_space<vmem_shared>> -> memref<10000x128xf32, #tpu.memory_space<vmem_shared>>
        tpu.wait_indirect_dma semaphore(%run_scoped3A : memref<!tpu.dma_semaphore, #tpu.memory_space<semaphore_mem>>) src(%arg9 : memref<80x128xf32, #tpu.memory_space<vmem>>) dst(%dma_wait3A_39 : memref<10000x128xf32, #tpu.memory_space<vmem_shared>>)
        tpu.yield
      }) : () -> ()
    }
    %scan3A_14 = arith.constant 125 : i32
    %barrier3A_15 = arith.constant 0 : index
    tpu.barrier barrier_id(%barrier3A_15)
    %mul3A_16 = arith.constant 10000 : i32
    %mul3A_17 = arith.muli %arg0, %mul3A_16 : i32
    %add3A_18 = arith.addi %mul3A_17, %mul3A_0 : i32
    "tpu.region"() ({
      %run_scoped3A = tpu.sem_alloc : memref<!tpu.dma_semaphore, #tpu.memory_space<semaphore_mem>>
      %dma_start3A = arith.constant 0 : i32
      %dma_start3A_24 = tpu.memref_slice %arg6[%add3A_18, %dma_start3A] : memref<20000x128xf32, #tpu.memory_space<hbm>> -> memref<624x128xf32, #tpu.memory_space<hbm>>
      %dma_start3A_25 = arith.constant 0 : i32
      %dma_start3A_26 = tpu.memref_slice %arg10[%mul3A_0, %dma_start3A_25] : memref<10000x128xf32, #tpu.memory_space<vmem_shared>> -> memref<624x128xf32, #tpu.memory_space<vmem_shared>>
      tpu.enqueue_dma source(%dma_start3A_26 : memref<624x128xf32, #tpu.memory_space<vmem_shared>>) target(%dma_start3A_24 : memref<624x128xf32, #tpu.memory_space<hbm>>) target_semaphore(%run_scoped3A : memref<!tpu.dma_semaphore, #tpu.memory_space<semaphore_mem>>)
      %dma_wait3A = arith.constant 0 : i32
      %dma_wait3A_27 = tpu.memref_slice %arg6[%add3A_18, %dma_wait3A] : memref<20000x128xf32, #tpu.memory_space<hbm>> -> memref<624x128xf32, #tpu.memory_space<hbm>>
      %dma_wait3A_28 = arith.constant 0 : i32
      %dma_wait3A_29 = tpu.memref_slice %arg10[%mul3A_0, %dma_wait3A_28] : memref<10000x128xf32, #tpu.memory_space<vmem_shared>> -> memref<624x128xf32, #tpu.memory_space<vmem_shared>>
      tpu.wait_dma2 semaphore(%run_scoped3A : memref<!tpu.dma_semaphore, #tpu.memory_space<semaphore_mem>>) src(%dma_wait3A_29 : memref<624x128xf32, #tpu.memory_space<vmem_shared>>) dst(%dma_wait3A_27 : memref<624x128xf32, #tpu.memory_space<hbm>>)
      tpu.yield
    }) : () -> ()
    %eq3A_19 = arith.constant 0 : i32
    %eq3A_20 = arith.cmpi eq, %arg1, %eq3A_19 : i32
    %convert_element_type3A_21 = arith.extui %eq3A_20 : i1 to i32
    %cond3A_22 = arith.constant 0 : i32
    %cond3A_23 = arith.cmpi ne, %convert_element_type3A_21, %cond3A_22 : i32
    scf.if %cond3A_23 {
      %mul3A_24 = arith.constant 10000 : i32
      %mul3A_25 = arith.muli %arg0, %mul3A_24 : i32
      %add3A_26 = arith.constant 9984 : i32
      %add3A_27 = arith.addi %mul3A_25, %add3A_26 : i32
      "tpu.region"() ({
        %run_scoped3A = tpu.sem_alloc : memref<!tpu.dma_semaphore, #tpu.memory_space<semaphore_mem>>
        %dma_start3A = arith.constant 0 : i32
        %dma_start3A_28 = tpu.memref_slice %arg6[%add3A_27, %dma_start3A] : memref<20000x128xf32, #tpu.memory_space<hbm>> -> memref<16x128xf32, #tpu.memory_space<hbm>>
        %dma_start3A_29 = arith.constant 9984 : i32
        %dma_start3A_30 = arith.constant 0 : i32
        %dma_start3A_31 = tpu.memref_slice %arg10[%dma_start3A_29, %dma_start3A_30] : memref<10000x128xf32, #tpu.memory_space<vmem_shared>> -> memref<16x128xf32, #tpu.memory_space<vmem_shared>>
        tpu.enqueue_dma source(%dma_start3A_31 : memref<16x128xf32, #tpu.memory_space<vmem_shared>>) target(%dma_start3A_28 : memref<16x128xf32, #tpu.memory_space<hbm>>) target_semaphore(%run_scoped3A : memref<!tpu.dma_semaphore, #tpu.memory_space<semaphore_mem>>)
        %dma_wait3A = arith.constant 0 : i32
        %dma_wait3A_32 = tpu.memref_slice %arg6[%add3A_27, %dma_wait3A] : memref<20000x128xf32, #tpu.memory_space<hbm>> -> memref<16x128xf32, #tpu.memory_space<hbm>>
        %dma_wait3A_33 = arith.constant 9984 : i32
        %dma_wait3A_34 = arith.constant 0 : i32
        %dma_wait3A_35 = tpu.memref_slice %arg10[%dma_wait3A_33, %dma_wait3A_34] : memref<10000x128xf32, #tpu.memory_space<vmem_shared>> -> memref<16x128xf32, #tpu.memory_space<vmem_shared>>
        tpu.wait_dma2 semaphore(%run_scoped3A : memref<!tpu.dma_semaphore, #tpu.memory_space<semaphore_mem>>) src(%dma_wait3A_35 : memref<16x128xf32, #tpu.memory_space<vmem_shared>>) dst(%dma_wait3A_32 : memref<16x128xf32, #tpu.memory_space<hbm>>)
        tpu.yield
      }) : () -> ()
    } else {
    }
    return
  }
}

#map = affine_map<(d0, d1) -> (0, 0)>
#map1 = affine_map<(d0, d1) -> (0)>
module attributes {stable_mosaic.version = 14 : i64} {
  func.func @kern(%arg0: i32, %arg1: i32, %arg2: memref<32x128xf32, #tpu.memory_space<hbm>>, %arg3: memref<160000xi32, #tpu.memory_space<hbm>>, %arg4: memref<160000xi32, #tpu.memory_space<hbm>>, %arg5: memref<20000x128xf32, #tpu.memory_space<hbm>>, %arg6: memref<20000x128xf32, #tpu.memory_space<hbm>>, %arg7: memref<40xi32, #tpu.memory_space<vmem>>, %arg8: memref<40xi32, #tpu.memory_space<vmem>>, %arg9: memref<40x128xf32, #tpu.memory_space<vmem>>, %arg10: memref<10000x128xf32, #tpu.memory_space<vmem_shared>>, %arg11: memref<!tpu.dma_semaphore, #tpu.memory_space<semaphore_mem>>) attributes {dimension_semantics = [#tpu.dimension_semantics<core_parallel>, #tpu.dimension_semantics<subcore_parallel>], iteration_bounds = array<i64: 2, 16>, scalar_prefetch = 0 : i64, scratch_operands = 5 : i64, tpu.core_type = #tpu.core_type<sc_vector_subcore>, window_params = [{transform_indices = #map}, {transform_indices = #map1}, {transform_indices = #map1}, {transform_indices = #map}, {transform_indices = #map}]} {
    %mul3A = arith.constant 624 : i32
    %mul3A_0 = arith.muli %arg1, %mul3A : i32
    %mul3A_1 = arith.constant 10000 : i32
    %mul3A_2 = arith.muli %arg0, %mul3A_1 : i32
    %add3A = arith.addi %mul3A_2, %mul3A_0 : i32
    "tpu.region"() ({
      %run_scoped3A = tpu.sem_alloc : memref<!tpu.dma_semaphore, #tpu.memory_space<semaphore_mem>>
      %dma_start3A = arith.constant 0 : i32
      %dma_start3A_24 = tpu.memref_slice %arg10[%mul3A_0, %dma_start3A] : memref<10000x128xf32, #tpu.memory_space<vmem_shared>> -> memref<624x128xf32, #tpu.memory_space<vmem_shared>>
      %dma_start3A_25 = arith.constant 0 : i32
      %dma_start3A_26 = tpu.memref_slice %arg5[%add3A, %dma_start3A_25] : memref<20000x128xf32, #tpu.memory_space<hbm>> -> memref<624x128xf32, #tpu.memory_space<hbm>>
      tpu.enqueue_dma source(%dma_start3A_26 : memref<624x128xf32, #tpu.memory_space<hbm>>) target(%dma_start3A_24 : memref<624x128xf32, #tpu.memory_space<vmem_shared>>) target_semaphore(%run_scoped3A : memref<!tpu.dma_semaphore, #tpu.memory_space<semaphore_mem>>)
      %dma_wait3A = arith.constant 0 : i32
      %dma_wait3A_27 = tpu.memref_slice %arg10[%mul3A_0, %dma_wait3A] : memref<10000x128xf32, #tpu.memory_space<vmem_shared>> -> memref<624x128xf32, #tpu.memory_space<vmem_shared>>
      %dma_wait3A_28 = arith.constant 0 : i32
      %dma_wait3A_29 = tpu.memref_slice %arg5[%add3A, %dma_wait3A_28] : memref<20000x128xf32, #tpu.memory_space<hbm>> -> memref<624x128xf32, #tpu.memory_space<hbm>>
      tpu.wait_dma2 semaphore(%run_scoped3A : memref<!tpu.dma_semaphore, #tpu.memory_space<semaphore_mem>>) src(%dma_wait3A_29 : memref<624x128xf32, #tpu.memory_space<hbm>>) dst(%dma_wait3A_27 : memref<624x128xf32, #tpu.memory_space<vmem_shared>>)
      tpu.yield
    }) : () -> ()
    %eq3A = arith.constant 0 : i32
    %eq3A_3 = arith.cmpi eq, %arg1, %eq3A : i32
    %convert_element_type3A = arith.extui %eq3A_3 : i1 to i32
    %cond3A = arith.constant 0 : i32
    %cond3A_4 = arith.cmpi ne, %convert_element_type3A, %cond3A : i32
    scf.if %cond3A_4 {
      %mul3A_24 = arith.constant 10000 : i32
      %mul3A_25 = arith.muli %arg0, %mul3A_24 : i32
      %add3A_26 = arith.constant 9984 : i32
      %add3A_27 = arith.addi %mul3A_25, %add3A_26 : i32
      "tpu.region"() ({
        %run_scoped3A = tpu.sem_alloc : memref<!tpu.dma_semaphore, #tpu.memory_space<semaphore_mem>>
        %dma_start3A = arith.constant 9984 : i32
        %dma_start3A_28 = arith.constant 0 : i32
        %dma_start3A_29 = tpu.memref_slice %arg10[%dma_start3A, %dma_start3A_28] : memref<10000x128xf32, #tpu.memory_space<vmem_shared>> -> memref<16x128xf32, #tpu.memory_space<vmem_shared>>
        %dma_start3A_30 = arith.constant 0 : i32
        %dma_start3A_31 = tpu.memref_slice %arg5[%add3A_27, %dma_start3A_30] : memref<20000x128xf32, #tpu.memory_space<hbm>> -> memref<16x128xf32, #tpu.memory_space<hbm>>
        tpu.enqueue_dma source(%dma_start3A_31 : memref<16x128xf32, #tpu.memory_space<hbm>>) target(%dma_start3A_29 : memref<16x128xf32, #tpu.memory_space<vmem_shared>>) target_semaphore(%run_scoped3A : memref<!tpu.dma_semaphore, #tpu.memory_space<semaphore_mem>>)
        %dma_wait3A = arith.constant 9984 : i32
        %dma_wait3A_32 = arith.constant 0 : i32
        %dma_wait3A_33 = tpu.memref_slice %arg10[%dma_wait3A, %dma_wait3A_32] : memref<10000x128xf32, #tpu.memory_space<vmem_shared>> -> memref<16x128xf32, #tpu.memory_space<vmem_shared>>
        %dma_wait3A_34 = arith.constant 0 : i32
        %dma_wait3A_35 = tpu.memref_slice %arg5[%add3A_27, %dma_wait3A_34] : memref<20000x128xf32, #tpu.memory_space<hbm>> -> memref<16x128xf32, #tpu.memory_space<hbm>>
        tpu.wait_dma2 semaphore(%run_scoped3A : memref<!tpu.dma_semaphore, #tpu.memory_space<semaphore_mem>>) src(%dma_wait3A_35 : memref<16x128xf32, #tpu.memory_space<hbm>>) dst(%dma_wait3A_33 : memref<16x128xf32, #tpu.memory_space<vmem_shared>>)
        tpu.yield
      }) : () -> ()
    } else {
    }
    %barrier3A = arith.constant 0 : index
    tpu.barrier barrier_id(%barrier3A)
    %mul3A_5 = arith.constant 16 : i32
    %mul3A_6 = arith.muli %arg0, %mul3A_5 : i32
    %add3A_7 = arith.addi %mul3A_6, %arg1 : i32
    %mul3A_8 = arith.constant 5000 : i32
    %mul3A_9 = arith.muli %add3A_7, %mul3A_8 : i32
    %scan3A = arith.constant 0 : i32
    %scan3A_10 = arith.constant 0 : i32
    %scan3A_11 = arith.constant 125 : i32
    %scan3A_12 = arith.addi %scan3A_10, %scan3A_11 : i32
    %scan3A_13 = arith.constant 1 : i32
    scf.for %scan3A_24 = %scan3A_10 to %scan3A_12 step %scan3A_13  : i32 {
      %mul3A_25 = arith.constant 40 : i32
      %mul3A_26 = arith.muli %scan3A_24, %mul3A_25 : i32
      %add3A_27 = arith.addi %mul3A_9, %mul3A_26 : i32
      "tpu.region"() ({
        %run_scoped3A = tpu.sem_alloc : memref<!tpu.dma_semaphore, #tpu.memory_space<semaphore_mem>>
        %dma_start3A_32 = tpu.memref_slice %arg3[%add3A_27] : memref<160000xi32, #tpu.memory_space<hbm>> -> memref<40xi32, #tpu.memory_space<hbm>>
        %dma_start3A_33 = tpu.memref_slice %arg3[%add3A_27] : memref<160000xi32, #tpu.memory_space<hbm>> -> memref<40xi32, #tpu.memory_space<hbm>>
        tpu.enqueue_dma source(%dma_start3A_33 : memref<40xi32, #tpu.memory_space<hbm>>) target(%arg7 : memref<40xi32, #tpu.memory_space<vmem>>) target_semaphore(%run_scoped3A : memref<!tpu.dma_semaphore, #tpu.memory_space<semaphore_mem>>)
        %dma_wait3A_34 = tpu.memref_slice %arg3[%add3A_27] : memref<160000xi32, #tpu.memory_space<hbm>> -> memref<40xi32, #tpu.memory_space<hbm>>
        %dma_wait3A_35 = tpu.memref_slice %arg3[%add3A_27] : memref<160000xi32, #tpu.memory_space<hbm>> -> memref<40xi32, #tpu.memory_space<hbm>>
        tpu.wait_dma2 semaphore(%run_scoped3A : memref<!tpu.dma_semaphore, #tpu.memory_space<semaphore_mem>>) src(%dma_wait3A_35 : memref<40xi32, #tpu.memory_space<hbm>>) dst(%arg7 : memref<40xi32, #tpu.memory_space<vmem>>)
        tpu.yield
      }) : () -> ()
      "tpu.region"() ({
        %run_scoped3A = tpu.sem_alloc : memref<!tpu.dma_semaphore, #tpu.memory_space<semaphore_mem>>
        %dma_start3A_32 = tpu.memref_slice %arg4[%add3A_27] : memref<160000xi32, #tpu.memory_space<hbm>> -> memref<40xi32, #tpu.memory_space<hbm>>
        %dma_start3A_33 = tpu.memref_slice %arg4[%add3A_27] : memref<160000xi32, #tpu.memory_space<hbm>> -> memref<40xi32, #tpu.memory_space<hbm>>
        tpu.enqueue_dma source(%dma_start3A_33 : memref<40xi32, #tpu.memory_space<hbm>>) target(%arg8 : memref<40xi32, #tpu.memory_space<vmem>>) target_semaphore(%run_scoped3A : memref<!tpu.dma_semaphore, #tpu.memory_space<semaphore_mem>>)
        %dma_wait3A_34 = tpu.memref_slice %arg4[%add3A_27] : memref<160000xi32, #tpu.memory_space<hbm>> -> memref<40xi32, #tpu.memory_space<hbm>>
        %dma_wait3A_35 = tpu.memref_slice %arg4[%add3A_27] : memref<160000xi32, #tpu.memory_space<hbm>> -> memref<40xi32, #tpu.memory_space<hbm>>
        tpu.wait_dma2 semaphore(%run_scoped3A : memref<!tpu.dma_semaphore, #tpu.memory_space<semaphore_mem>>) src(%dma_wait3A_35 : memref<40xi32, #tpu.memory_space<hbm>>) dst(%arg8 : memref<40xi32, #tpu.memory_space<vmem>>)
        tpu.yield
      }) : () -> ()
      %dma_start3A = arith.constant 0 : i32
      %dma_start3A_28 = arith.constant 0 : i32
      %dma_start3A_29 = tpu.memref_slice %arg2[%dma_start3A, %dma_start3A_28] : memref<32x128xf32, #tpu.memory_space<hbm>> -> memref<32x128xf32, #tpu.memory_space<hbm>>
      tpu.enqueue_indirect_dma source(%dma_start3A_29 : memref<32x128xf32, #tpu.memory_space<hbm>>) target(%arg9 : memref<40x128xf32, #tpu.memory_space<vmem>>) offsets(%arg7 : memref<40xi32, #tpu.memory_space<vmem>>) semaphore(%arg11 : memref<!tpu.dma_semaphore, #tpu.memory_space<semaphore_mem>>)
      %dma_wait3A = arith.constant 0 : i32
      %dma_wait3A_30 = arith.constant 0 : i32
      %dma_wait3A_31 = tpu.memref_slice %arg2[%dma_wait3A, %dma_wait3A_30] : memref<32x128xf32, #tpu.memory_space<hbm>> -> memref<32x128xf32, #tpu.memory_space<hbm>>
      tpu.wait_indirect_dma semaphore(%arg11 : memref<!tpu.dma_semaphore, #tpu.memory_space<semaphore_mem>>) src(%dma_wait3A_31 : memref<32x128xf32, #tpu.memory_space<hbm>>) dst(%arg9 : memref<40x128xf32, #tpu.memory_space<vmem>>)
      "tpu.region"() ({
        %run_scoped3A = tpu.sem_alloc : memref<!tpu.dma_semaphore, #tpu.memory_space<semaphore_mem>>
        %dma_start3A_32 = arith.constant 0 : i32
        %dma_start3A_33 = arith.constant 0 : i32
        %dma_start3A_34 = tpu.memref_slice %arg10[%dma_start3A_32, %dma_start3A_33] : memref<10000x128xf32, #tpu.memory_space<vmem_shared>> -> memref<10000x128xf32, #tpu.memory_space<vmem_shared>>
        tpu.enqueue_indirect_dma source(%arg9 : memref<40x128xf32, #tpu.memory_space<vmem>>) target(%dma_start3A_34 : memref<10000x128xf32, #tpu.memory_space<vmem_shared>>) offsets(%arg8 : memref<40xi32, #tpu.memory_space<vmem>>) semaphore(%run_scoped3A : memref<!tpu.dma_semaphore, #tpu.memory_space<semaphore_mem>>) {add = true}
        %dma_wait3A_35 = arith.constant 0 : i32
        %dma_wait3A_36 = arith.constant 0 : i32
        %dma_wait3A_37 = tpu.memref_slice %arg10[%dma_wait3A_35, %dma_wait3A_36] : memref<10000x128xf32, #tpu.memory_space<vmem_shared>> -> memref<10000x128xf32, #tpu.memory_space<vmem_shared>>
        tpu.wait_indirect_dma semaphore(%run_scoped3A : memref<!tpu.dma_semaphore, #tpu.memory_space<semaphore_mem>>) src(%arg9 : memref<40x128xf32, #tpu.memory_space<vmem>>) dst(%dma_wait3A_37 : memref<10000x128xf32, #tpu.memory_space<vmem_shared>>)
        tpu.yield
      }) : () -> ()
    }
    %scan3A_14 = arith.constant 125 : i32
    %barrier3A_15 = arith.constant 0 : index
    tpu.barrier barrier_id(%barrier3A_15)
    %mul3A_16 = arith.constant 10000 : i32
    %mul3A_17 = arith.muli %arg0, %mul3A_16 : i32
    %add3A_18 = arith.addi %mul3A_17, %mul3A_0 : i32
    "tpu.region"() ({
      %run_scoped3A = tpu.sem_alloc : memref<!tpu.dma_semaphore, #tpu.memory_space<semaphore_mem>>
      %dma_start3A = arith.constant 0 : i32
      %dma_start3A_24 = tpu.memref_slice %arg6[%add3A_18, %dma_start3A] : memref<20000x128xf32, #tpu.memory_space<hbm>> -> memref<624x128xf32, #tpu.memory_space<hbm>>
      %dma_start3A_25 = arith.constant 0 : i32
      %dma_start3A_26 = tpu.memref_slice %arg10[%mul3A_0, %dma_start3A_25] : memref<10000x128xf32, #tpu.memory_space<vmem_shared>> -> memref<624x128xf32, #tpu.memory_space<vmem_shared>>
      tpu.enqueue_dma source(%dma_start3A_26 : memref<624x128xf32, #tpu.memory_space<vmem_shared>>) target(%dma_start3A_24 : memref<624x128xf32, #tpu.memory_space<hbm>>) target_semaphore(%run_scoped3A : memref<!tpu.dma_semaphore, #tpu.memory_space<semaphore_mem>>)
      %dma_wait3A = arith.constant 0 : i32
      %dma_wait3A_27 = tpu.memref_slice %arg6[%add3A_18, %dma_wait3A] : memref<20000x128xf32, #tpu.memory_space<hbm>> -> memref<624x128xf32, #tpu.memory_space<hbm>>
      %dma_wait3A_28 = arith.constant 0 : i32
      %dma_wait3A_29 = tpu.memref_slice %arg10[%mul3A_0, %dma_wait3A_28] : memref<10000x128xf32, #tpu.memory_space<vmem_shared>> -> memref<624x128xf32, #tpu.memory_space<vmem_shared>>
      tpu.wait_dma2 semaphore(%run_scoped3A : memref<!tpu.dma_semaphore, #tpu.memory_space<semaphore_mem>>) src(%dma_wait3A_29 : memref<624x128xf32, #tpu.memory_space<vmem_shared>>) dst(%dma_wait3A_27 : memref<624x128xf32, #tpu.memory_space<hbm>>)
      tpu.yield
    }) : () -> ()
    %eq3A_19 = arith.constant 0 : i32
    %eq3A_20 = arith.cmpi eq, %arg1, %eq3A_19 : i32
    %convert_element_type3A_21 = arith.extui %eq3A_20 : i1 to i32
    %cond3A_22 = arith.constant 0 : i32
    %cond3A_23 = arith.cmpi ne, %convert_element_type3A_21, %cond3A_22 : i32
    scf.if %cond3A_23 {
      %mul3A_24 = arith.constant 10000 : i32
      %mul3A_25 = arith.muli %arg0, %mul3A_24 : i32
      %add3A_26 = arith.constant 9984 : i32
      %add3A_27 = arith.addi %mul3A_25, %add3A_26 : i32
      "tpu.region"() ({
        %run_scoped3A = tpu.sem_alloc : memref<!tpu.dma_semaphore, #tpu.memory_space<semaphore_mem>>
        %dma_start3A = arith.constant 0 : i32
        %dma_start3A_28 = tpu.memref_slice %arg6[%add3A_27, %dma_start3A] : memref<20000x128xf32, #tpu.memory_space<hbm>> -> memref<16x128xf32, #tpu.memory_space<hbm>>
        %dma_start3A_29 = arith.constant 9984 : i32
        %dma_start3A_30 = arith.constant 0 : i32
        %dma_start3A_31 = tpu.memref_slice %arg10[%dma_start3A_29, %dma_start3A_30] : memref<10000x128xf32, #tpu.memory_space<vmem_shared>> -> memref<16x128xf32, #tpu.memory_space<vmem_shared>>
        tpu.enqueue_dma source(%dma_start3A_31 : memref<16x128xf32, #tpu.memory_space<vmem_shared>>) target(%dma_start3A_28 : memref<16x128xf32, #tpu.memory_space<hbm>>) target_semaphore(%run_scoped3A : memref<!tpu.dma_semaphore, #tpu.memory_space<semaphore_mem>>)
        %dma_wait3A = arith.constant 0 : i32
        %dma_wait3A_32 = tpu.memref_slice %arg6[%add3A_27, %dma_wait3A] : memref<20000x128xf32, #tpu.memory_space<hbm>> -> memref<16x128xf32, #tpu.memory_space<hbm>>
        %dma_wait3A_33 = arith.constant 9984 : i32
        %dma_wait3A_34 = arith.constant 0 : i32
        %dma_wait3A_35 = tpu.memref_slice %arg10[%dma_wait3A_33, %dma_wait3A_34] : memref<10000x128xf32, #tpu.memory_space<vmem_shared>> -> memref<16x128xf32, #tpu.memory_space<vmem_shared>>
        tpu.wait_dma2 semaphore(%run_scoped3A : memref<!tpu.dma_semaphore, #tpu.memory_space<semaphore_mem>>) src(%dma_wait3A_35 : memref<16x128xf32, #tpu.memory_space<vmem_shared>>) dst(%dma_wait3A_32 : memref<16x128xf32, #tpu.memory_space<hbm>>)
        tpu.yield
      }) : () -> ()
    } else {
    }
    return
  }
}

#map = affine_map<(d0, d1) -> (0, 0)>
#map1 = affine_map<(d0, d1) -> (0)>
module attributes {stable_mosaic.version = 14 : i64} {
  func.func @kern(%arg0: i32, %arg1: i32, %arg2: memref<20000x128xf32, #tpu.memory_space<hbm>>, %arg3: memref<320000xi32, #tpu.memory_space<hbm>>, %arg4: memref<160000xi32, #tpu.memory_space<hbm>>, %arg5: memref<20000x128xf32, #tpu.memory_space<hbm>>, %arg6: memref<20000x128xf32, #tpu.memory_space<hbm>>, %arg7: memref<80xi32, #tpu.memory_space<vmem>>, %arg8: memref<80xi32, #tpu.memory_space<vmem>>, %arg9: memref<80x128xf32, #tpu.memory_space<vmem>>, %arg10: memref<10000x128xf32, #tpu.memory_space<vmem_shared>>, %arg11: memref<!tpu.dma_semaphore, #tpu.memory_space<semaphore_mem>>) attributes {dimension_semantics = [#tpu.dimension_semantics<core_parallel>, #tpu.dimension_semantics<subcore_parallel>], iteration_bounds = array<i64: 2, 16>, scalar_prefetch = 0 : i64, scratch_operands = 5 : i64, tpu.core_type = #tpu.core_type<sc_vector_subcore>, window_params = [{transform_indices = #map}, {transform_indices = #map1}, {transform_indices = #map1}, {transform_indices = #map}, {transform_indices = #map}]} {
    %mul3A = arith.constant 624 : i32
    %mul3A_0 = arith.muli %arg1, %mul3A : i32
    %mul3A_1 = arith.constant 10000 : i32
    %mul3A_2 = arith.muli %arg0, %mul3A_1 : i32
    %add3A = arith.addi %mul3A_2, %mul3A_0 : i32
    "tpu.region"() ({
      %run_scoped3A = tpu.sem_alloc : memref<!tpu.dma_semaphore, #tpu.memory_space<semaphore_mem>>
      %dma_start3A = arith.constant 0 : i32
      %dma_start3A_24 = tpu.memref_slice %arg10[%mul3A_0, %dma_start3A] : memref<10000x128xf32, #tpu.memory_space<vmem_shared>> -> memref<624x128xf32, #tpu.memory_space<vmem_shared>>
      %dma_start3A_25 = arith.constant 0 : i32
      %dma_start3A_26 = tpu.memref_slice %arg5[%add3A, %dma_start3A_25] : memref<20000x128xf32, #tpu.memory_space<hbm>> -> memref<624x128xf32, #tpu.memory_space<hbm>>
      tpu.enqueue_dma source(%dma_start3A_26 : memref<624x128xf32, #tpu.memory_space<hbm>>) target(%dma_start3A_24 : memref<624x128xf32, #tpu.memory_space<vmem_shared>>) target_semaphore(%run_scoped3A : memref<!tpu.dma_semaphore, #tpu.memory_space<semaphore_mem>>)
      %dma_wait3A = arith.constant 0 : i32
      %dma_wait3A_27 = tpu.memref_slice %arg10[%mul3A_0, %dma_wait3A] : memref<10000x128xf32, #tpu.memory_space<vmem_shared>> -> memref<624x128xf32, #tpu.memory_space<vmem_shared>>
      %dma_wait3A_28 = arith.constant 0 : i32
      %dma_wait3A_29 = tpu.memref_slice %arg5[%add3A, %dma_wait3A_28] : memref<20000x128xf32, #tpu.memory_space<hbm>> -> memref<624x128xf32, #tpu.memory_space<hbm>>
      tpu.wait_dma2 semaphore(%run_scoped3A : memref<!tpu.dma_semaphore, #tpu.memory_space<semaphore_mem>>) src(%dma_wait3A_29 : memref<624x128xf32, #tpu.memory_space<hbm>>) dst(%dma_wait3A_27 : memref<624x128xf32, #tpu.memory_space<vmem_shared>>)
      tpu.yield
    }) : () -> ()
    %eq3A = arith.constant 0 : i32
    %eq3A_3 = arith.cmpi eq, %arg1, %eq3A : i32
    %convert_element_type3A = arith.extui %eq3A_3 : i1 to i32
    %cond3A = arith.constant 0 : i32
    %cond3A_4 = arith.cmpi ne, %convert_element_type3A, %cond3A : i32
    scf.if %cond3A_4 {
      %mul3A_24 = arith.constant 10000 : i32
      %mul3A_25 = arith.muli %arg0, %mul3A_24 : i32
      %add3A_26 = arith.constant 9984 : i32
      %add3A_27 = arith.addi %mul3A_25, %add3A_26 : i32
      "tpu.region"() ({
        %run_scoped3A = tpu.sem_alloc : memref<!tpu.dma_semaphore, #tpu.memory_space<semaphore_mem>>
        %dma_start3A = arith.constant 9984 : i32
        %dma_start3A_28 = arith.constant 0 : i32
        %dma_start3A_29 = tpu.memref_slice %arg10[%dma_start3A, %dma_start3A_28] : memref<10000x128xf32, #tpu.memory_space<vmem_shared>> -> memref<16x128xf32, #tpu.memory_space<vmem_shared>>
        %dma_start3A_30 = arith.constant 0 : i32
        %dma_start3A_31 = tpu.memref_slice %arg5[%add3A_27, %dma_start3A_30] : memref<20000x128xf32, #tpu.memory_space<hbm>> -> memref<16x128xf32, #tpu.memory_space<hbm>>
        tpu.enqueue_dma source(%dma_start3A_31 : memref<16x128xf32, #tpu.memory_space<hbm>>) target(%dma_start3A_29 : memref<16x128xf32, #tpu.memory_space<vmem_shared>>) target_semaphore(%run_scoped3A : memref<!tpu.dma_semaphore, #tpu.memory_space<semaphore_mem>>)
        %dma_wait3A = arith.constant 9984 : i32
        %dma_wait3A_32 = arith.constant 0 : i32
        %dma_wait3A_33 = tpu.memref_slice %arg10[%dma_wait3A, %dma_wait3A_32] : memref<10000x128xf32, #tpu.memory_space<vmem_shared>> -> memref<16x128xf32, #tpu.memory_space<vmem_shared>>
        %dma_wait3A_34 = arith.constant 0 : i32
        %dma_wait3A_35 = tpu.memref_slice %arg5[%add3A_27, %dma_wait3A_34] : memref<20000x128xf32, #tpu.memory_space<hbm>> -> memref<16x128xf32, #tpu.memory_space<hbm>>
        tpu.wait_dma2 semaphore(%run_scoped3A : memref<!tpu.dma_semaphore, #tpu.memory_space<semaphore_mem>>) src(%dma_wait3A_35 : memref<16x128xf32, #tpu.memory_space<hbm>>) dst(%dma_wait3A_33 : memref<16x128xf32, #tpu.memory_space<vmem_shared>>)
        tpu.yield
      }) : () -> ()
    } else {
    }
    %barrier3A = arith.constant 0 : index
    tpu.barrier barrier_id(%barrier3A)
    %mul3A_5 = arith.constant 160000 : i32
    %mul3A_6 = arith.muli %arg0, %mul3A_5 : i32
    %mul3A_7 = arith.constant 10000 : i32
    %mul3A_8 = arith.muli %arg1, %mul3A_7 : i32
    %add3A_9 = arith.addi %mul3A_6, %mul3A_8 : i32
    %scan3A = arith.constant 0 : i32
    %scan3A_10 = arith.constant 0 : i32
    %scan3A_11 = arith.constant 125 : i32
    %scan3A_12 = arith.addi %scan3A_10, %scan3A_11 : i32
    %scan3A_13 = arith.constant 1 : i32
    scf.for %scan3A_24 = %scan3A_10 to %scan3A_12 step %scan3A_13  : i32 {
      %mul3A_25 = arith.constant 80 : i32
      %mul3A_26 = arith.muli %scan3A_24, %mul3A_25 : i32
      %add3A_27 = arith.addi %add3A_9, %mul3A_26 : i32
      "tpu.region"() ({
        %run_scoped3A = tpu.sem_alloc : memref<!tpu.dma_semaphore, #tpu.memory_space<semaphore_mem>>
        %dma_start3A_34 = tpu.memref_slice %arg3[%add3A_27] : memref<320000xi32, #tpu.memory_space<hbm>> -> memref<80xi32, #tpu.memory_space<hbm>>
        %dma_start3A_35 = tpu.memref_slice %arg3[%add3A_27] : memref<320000xi32, #tpu.memory_space<hbm>> -> memref<80xi32, #tpu.memory_space<hbm>>
        tpu.enqueue_dma source(%dma_start3A_35 : memref<80xi32, #tpu.memory_space<hbm>>) target(%arg7 : memref<80xi32, #tpu.memory_space<vmem>>) target_semaphore(%run_scoped3A : memref<!tpu.dma_semaphore, #tpu.memory_space<semaphore_mem>>)
        %dma_wait3A_36 = tpu.memref_slice %arg3[%add3A_27] : memref<320000xi32, #tpu.memory_space<hbm>> -> memref<80xi32, #tpu.memory_space<hbm>>
        %dma_wait3A_37 = tpu.memref_slice %arg3[%add3A_27] : memref<320000xi32, #tpu.memory_space<hbm>> -> memref<80xi32, #tpu.memory_space<hbm>>
        tpu.wait_dma2 semaphore(%run_scoped3A : memref<!tpu.dma_semaphore, #tpu.memory_space<semaphore_mem>>) src(%dma_wait3A_37 : memref<80xi32, #tpu.memory_space<hbm>>) dst(%arg7 : memref<80xi32, #tpu.memory_space<vmem>>)
        tpu.yield
      }) : () -> ()
      %mul3A_28 = arith.constant 160000 : i32
      %mul3A_29 = arith.muli %arg0, %mul3A_28 : i32
      %sub3A = arith.subi %add3A_27, %mul3A_29 : i32
      "tpu.region"() ({
        %run_scoped3A = tpu.sem_alloc : memref<!tpu.dma_semaphore, #tpu.memory_space<semaphore_mem>>
        %dma_start3A_34 = tpu.memref_slice %arg4[%sub3A] : memref<160000xi32, #tpu.memory_space<hbm>> -> memref<80xi32, #tpu.memory_space<hbm>>
        %dma_start3A_35 = tpu.memref_slice %arg4[%sub3A] : memref<160000xi32, #tpu.memory_space<hbm>> -> memref<80xi32, #tpu.memory_space<hbm>>
        tpu.enqueue_dma source(%dma_start3A_35 : memref<80xi32, #tpu.memory_space<hbm>>) target(%arg8 : memref<80xi32, #tpu.memory_space<vmem>>) target_semaphore(%run_scoped3A : memref<!tpu.dma_semaphore, #tpu.memory_space<semaphore_mem>>)
        %dma_wait3A_36 = tpu.memref_slice %arg4[%sub3A] : memref<160000xi32, #tpu.memory_space<hbm>> -> memref<80xi32, #tpu.memory_space<hbm>>
        %dma_wait3A_37 = tpu.memref_slice %arg4[%sub3A] : memref<160000xi32, #tpu.memory_space<hbm>> -> memref<80xi32, #tpu.memory_space<hbm>>
        tpu.wait_dma2 semaphore(%run_scoped3A : memref<!tpu.dma_semaphore, #tpu.memory_space<semaphore_mem>>) src(%dma_wait3A_37 : memref<80xi32, #tpu.memory_space<hbm>>) dst(%arg8 : memref<80xi32, #tpu.memory_space<vmem>>)
        tpu.yield
      }) : () -> ()
      %dma_start3A = arith.constant 0 : i32
      %dma_start3A_30 = arith.constant 0 : i32
      %dma_start3A_31 = tpu.memref_slice %arg2[%dma_start3A, %dma_start3A_30] : memref<20000x128xf32, #tpu.memory_space<hbm>> -> memref<20000x128xf32, #tpu.memory_space<hbm>>
      tpu.enqueue_indirect_dma source(%dma_start3A_31 : memref<20000x128xf32, #tpu.memory_space<hbm>>) target(%arg9 : memref<80x128xf32, #tpu.memory_space<vmem>>) offsets(%arg7 : memref<80xi32, #tpu.memory_space<vmem>>) semaphore(%arg11 : memref<!tpu.dma_semaphore, #tpu.memory_space<semaphore_mem>>)
      %dma_wait3A = arith.constant 0 : i32
      %dma_wait3A_32 = arith.constant 0 : i32
      %dma_wait3A_33 = tpu.memref_slice %arg2[%dma_wait3A, %dma_wait3A_32] : memref<20000x128xf32, #tpu.memory_space<hbm>> -> memref<20000x128xf32, #tpu.memory_space<hbm>>
      tpu.wait_indirect_dma semaphore(%arg11 : memref<!tpu.dma_semaphore, #tpu.memory_space<semaphore_mem>>) src(%dma_wait3A_33 : memref<20000x128xf32, #tpu.memory_space<hbm>>) dst(%arg9 : memref<80x128xf32, #tpu.memory_space<vmem>>)
      "tpu.region"() ({
        %run_scoped3A = tpu.sem_alloc : memref<!tpu.dma_semaphore, #tpu.memory_space<semaphore_mem>>
        %dma_start3A_34 = arith.constant 0 : i32
        %dma_start3A_35 = arith.constant 0 : i32
        %dma_start3A_36 = tpu.memref_slice %arg10[%dma_start3A_34, %dma_start3A_35] : memref<10000x128xf32, #tpu.memory_space<vmem_shared>> -> memref<10000x128xf32, #tpu.memory_space<vmem_shared>>
        tpu.enqueue_indirect_dma source(%arg9 : memref<80x128xf32, #tpu.memory_space<vmem>>) target(%dma_start3A_36 : memref<10000x128xf32, #tpu.memory_space<vmem_shared>>) offsets(%arg8 : memref<80xi32, #tpu.memory_space<vmem>>) semaphore(%run_scoped3A : memref<!tpu.dma_semaphore, #tpu.memory_space<semaphore_mem>>) {add = true}
        %dma_wait3A_37 = arith.constant 0 : i32
        %dma_wait3A_38 = arith.constant 0 : i32
        %dma_wait3A_39 = tpu.memref_slice %arg10[%dma_wait3A_37, %dma_wait3A_38] : memref<10000x128xf32, #tpu.memory_space<vmem_shared>> -> memref<10000x128xf32, #tpu.memory_space<vmem_shared>>
        tpu.wait_indirect_dma semaphore(%run_scoped3A : memref<!tpu.dma_semaphore, #tpu.memory_space<semaphore_mem>>) src(%arg9 : memref<80x128xf32, #tpu.memory_space<vmem>>) dst(%dma_wait3A_39 : memref<10000x128xf32, #tpu.memory_space<vmem_shared>>)
        tpu.yield
      }) : () -> ()
    }
    %scan3A_14 = arith.constant 125 : i32
    %barrier3A_15 = arith.constant 0 : index
    tpu.barrier barrier_id(%barrier3A_15)
    %mul3A_16 = arith.constant 10000 : i32
    %mul3A_17 = arith.muli %arg0, %mul3A_16 : i32
    %add3A_18 = arith.addi %mul3A_17, %mul3A_0 : i32
    "tpu.region"() ({
      %run_scoped3A = tpu.sem_alloc : memref<!tpu.dma_semaphore, #tpu.memory_space<semaphore_mem>>
      %dma_start3A = arith.constant 0 : i32
      %dma_start3A_24 = tpu.memref_slice %arg6[%add3A_18, %dma_start3A] : memref<20000x128xf32, #tpu.memory_space<hbm>> -> memref<624x128xf32, #tpu.memory_space<hbm>>
      %dma_start3A_25 = arith.constant 0 : i32
      %dma_start3A_26 = tpu.memref_slice %arg10[%mul3A_0, %dma_start3A_25] : memref<10000x128xf32, #tpu.memory_space<vmem_shared>> -> memref<624x128xf32, #tpu.memory_space<vmem_shared>>
      tpu.enqueue_dma source(%dma_start3A_26 : memref<624x128xf32, #tpu.memory_space<vmem_shared>>) target(%dma_start3A_24 : memref<624x128xf32, #tpu.memory_space<hbm>>) target_semaphore(%run_scoped3A : memref<!tpu.dma_semaphore, #tpu.memory_space<semaphore_mem>>)
      %dma_wait3A = arith.constant 0 : i32
      %dma_wait3A_27 = tpu.memref_slice %arg6[%add3A_18, %dma_wait3A] : memref<20000x128xf32, #tpu.memory_space<hbm>> -> memref<624x128xf32, #tpu.memory_space<hbm>>
      %dma_wait3A_28 = arith.constant 0 : i32
      %dma_wait3A_29 = tpu.memref_slice %arg10[%mul3A_0, %dma_wait3A_28] : memref<10000x128xf32, #tpu.memory_space<vmem_shared>> -> memref<624x128xf32, #tpu.memory_space<vmem_shared>>
      tpu.wait_dma2 semaphore(%run_scoped3A : memref<!tpu.dma_semaphore, #tpu.memory_space<semaphore_mem>>) src(%dma_wait3A_29 : memref<624x128xf32, #tpu.memory_space<vmem_shared>>) dst(%dma_wait3A_27 : memref<624x128xf32, #tpu.memory_space<hbm>>)
      tpu.yield
    }) : () -> ()
    %eq3A_19 = arith.constant 0 : i32
    %eq3A_20 = arith.cmpi eq, %arg1, %eq3A_19 : i32
    %convert_element_type3A_21 = arith.extui %eq3A_20 : i1 to i32
    %cond3A_22 = arith.constant 0 : i32
    %cond3A_23 = arith.cmpi ne, %convert_element_type3A_21, %cond3A_22 : i32
    scf.if %cond3A_23 {
      %mul3A_24 = arith.constant 10000 : i32
      %mul3A_25 = arith.muli %arg0, %mul3A_24 : i32
      %add3A_26 = arith.constant 9984 : i32
      %add3A_27 = arith.addi %mul3A_25, %add3A_26 : i32
      "tpu.region"() ({
        %run_scoped3A = tpu.sem_alloc : memref<!tpu.dma_semaphore, #tpu.memory_space<semaphore_mem>>
        %dma_start3A = arith.constant 0 : i32
        %dma_start3A_28 = tpu.memref_slice %arg6[%add3A_27, %dma_start3A] : memref<20000x128xf32, #tpu.memory_space<hbm>> -> memref<16x128xf32, #tpu.memory_space<hbm>>
        %dma_start3A_29 = arith.constant 9984 : i32
        %dma_start3A_30 = arith.constant 0 : i32
        %dma_start3A_31 = tpu.memref_slice %arg10[%dma_start3A_29, %dma_start3A_30] : memref<10000x128xf32, #tpu.memory_space<vmem_shared>> -> memref<16x128xf32, #tpu.memory_space<vmem_shared>>
        tpu.enqueue_dma source(%dma_start3A_31 : memref<16x128xf32, #tpu.memory_space<vmem_shared>>) target(%dma_start3A_28 : memref<16x128xf32, #tpu.memory_space<hbm>>) target_semaphore(%run_scoped3A : memref<!tpu.dma_semaphore, #tpu.memory_space<semaphore_mem>>)
        %dma_wait3A = arith.constant 0 : i32
        %dma_wait3A_32 = tpu.memref_slice %arg6[%add3A_27, %dma_wait3A] : memref<20000x128xf32, #tpu.memory_space<hbm>> -> memref<16x128xf32, #tpu.memory_space<hbm>>
        %dma_wait3A_33 = arith.constant 9984 : i32
        %dma_wait3A_34 = arith.constant 0 : i32
        %dma_wait3A_35 = tpu.memref_slice %arg10[%dma_wait3A_33, %dma_wait3A_34] : memref<10000x128xf32, #tpu.memory_space<vmem_shared>> -> memref<16x128xf32, #tpu.memory_space<vmem_shared>>
        tpu.wait_dma2 semaphore(%run_scoped3A : memref<!tpu.dma_semaphore, #tpu.memory_space<semaphore_mem>>) src(%dma_wait3A_35 : memref<16x128xf32, #tpu.memory_space<vmem_shared>>) dst(%dma_wait3A_32 : memref<16x128xf32, #tpu.memory_space<hbm>>)
        tpu.yield
      }) : () -> ()
    } else {
    }
    return
  }
}

#map = affine_map<(d0, d1) -> (0, 0)>
#map1 = affine_map<(d0, d1) -> (0)>
module attributes {stable_mosaic.version = 14 : i64} {
  func.func @kern(%arg0: i32, %arg1: i32, %arg2: memref<20000x128xf32, #tpu.memory_space<hbm>>, %arg3: memref<320000xi32, #tpu.memory_space<hbm>>, %arg4: memref<160000xi32, #tpu.memory_space<hbm>>, %arg5: memref<20000x128xf32, #tpu.memory_space<hbm>>, %arg6: memref<20000x128xf32, #tpu.memory_space<hbm>>, %arg7: memref<80xi32, #tpu.memory_space<vmem>>, %arg8: memref<80xi32, #tpu.memory_space<vmem>>, %arg9: memref<80x128xf32, #tpu.memory_space<vmem>>, %arg10: memref<10000x128xf32, #tpu.memory_space<vmem_shared>>, %arg11: memref<!tpu.dma_semaphore, #tpu.memory_space<semaphore_mem>>) attributes {dimension_semantics = [#tpu.dimension_semantics<core_parallel>, #tpu.dimension_semantics<subcore_parallel>], iteration_bounds = array<i64: 2, 16>, scalar_prefetch = 0 : i64, scratch_operands = 5 : i64, tpu.core_type = #tpu.core_type<sc_vector_subcore>, window_params = [{transform_indices = #map}, {transform_indices = #map1}, {transform_indices = #map1}, {transform_indices = #map}, {transform_indices = #map}]} {
    %mul3A = arith.constant 624 : i32
    %mul3A_0 = arith.muli %arg1, %mul3A : i32
    %mul3A_1 = arith.constant 10000 : i32
    %mul3A_2 = arith.muli %arg0, %mul3A_1 : i32
    %add3A = arith.addi %mul3A_2, %mul3A_0 : i32
    "tpu.region"() ({
      %run_scoped3A = tpu.sem_alloc : memref<!tpu.dma_semaphore, #tpu.memory_space<semaphore_mem>>
      %dma_start3A = arith.constant 0 : i32
      %dma_start3A_24 = tpu.memref_slice %arg10[%mul3A_0, %dma_start3A] : memref<10000x128xf32, #tpu.memory_space<vmem_shared>> -> memref<624x128xf32, #tpu.memory_space<vmem_shared>>
      %dma_start3A_25 = arith.constant 0 : i32
      %dma_start3A_26 = tpu.memref_slice %arg5[%add3A, %dma_start3A_25] : memref<20000x128xf32, #tpu.memory_space<hbm>> -> memref<624x128xf32, #tpu.memory_space<hbm>>
      tpu.enqueue_dma source(%dma_start3A_26 : memref<624x128xf32, #tpu.memory_space<hbm>>) target(%dma_start3A_24 : memref<624x128xf32, #tpu.memory_space<vmem_shared>>) target_semaphore(%run_scoped3A : memref<!tpu.dma_semaphore, #tpu.memory_space<semaphore_mem>>)
      %dma_wait3A = arith.constant 0 : i32
      %dma_wait3A_27 = tpu.memref_slice %arg10[%mul3A_0, %dma_wait3A] : memref<10000x128xf32, #tpu.memory_space<vmem_shared>> -> memref<624x128xf32, #tpu.memory_space<vmem_shared>>
      %dma_wait3A_28 = arith.constant 0 : i32
      %dma_wait3A_29 = tpu.memref_slice %arg5[%add3A, %dma_wait3A_28] : memref<20000x128xf32, #tpu.memory_space<hbm>> -> memref<624x128xf32, #tpu.memory_space<hbm>>
      tpu.wait_dma2 semaphore(%run_scoped3A : memref<!tpu.dma_semaphore, #tpu.memory_space<semaphore_mem>>) src(%dma_wait3A_29 : memref<624x128xf32, #tpu.memory_space<hbm>>) dst(%dma_wait3A_27 : memref<624x128xf32, #tpu.memory_space<vmem_shared>>)
      tpu.yield
    }) : () -> ()
    %eq3A = arith.constant 0 : i32
    %eq3A_3 = arith.cmpi eq, %arg1, %eq3A : i32
    %convert_element_type3A = arith.extui %eq3A_3 : i1 to i32
    %cond3A = arith.constant 0 : i32
    %cond3A_4 = arith.cmpi ne, %convert_element_type3A, %cond3A : i32
    scf.if %cond3A_4 {
      %mul3A_24 = arith.constant 10000 : i32
      %mul3A_25 = arith.muli %arg0, %mul3A_24 : i32
      %add3A_26 = arith.constant 9984 : i32
      %add3A_27 = arith.addi %mul3A_25, %add3A_26 : i32
      "tpu.region"() ({
        %run_scoped3A = tpu.sem_alloc : memref<!tpu.dma_semaphore, #tpu.memory_space<semaphore_mem>>
        %dma_start3A = arith.constant 9984 : i32
        %dma_start3A_28 = arith.constant 0 : i32
        %dma_start3A_29 = tpu.memref_slice %arg10[%dma_start3A, %dma_start3A_28] : memref<10000x128xf32, #tpu.memory_space<vmem_shared>> -> memref<16x128xf32, #tpu.memory_space<vmem_shared>>
        %dma_start3A_30 = arith.constant 0 : i32
        %dma_start3A_31 = tpu.memref_slice %arg5[%add3A_27, %dma_start3A_30] : memref<20000x128xf32, #tpu.memory_space<hbm>> -> memref<16x128xf32, #tpu.memory_space<hbm>>
        tpu.enqueue_dma source(%dma_start3A_31 : memref<16x128xf32, #tpu.memory_space<hbm>>) target(%dma_start3A_29 : memref<16x128xf32, #tpu.memory_space<vmem_shared>>) target_semaphore(%run_scoped3A : memref<!tpu.dma_semaphore, #tpu.memory_space<semaphore_mem>>)
        %dma_wait3A = arith.constant 9984 : i32
        %dma_wait3A_32 = arith.constant 0 : i32
        %dma_wait3A_33 = tpu.memref_slice %arg10[%dma_wait3A, %dma_wait3A_32] : memref<10000x128xf32, #tpu.memory_space<vmem_shared>> -> memref<16x128xf32, #tpu.memory_space<vmem_shared>>
        %dma_wait3A_34 = arith.constant 0 : i32
        %dma_wait3A_35 = tpu.memref_slice %arg5[%add3A_27, %dma_wait3A_34] : memref<20000x128xf32, #tpu.memory_space<hbm>> -> memref<16x128xf32, #tpu.memory_space<hbm>>
        tpu.wait_dma2 semaphore(%run_scoped3A : memref<!tpu.dma_semaphore, #tpu.memory_space<semaphore_mem>>) src(%dma_wait3A_35 : memref<16x128xf32, #tpu.memory_space<hbm>>) dst(%dma_wait3A_33 : memref<16x128xf32, #tpu.memory_space<vmem_shared>>)
        tpu.yield
      }) : () -> ()
    } else {
    }
    %barrier3A = arith.constant 0 : index
    tpu.barrier barrier_id(%barrier3A)
    %mul3A_5 = arith.constant 160000 : i32
    %mul3A_6 = arith.muli %arg0, %mul3A_5 : i32
    %mul3A_7 = arith.constant 10000 : i32
    %mul3A_8 = arith.muli %arg1, %mul3A_7 : i32
    %add3A_9 = arith.addi %mul3A_6, %mul3A_8 : i32
    %scan3A = arith.constant 0 : i32
    %scan3A_10 = arith.constant 0 : i32
    %scan3A_11 = arith.constant 125 : i32
    %scan3A_12 = arith.addi %scan3A_10, %scan3A_11 : i32
    %scan3A_13 = arith.constant 1 : i32
    scf.for %scan3A_24 = %scan3A_10 to %scan3A_12 step %scan3A_13  : i32 {
      %mul3A_25 = arith.constant 80 : i32
      %mul3A_26 = arith.muli %scan3A_24, %mul3A_25 : i32
      %add3A_27 = arith.addi %add3A_9, %mul3A_26 : i32
      "tpu.region"() ({
        %run_scoped3A = tpu.sem_alloc : memref<!tpu.dma_semaphore, #tpu.memory_space<semaphore_mem>>
        %dma_start3A_34 = tpu.memref_slice %arg3[%add3A_27] : memref<320000xi32, #tpu.memory_space<hbm>> -> memref<80xi32, #tpu.memory_space<hbm>>
        %dma_start3A_35 = tpu.memref_slice %arg3[%add3A_27] : memref<320000xi32, #tpu.memory_space<hbm>> -> memref<80xi32, #tpu.memory_space<hbm>>
        tpu.enqueue_dma source(%dma_start3A_35 : memref<80xi32, #tpu.memory_space<hbm>>) target(%arg7 : memref<80xi32, #tpu.memory_space<vmem>>) target_semaphore(%run_scoped3A : memref<!tpu.dma_semaphore, #tpu.memory_space<semaphore_mem>>)
        %dma_wait3A_36 = tpu.memref_slice %arg3[%add3A_27] : memref<320000xi32, #tpu.memory_space<hbm>> -> memref<80xi32, #tpu.memory_space<hbm>>
        %dma_wait3A_37 = tpu.memref_slice %arg3[%add3A_27] : memref<320000xi32, #tpu.memory_space<hbm>> -> memref<80xi32, #tpu.memory_space<hbm>>
        tpu.wait_dma2 semaphore(%run_scoped3A : memref<!tpu.dma_semaphore, #tpu.memory_space<semaphore_mem>>) src(%dma_wait3A_37 : memref<80xi32, #tpu.memory_space<hbm>>) dst(%arg7 : memref<80xi32, #tpu.memory_space<vmem>>)
        tpu.yield
      }) : () -> ()
      %mul3A_28 = arith.constant 160000 : i32
      %mul3A_29 = arith.muli %arg0, %mul3A_28 : i32
      %sub3A = arith.subi %add3A_27, %mul3A_29 : i32
      "tpu.region"() ({
        %run_scoped3A = tpu.sem_alloc : memref<!tpu.dma_semaphore, #tpu.memory_space<semaphore_mem>>
        %dma_start3A_34 = tpu.memref_slice %arg4[%sub3A] : memref<160000xi32, #tpu.memory_space<hbm>> -> memref<80xi32, #tpu.memory_space<hbm>>
        %dma_start3A_35 = tpu.memref_slice %arg4[%sub3A] : memref<160000xi32, #tpu.memory_space<hbm>> -> memref<80xi32, #tpu.memory_space<hbm>>
        tpu.enqueue_dma source(%dma_start3A_35 : memref<80xi32, #tpu.memory_space<hbm>>) target(%arg8 : memref<80xi32, #tpu.memory_space<vmem>>) target_semaphore(%run_scoped3A : memref<!tpu.dma_semaphore, #tpu.memory_space<semaphore_mem>>)
        %dma_wait3A_36 = tpu.memref_slice %arg4[%sub3A] : memref<160000xi32, #tpu.memory_space<hbm>> -> memref<80xi32, #tpu.memory_space<hbm>>
        %dma_wait3A_37 = tpu.memref_slice %arg4[%sub3A] : memref<160000xi32, #tpu.memory_space<hbm>> -> memref<80xi32, #tpu.memory_space<hbm>>
        tpu.wait_dma2 semaphore(%run_scoped3A : memref<!tpu.dma_semaphore, #tpu.memory_space<semaphore_mem>>) src(%dma_wait3A_37 : memref<80xi32, #tpu.memory_space<hbm>>) dst(%arg8 : memref<80xi32, #tpu.memory_space<vmem>>)
        tpu.yield
      }) : () -> ()
      %dma_start3A = arith.constant 0 : i32
      %dma_start3A_30 = arith.constant 0 : i32
      %dma_start3A_31 = tpu.memref_slice %arg2[%dma_start3A, %dma_start3A_30] : memref<20000x128xf32, #tpu.memory_space<hbm>> -> memref<20000x128xf32, #tpu.memory_space<hbm>>
      tpu.enqueue_indirect_dma source(%dma_start3A_31 : memref<20000x128xf32, #tpu.memory_space<hbm>>) target(%arg9 : memref<80x128xf32, #tpu.memory_space<vmem>>) offsets(%arg7 : memref<80xi32, #tpu.memory_space<vmem>>) semaphore(%arg11 : memref<!tpu.dma_semaphore, #tpu.memory_space<semaphore_mem>>)
      %dma_wait3A = arith.constant 0 : i32
      %dma_wait3A_32 = arith.constant 0 : i32
      %dma_wait3A_33 = tpu.memref_slice %arg2[%dma_wait3A, %dma_wait3A_32] : memref<20000x128xf32, #tpu.memory_space<hbm>> -> memref<20000x128xf32, #tpu.memory_space<hbm>>
      tpu.wait_indirect_dma semaphore(%arg11 : memref<!tpu.dma_semaphore, #tpu.memory_space<semaphore_mem>>) src(%dma_wait3A_33 : memref<20000x128xf32, #tpu.memory_space<hbm>>) dst(%arg9 : memref<80x128xf32, #tpu.memory_space<vmem>>)
      "tpu.region"() ({
        %run_scoped3A = tpu.sem_alloc : memref<!tpu.dma_semaphore, #tpu.memory_space<semaphore_mem>>
        %dma_start3A_34 = arith.constant 0 : i32
        %dma_start3A_35 = arith.constant 0 : i32
        %dma_start3A_36 = tpu.memref_slice %arg10[%dma_start3A_34, %dma_start3A_35] : memref<10000x128xf32, #tpu.memory_space<vmem_shared>> -> memref<10000x128xf32, #tpu.memory_space<vmem_shared>>
        tpu.enqueue_indirect_dma source(%arg9 : memref<80x128xf32, #tpu.memory_space<vmem>>) target(%dma_start3A_36 : memref<10000x128xf32, #tpu.memory_space<vmem_shared>>) offsets(%arg8 : memref<80xi32, #tpu.memory_space<vmem>>) semaphore(%run_scoped3A : memref<!tpu.dma_semaphore, #tpu.memory_space<semaphore_mem>>) {add = true}
        %dma_wait3A_37 = arith.constant 0 : i32
        %dma_wait3A_38 = arith.constant 0 : i32
        %dma_wait3A_39 = tpu.memref_slice %arg10[%dma_wait3A_37, %dma_wait3A_38] : memref<10000x128xf32, #tpu.memory_space<vmem_shared>> -> memref<10000x128xf32, #tpu.memory_space<vmem_shared>>
        tpu.wait_indirect_dma semaphore(%run_scoped3A : memref<!tpu.dma_semaphore, #tpu.memory_space<semaphore_mem>>) src(%arg9 : memref<80x128xf32, #tpu.memory_space<vmem>>) dst(%dma_wait3A_39 : memref<10000x128xf32, #tpu.memory_space<vmem_shared>>)
        tpu.yield
      }) : () -> ()
    }
    %scan3A_14 = arith.constant 125 : i32
    %barrier3A_15 = arith.constant 0 : index
    tpu.barrier barrier_id(%barrier3A_15)
    %mul3A_16 = arith.constant 10000 : i32
    %mul3A_17 = arith.muli %arg0, %mul3A_16 : i32
    %add3A_18 = arith.addi %mul3A_17, %mul3A_0 : i32
    "tpu.region"() ({
      %run_scoped3A = tpu.sem_alloc : memref<!tpu.dma_semaphore, #tpu.memory_space<semaphore_mem>>
      %dma_start3A = arith.constant 0 : i32
      %dma_start3A_24 = tpu.memref_slice %arg6[%add3A_18, %dma_start3A] : memref<20000x128xf32, #tpu.memory_space<hbm>> -> memref<624x128xf32, #tpu.memory_space<hbm>>
      %dma_start3A_25 = arith.constant 0 : i32
      %dma_start3A_26 = tpu.memref_slice %arg10[%mul3A_0, %dma_start3A_25] : memref<10000x128xf32, #tpu.memory_space<vmem_shared>> -> memref<624x128xf32, #tpu.memory_space<vmem_shared>>
      tpu.enqueue_dma source(%dma_start3A_26 : memref<624x128xf32, #tpu.memory_space<vmem_shared>>) target(%dma_start3A_24 : memref<624x128xf32, #tpu.memory_space<hbm>>) target_semaphore(%run_scoped3A : memref<!tpu.dma_semaphore, #tpu.memory_space<semaphore_mem>>)
      %dma_wait3A = arith.constant 0 : i32
      %dma_wait3A_27 = tpu.memref_slice %arg6[%add3A_18, %dma_wait3A] : memref<20000x128xf32, #tpu.memory_space<hbm>> -> memref<624x128xf32, #tpu.memory_space<hbm>>
      %dma_wait3A_28 = arith.constant 0 : i32
      %dma_wait3A_29 = tpu.memref_slice %arg10[%mul3A_0, %dma_wait3A_28] : memref<10000x128xf32, #tpu.memory_space<vmem_shared>> -> memref<624x128xf32, #tpu.memory_space<vmem_shared>>
      tpu.wait_dma2 semaphore(%run_scoped3A : memref<!tpu.dma_semaphore, #tpu.memory_space<semaphore_mem>>) src(%dma_wait3A_29 : memref<624x128xf32, #tpu.memory_space<vmem_shared>>) dst(%dma_wait3A_27 : memref<624x128xf32, #tpu.memory_space<hbm>>)
      tpu.yield
    }) : () -> ()
    %eq3A_19 = arith.constant 0 : i32
    %eq3A_20 = arith.cmpi eq, %arg1, %eq3A_19 : i32
    %convert_element_type3A_21 = arith.extui %eq3A_20 : i1 to i32
    %cond3A_22 = arith.constant 0 : i32
    %cond3A_23 = arith.cmpi ne, %convert_element_type3A_21, %cond3A_22 : i32
    scf.if %cond3A_23 {
      %mul3A_24 = arith.constant 10000 : i32
      %mul3A_25 = arith.muli %arg0, %mul3A_24 : i32
      %add3A_26 = arith.constant 9984 : i32
      %add3A_27 = arith.addi %mul3A_25, %add3A_26 : i32
      "tpu.region"() ({
        %run_scoped3A = tpu.sem_alloc : memref<!tpu.dma_semaphore, #tpu.memory_space<semaphore_mem>>
        %dma_start3A = arith.constant 0 : i32
        %dma_start3A_28 = tpu.memref_slice %arg6[%add3A_27, %dma_start3A] : memref<20000x128xf32, #tpu.memory_space<hbm>> -> memref<16x128xf32, #tpu.memory_space<hbm>>
        %dma_start3A_29 = arith.constant 9984 : i32
        %dma_start3A_30 = arith.constant 0 : i32
        %dma_start3A_31 = tpu.memref_slice %arg10[%dma_start3A_29, %dma_start3A_30] : memref<10000x128xf32, #tpu.memory_space<vmem_shared>> -> memref<16x128xf32, #tpu.memory_space<vmem_shared>>
        tpu.enqueue_dma source(%dma_start3A_31 : memref<16x128xf32, #tpu.memory_space<vmem_shared>>) target(%dma_start3A_28 : memref<16x128xf32, #tpu.memory_space<hbm>>) target_semaphore(%run_scoped3A : memref<!tpu.dma_semaphore, #tpu.memory_space<semaphore_mem>>)
        %dma_wait3A = arith.constant 0 : i32
        %dma_wait3A_32 = tpu.memref_slice %arg6[%add3A_27, %dma_wait3A] : memref<20000x128xf32, #tpu.memory_space<hbm>> -> memref<16x128xf32, #tpu.memory_space<hbm>>
        %dma_wait3A_33 = arith.constant 9984 : i32
        %dma_wait3A_34 = arith.constant 0 : i32
        %dma_wait3A_35 = tpu.memref_slice %arg10[%dma_wait3A_33, %dma_wait3A_34] : memref<10000x128xf32, #tpu.memory_space<vmem_shared>> -> memref<16x128xf32, #tpu.memory_space<vmem_shared>>
        tpu.wait_dma2 semaphore(%run_scoped3A : memref<!tpu.dma_semaphore, #tpu.memory_space<semaphore_mem>>) src(%dma_wait3A_35 : memref<16x128xf32, #tpu.memory_space<vmem_shared>>) dst(%dma_wait3A_32 : memref<16x128xf32, #tpu.memory_space<hbm>>)
        tpu.yield
      }) : () -> ()
    } else {
    }
    return
  }
}

module attributes {stable_mosaic.version = 14 : i64} {
  func.func @_norm_body(%arg0: i32, %arg1: memref<1000x256xf32, #tpu.memory_space<vmem>>, %arg2: memref<8x256xf32, #tpu.memory_space<vmem>>, %arg3: memref<1x256xf32, #tpu.memory_space<vmem>>, %arg4: memref<1x256xf32, #tpu.memory_space<vmem>>, %arg5: memref<1000x128xf32, #tpu.memory_space<vmem>>, %arg6: memref<1000x128xf32, #tpu.memory_space<vmem>>, %arg7: memref<16x256xf32, #tpu.memory_space<vmem>>, %arg8: memref<1x256xf32, #tpu.memory_space<vmem>>, %arg9: memref<2x1000x128xf32, #tpu.memory_space<vmem>>, %arg10: memref<2x1000x128xf32, #tpu.memory_space<vmem>>) attributes {dimension_semantics = [#tpu.dimension_semantics<arbitrary>], iteration_bounds = array<i64: 10>, scalar_prefetch = 0 : i64, scratch_operands = 0 : i64, tpu.core_type = #tpu.core_type<tc>, window_params = [{transform_indices = @transform_0, window_bounds = array<i64: 1000, 256>}, {pipeline_mode = #tpu.pipeline_mode<synchronous>, transform_indices = @transform_1, window_bounds = array<i64: 8, 256>}, {pipeline_mode = #tpu.pipeline_mode<synchronous>, transform_indices = @transform_2, window_bounds = array<i64: 1, 256>}, {pipeline_mode = #tpu.pipeline_mode<synchronous>, transform_indices = @transform_3, window_bounds = array<i64: 1, 256>}, {transform_indices = @transform_4, window_bounds = array<i64: 1000, 128>}, {transform_indices = @transform_5, window_bounds = array<i64: 1000, 128>}, {pipeline_mode = #tpu.pipeline_mode<synchronous>, transform_indices = @transform_6, window_bounds = array<i64: 16, 256>}, {pipeline_mode = #tpu.pipeline_mode<synchronous>, transform_indices = @transform_7, window_bounds = array<i64: 1, 256>}, {transform_indices = @transform_8, window_bounds = array<i64: 2, 1000, 128>}, {transform_indices = @transform_9, window_bounds = array<i64: 2, 1000, 128>}]} {
    %get3A = arith.constant 0 : index
    %get3A_0 = arith.constant 0 : index
    %get3A_1 = vector.load %arg1[%get3A, %get3A_0] : memref<1000x256xf32, #tpu.memory_space<vmem>>, vector<1000x256xf32>
    %get3A_2 = arith.constant 0 : index
    %get3A_3 = arith.constant 0 : index
    %get3A_4 = vector.load %arg5[%get3A_2, %get3A_3] : memref<1000x128xf32, #tpu.memory_space<vmem>>, vector<1000x16xf32>
    %get3A_5 = arith.constant 0 : index
    %get3A_6 = arith.constant 0 : index
    %get3A_7 = vector.load %arg6[%get3A_5, %get3A_6] : memref<1000x128xf32, #tpu.memory_space<vmem>>, vector<1000x16xf32>
    %add3A = arith.addf %get3A_4, %get3A_7 : vector<1000x16xf32>
    %get3A_8 = arith.constant 0 : index
    %get3A_9 = arith.constant 0 : index
    %get3A_10 = vector.load %arg7[%get3A_8, %get3A_9] : memref<16x256xf32, #tpu.memory_space<vmem>>, vector<16x256xf32>
    %dot_general3A = arith.constant dense<0.000000e+00> : vector<1000x256xf32>
    %dot_general3A_11 = tpu.matmul %add3A, %get3A_10, %dot_general3A {dimension_numbers = #tpu.dot_dimension_numbers<[1], [0], [0], [1], [0, 0, 1, 1], [], []>, precision = #tpu.contract_precision<fp32>, transpose_lhs_hint = false} : vector<1000x16xf32>, vector<16x256xf32>, vector<1000x256xf32> -> vector<1000x256xf32>
    %get3A_12 = arith.constant 0 : index
    %get3A_13 = arith.constant 0 : index
    %get3A_14 = vector.load %arg8[%get3A_12, %get3A_13] : memref<1x256xf32, #tpu.memory_space<vmem>>, vector<1x256xf32>
    %add3A_15 = vector.broadcast %get3A_14 : vector<1x256xf32> to vector<1000x256xf32>
    %add3A_16 = arith.addf %dot_general3A_11, %add3A_15 : vector<1000x256xf32>
    %add3A_17 = arith.addf %get3A_1, %add3A_16 : vector<1000x256xf32>
    %slice3A = vector.extract_strided_slice %get3A_1 {offsets = [0, 0], sizes = [1000, 128], strides = [1, 1]} : vector<1000x256xf32> to vector<1000x128xf32>
    %swap3A = arith.constant 0 : index
    %swap3A_18 = arith.constant 0 : index
    %swap3A_19 = arith.constant 0 : index
    %swap3A_20 = vector.load %arg9[%swap3A, %swap3A_18, %swap3A_19] : memref<2x1000x128xf32, #tpu.memory_space<vmem>>, vector<1x1000x128xf32>
    %swap3A_21 = vector.shape_cast %swap3A_20 : vector<1x1000x128xf32> to vector<1000x128xf32>
    %swap3A_22 = vector.shape_cast %slice3A : vector<1000x128xf32> to vector<1x1000x128xf32>
    tpu.vector_store %arg9[%swap3A, %swap3A_18, %swap3A_19], %swap3A_22 {strides = array<i32>} : memref<2x1000x128xf32, #tpu.memory_space<vmem>>, vector<1x1000x128xf32>,
    %slice3A_23 = vector.extract_strided_slice %get3A_1 {offsets = [0, 128], sizes = [1000, 128], strides = [1, 1]} : vector<1000x256xf32> to vector<1000x128xf32>
    %swap3A_24 = arith.constant 1 : index
    %swap3A_25 = arith.constant 0 : index
    %swap3A_26 = arith.constant 0 : index
    %swap3A_27 = vector.load %arg9[%swap3A_24, %swap3A_25, %swap3A_26] : memref<2x1000x128xf32, #tpu.memory_space<vmem>>, vector<1x1000x128xf32>
    %swap3A_28 = vector.shape_cast %swap3A_27 : vector<1x1000x128xf32> to vector<1000x128xf32>
    %swap3A_29 = vector.shape_cast %slice3A_23 : vector<1000x128xf32> to vector<1x1000x128xf32>
    tpu.vector_store %arg9[%swap3A_24, %swap3A_25, %swap3A_26], %swap3A_29 {strides = array<i32>} : memref<2x1000x128xf32, #tpu.memory_space<vmem>>, vector<1x1000x128xf32>,
    %slice3A_30 = vector.extract_strided_slice %add3A_17 {offsets = [0, 0], sizes = [1000, 128], strides = [1, 1]} : vector<1000x256xf32> to vector<1000x128xf32>
    %swap3A_31 = arith.constant 0 : index
    %swap3A_32 = arith.constant 0 : index
    %swap3A_33 = arith.constant 0 : index
    %swap3A_34 = vector.load %arg10[%swap3A_31, %swap3A_32, %swap3A_33] : memref<2x1000x128xf32, #tpu.memory_space<vmem>>, vector<1x1000x128xf32>
    %swap3A_35 = vector.shape_cast %swap3A_34 : vector<1x1000x128xf32> to vector<1000x128xf32>
    %swap3A_36 = vector.shape_cast %slice3A_30 : vector<1000x128xf32> to vector<1x1000x128xf32>
    tpu.vector_store %arg10[%swap3A_31, %swap3A_32, %swap3A_33], %swap3A_36 {strides = array<i32>} : memref<2x1000x128xf32, #tpu.memory_space<vmem>>, vector<1x1000x128xf32>,
    %slice3A_37 = vector.extract_strided_slice %add3A_17 {offsets = [0, 128], sizes = [1000, 128], strides = [1, 1]} : vector<1000x256xf32> to vector<1000x128xf32>
    %swap3A_38 = arith.constant 1 : index
    %swap3A_39 = arith.constant 0 : index
    %swap3A_40 = arith.constant 0 : index
    %swap3A_41 = vector.load %arg10[%swap3A_38, %swap3A_39, %swap3A_40] : memref<2x1000x128xf32, #tpu.memory_space<vmem>>, vector<1x1000x128xf32>
    %swap3A_42 = vector.shape_cast %swap3A_41 : vector<1x1000x128xf32> to vector<1000x128xf32>
    %swap3A_43 = vector.shape_cast %slice3A_37 : vector<1000x128xf32> to vector<1x1000x128xf32>
    tpu.vector_store %arg10[%swap3A_38, %swap3A_39, %swap3A_40], %swap3A_43 {strides = array<i32>} : memref<2x1000x128xf32, #tpu.memory_space<vmem>>, vector<1x1000x128xf32>,
    return
  }
  func.func @transform_0(%arg0: i32) -> (i32, i32) {
    %c0_i32 = arith.constant 0 : i32
    %c0_i32_0 = arith.constant 0 : i32
    return %arg0, %c0_i32 : i32, i32
  }
  func.func @transform_1(%arg0: i32) -> (i32, i32) {
    %c0_i32 = arith.constant 0 : i32
    %c0_i32_0 = arith.constant 0 : i32
    %c0_i32_1 = arith.constant 0 : i32
    return %c0_i32, %c0_i32_0 : i32, i32
  }
  func.func @transform_2(%arg0: i32) -> (i32, i32) {
    %c0_i32 = arith.constant 0 : i32
    %c0_i32_0 = arith.constant 0 : i32
    %c0_i32_1 = arith.constant 0 : i32
    return %c0_i32, %c0_i32_0 : i32, i32
  }
  func.func @transform_3(%arg0: i32) -> (i32, i32) {
    %c0_i32 = arith.constant 0 : i32
    %c0_i32_0 = arith.constant 0 : i32
    %c0_i32_1 = arith.constant 0 : i32
    return %c0_i32, %c0_i32_0 : i32, i32
  }
  func.func @transform_4(%arg0: i32) -> (i32, i32) {
    %c0_i32 = arith.constant 0 : i32
    %c0_i32_0 = arith.constant 0 : i32
    return %arg0, %c0_i32 : i32, i32
  }
  func.func @transform_5(%arg0: i32) -> (i32, i32) {
    %add3A = arith.constant 10 : i32
    %add3A_0 = arith.addi %arg0, %add3A : i32
    %c0_i32 = arith.constant 0 : i32
    %c0_i32_1 = arith.constant 0 : i32
    return %add3A_0, %c0_i32 : i32, i32
  }
  func.func @transform_6(%arg0: i32) -> (i32, i32) {
    %c0_i32 = arith.constant 0 : i32
    %c0_i32_0 = arith.constant 0 : i32
    %c0_i32_1 = arith.constant 0 : i32
    return %c0_i32, %c0_i32_0 : i32, i32
  }
  func.func @transform_7(%arg0: i32) -> (i32, i32) {
    %c0_i32 = arith.constant 0 : i32
    %c0_i32_0 = arith.constant 0 : i32
    %c0_i32_1 = arith.constant 0 : i32
    return %c0_i32, %c0_i32_0 : i32, i32
  }
  func.func @transform_8(%arg0: i32) -> (i32, i32, i32) {
    %c0_i32 = arith.constant 0 : i32
    %c0_i32_0 = arith.constant 0 : i32
    %c0_i32_1 = arith.constant 0 : i32
    return %c0_i32, %arg0, %c0_i32_0 : i32, i32, i32
  }
  func.func @transform_9(%arg0: i32) -> (i32, i32, i32) {
    %c0_i32 = arith.constant 0 : i32
    %c0_i32_0 = arith.constant 0 : i32
    %c0_i32_1 = arith.constant 0 : i32
    return %c0_i32, %arg0, %c0_i32_0 : i32, i32, i32
  }
}

module attributes {stable_mosaic.version = 14 : i64} {
  func.func @_mm_body(%arg0: i32, %arg1: memref<1000x128xf32, #tpu.memory_space<vmem>>, %arg2: memref<1000x128xf32, #tpu.memory_space<vmem>>, %arg3: memref<256x256xf32, #tpu.memory_space<vmem>>, %arg4: memref<1x256xf32, #tpu.memory_space<vmem>>, %arg5: memref<1000x256xf32, #tpu.memory_space<vmem>>, %arg6: memref<8x256xf32, #tpu.memory_space<vmem>>) attributes {dimension_semantics = [#tpu.dimension_semantics<arbitrary>], iteration_bounds = array<i64: 10>, scalar_prefetch = 0 : i64, scratch_operands = 0 : i64, tpu.core_type = #tpu.core_type<tc>, window_params = [{transform_indices = @transform_0, window_bounds = array<i64: 1000, 128>}, {transform_indices = @transform_1, window_bounds = array<i64: 1000, 128>}, {pipeline_mode = #tpu.pipeline_mode<synchronous>, transform_indices = @transform_2, window_bounds = array<i64: 256, 256>}, {pipeline_mode = #tpu.pipeline_mode<synchronous>, transform_indices = @transform_3, window_bounds = array<i64: 1, 256>}, {transform_indices = @transform_4, window_bounds = array<i64: 1000, 256>}, {pipeline_mode = #tpu.pipeline_mode<synchronous>, transform_indices = @transform_5, window_bounds = array<i64: 8, 256>}]} {
    %get3A = arith.constant 0 : index
    %get3A_0 = arith.constant 0 : index
    %get3A_1 = vector.load %arg1[%get3A, %get3A_0] : memref<1000x128xf32, #tpu.memory_space<vmem>>, vector<1000x128xf32>
    %get3A_2 = arith.constant 0 : index
    %get3A_3 = arith.constant 0 : index
    %get3A_4 = vector.load %arg3[%get3A_2, %get3A_3] : memref<256x256xf32, #tpu.memory_space<vmem>>, vector<128x256xf32>
    %dot_general3A = arith.constant dense<0.000000e+00> : vector<1000x256xf32>
    %dot_general3A_5 = tpu.matmul %get3A_1, %get3A_4, %dot_general3A {dimension_numbers = #tpu.dot_dimension_numbers<[1], [0], [0], [1], [0, 0, 1, 1], [], []>, transpose_lhs_hint = false} : vector<1000x128xf32>, vector<128x256xf32>, vector<1000x256xf32> -> vector<1000x256xf32>
    %get3A_6 = arith.constant 0 : index
    %get3A_7 = arith.constant 0 : index
    %get3A_8 = vector.load %arg2[%get3A_6, %get3A_7] : memref<1000x128xf32, #tpu.memory_space<vmem>>, vector<1000x128xf32>
    %get3A_9 = arith.constant 128 : index
    %get3A_10 = arith.constant 0 : index
    %get3A_11 = vector.load %arg3[%get3A_9, %get3A_10] : memref<256x256xf32, #tpu.memory_space<vmem>>, vector<128x256xf32>
    %dot_general3A_12 = arith.constant dense<0.000000e+00> : vector<1000x256xf32>
    %dot_general3A_13 = tpu.matmul %get3A_8, %get3A_11, %dot_general3A_12 {dimension_numbers = #tpu.dot_dimension_numbers<[1], [0], [0], [1], [0, 0, 1, 1], [], []>, transpose_lhs_hint = false} : vector<1000x128xf32>, vector<128x256xf32>, vector<1000x256xf32> -> vector<1000x256xf32>
    %add3A = arith.addf %dot_general3A_5, %dot_general3A_13 : vector<1000x256xf32>
    %get3A_14 = arith.constant 0 : index
    %get3A_15 = arith.constant 0 : index
    %get3A_16 = vector.load %arg4[%get3A_14, %get3A_15] : memref<1x256xf32, #tpu.memory_space<vmem>>, vector<1x256xf32>
    %add3A_17 = vector.broadcast %get3A_16 : vector<1x256xf32> to vector<1000x256xf32>
    %add3A_18 = arith.addf %add3A, %add3A_17 : vector<1000x256xf32>
    %swap3A = arith.constant 0 : index
    %swap3A_19 = arith.constant 0 : index
    %swap3A_20 = vector.load %arg5[%swap3A, %swap3A_19] : memref<1000x256xf32, #tpu.memory_space<vmem>>, vector<1000x256xf32>
    tpu.vector_store %arg5[%swap3A, %swap3A_19], %add3A_18 {strides = array<i32>} : memref<1000x256xf32, #tpu.memory_space<vmem>>, vector<1000x256xf32>,
    %eq3A = arith.constant 0 : i32
    %eq3A_21 = arith.cmpi eq, %arg0, %eq3A : i32
    %convert_element_type3A = arith.extui %eq3A_21 : i1 to i32
    %cond3A = arith.constant 0 : i32
    %cond3A_22 = arith.cmpi ne, %convert_element_type3A, %cond3A : i32
    scf.if %cond3A_22 {
      %broadcast_in_dim3A_36 = arith.constant 0.000000e+00 : f32
      %broadcast_in_dim3A_37 = vector.broadcast %broadcast_in_dim3A_36 : f32 to vector<8x256xf32>
      %swap3A_38 = arith.constant 0 : index
      %swap3A_39 = arith.constant 0 : index
      %swap3A_40 = vector.load %arg6[%swap3A_38, %swap3A_39] : memref<8x256xf32, #tpu.memory_space<vmem>>, vector<8x256xf32>
      tpu.vector_store %arg6[%swap3A_38, %swap3A_39], %broadcast_in_dim3A_37 {strides = array<i32>} : memref<8x256xf32, #tpu.memory_space<vmem>>, vector<8x256xf32>,
    } else {
    }
    %reduce_sum3A = arith.constant dense<0.000000e+00> : vector<256xf32>
    %reduce_sum3A_23 = vector.multi_reduction <add>, %add3A_18, %reduce_sum3A [0] : vector<1000x256xf32> to vector<256xf32>
    %broadcast_in_dim3A = vector.shape_cast %reduce_sum3A_23 : vector<256xf32> to vector<1x256xf32>
    %mul3A = arith.mulf %add3A_18, %add3A_18 : vector<1000x256xf32>
    %reduce_sum3A_24 = arith.constant dense<0.000000e+00> : vector<256xf32>
    %reduce_sum3A_25 = vector.multi_reduction <add>, %mul3A, %reduce_sum3A_24 [0] : vector<1000x256xf32> to vector<256xf32>
    %broadcast_in_dim3A_26 = vector.shape_cast %reduce_sum3A_25 : vector<256xf32> to vector<1x256xf32>
    %broadcast_in_dim3A_27 = arith.constant 0.000000e+00 : f32
    %broadcast_in_dim3A_28 = vector.broadcast %broadcast_in_dim3A_27 : f32 to vector<6x256xf32>
    %get3A_29 = arith.constant 0 : index
    %get3A_30 = arith.constant 0 : index
    %get3A_31 = vector.load %arg6[%get3A_29, %get3A_30] : memref<8x256xf32, #tpu.memory_space<vmem>>, vector<8x256xf32>
    %concatenate3A = tpu.concatenate %broadcast_in_dim3A, %broadcast_in_dim3A_26, %broadcast_in_dim3A_28 in 0 : vector<1x256xf32>, vector<1x256xf32>, vector<6x256xf32> -> vector<8x256xf32>
    %add3A_32 = arith.addf %get3A_31, %concatenate3A : vector<8x256xf32>
    %swap3A_33 = arith.constant 0 : index
    %swap3A_34 = arith.constant 0 : index
    %swap3A_35 = vector.load %arg6[%swap3A_33, %swap3A_34] : memref<8x256xf32, #tpu.memory_space<vmem>>, vector<8x256xf32>
    tpu.vector_store %arg6[%swap3A_33, %swap3A_34], %add3A_32 {strides = array<i32>} : memref<8x256xf32, #tpu.memory_space<vmem>>, vector<8x256xf32>,
    return
  }
  func.func @transform_0(%arg0: i32) -> (i32, i32) {
    %c0_i32 = arith.constant 0 : i32
    %c0_i32_0 = arith.constant 0 : i32
    return %arg0, %c0_i32 : i32, i32
  }
  func.func @transform_1(%arg0: i32) -> (i32, i32) {
    %add3A = arith.constant 10 : i32
    %add3A_0 = arith.addi %arg0, %add3A : i32
    %c0_i32 = arith.constant 0 : i32
    %c0_i32_1 = arith.constant 0 : i32
    return %add3A_0, %c0_i32 : i32, i32
  }
  func.func @transform_2(%arg0: i32) -> (i32, i32) {
    %c0_i32 = arith.constant 0 : i32
    %c0_i32_0 = arith.constant 0 : i32
    %c0_i32_1 = arith.constant 0 : i32
    return %c0_i32, %c0_i32_0 : i32, i32
  }
  func.func @transform_3(%arg0: i32) -> (i32, i32) {
    %c0_i32 = arith.constant 0 : i32
    %c0_i32_0 = arith.constant 0 : i32
    %c0_i32_1 = arith.constant 0 : i32
    return %c0_i32, %c0_i32_0 : i32, i32
  }
  func.func @transform_4(%arg0: i32) -> (i32, i32) {
    %c0_i32 = arith.constant 0 : i32
    %c0_i32_0 = arith.constant 0 : i32
    return %arg0, %c0_i32 : i32, i32
  }
  func.func @transform_5(%arg0: i32) -> (i32, i32) {
    %c0_i32 = arith.constant 0 : i32
    %c0_i32_0 = arith.constant 0 : i32
    %c0_i32_1 = arith.constant 0 : i32
    return %c0_i32, %c0_i32_0 : i32, i32
  }
}

module attributes {stable_mosaic.version = 14 : i64} {
  func.func @_norm_body(%arg0: i32, %arg1: memref<1000x256xf32, #tpu.memory_space<vmem>>, %arg2: memref<8x256xf32, #tpu.memory_space<vmem>>, %arg3: memref<1x256xf32, #tpu.memory_space<vmem>>, %arg4: memref<1x256xf32, #tpu.memory_space<vmem>>, %arg5: memref<1000x128xf32, #tpu.memory_space<vmem>>, %arg6: memref<1000x128xf32, #tpu.memory_space<vmem>>, %arg7: memref<16x256xf32, #tpu.memory_space<vmem>>, %arg8: memref<1x256xf32, #tpu.memory_space<vmem>>, %arg9: memref<2x1000x128xf32, #tpu.memory_space<vmem>>, %arg10: memref<2x1000x128xf32, #tpu.memory_space<vmem>>) attributes {dimension_semantics = [#tpu.dimension_semantics<arbitrary>], iteration_bounds = array<i64: 10>, scalar_prefetch = 0 : i64, scratch_operands = 0 : i64, tpu.core_type = #tpu.core_type<tc>, window_params = [{transform_indices = @transform_0, window_bounds = array<i64: 1000, 256>}, {pipeline_mode = #tpu.pipeline_mode<synchronous>, transform_indices = @transform_1, window_bounds = array<i64: 8, 256>}, {pipeline_mode = #tpu.pipeline_mode<synchronous>, transform_indices = @transform_2, window_bounds = array<i64: 1, 256>}, {pipeline_mode = #tpu.pipeline_mode<synchronous>, transform_indices = @transform_3, window_bounds = array<i64: 1, 256>}, {transform_indices = @transform_4, window_bounds = array<i64: 1000, 128>}, {transform_indices = @transform_5, window_bounds = array<i64: 1000, 128>}, {pipeline_mode = #tpu.pipeline_mode<synchronous>, transform_indices = @transform_6, window_bounds = array<i64: 16, 256>}, {pipeline_mode = #tpu.pipeline_mode<synchronous>, transform_indices = @transform_7, window_bounds = array<i64: 1, 256>}, {transform_indices = @transform_8, window_bounds = array<i64: 2, 1000, 128>}, {transform_indices = @transform_9, window_bounds = array<i64: 2, 1000, 128>}]} {
    %get3A = arith.constant 0 : index
    %get3A_0 = arith.constant 0 : index
    %get3A_1 = vector.load %arg1[%get3A, %get3A_0] : memref<1000x256xf32, #tpu.memory_space<vmem>>, vector<1000x256xf32>
    %get3A_2 = arith.constant 0 : index
    %get3A_3 = arith.constant 0 : index
    %get3A_4 = vector.load %arg2[%get3A_2, %get3A_3] : memref<8x256xf32, #tpu.memory_space<vmem>>, vector<1x256xf32>
    %mul3A = arith.constant 9.99999974E-5 : f32
    %mul3A_5 = vector.broadcast %mul3A : f32 to vector<1x256xf32>
    %mul3A_6 = arith.mulf %get3A_4, %mul3A_5 : vector<1x256xf32>
    %get3A_7 = arith.constant 1 : index
    %get3A_8 = arith.constant 0 : index
    %get3A_9 = vector.load %arg2[%get3A_7, %get3A_8] : memref<8x256xf32, #tpu.memory_space<vmem>>, vector<1x256xf32>
    %mul3A_10 = arith.constant 9.99999974E-5 : f32
    %mul3A_11 = vector.broadcast %mul3A_10 : f32 to vector<1x256xf32>
    %mul3A_12 = arith.mulf %get3A_9, %mul3A_11 : vector<1x256xf32>
    %mul3A_13 = arith.mulf %mul3A_6, %mul3A_6 : vector<1x256xf32>
    %sub3A = arith.subf %mul3A_12, %mul3A_13 : vector<1x256xf32>
    %add3A = arith.constant 9.99999974E-6 : f32
    %add3A_14 = vector.broadcast %add3A : f32 to vector<1x256xf32>
    %add3A_15 = arith.addf %sub3A, %add3A_14 : vector<1x256xf32>
    %rsqrt3A = math.rsqrt %add3A_15 : vector<1x256xf32>
    %get3A_16 = arith.constant 0 : index
    %get3A_17 = arith.constant 0 : index
    %get3A_18 = vector.load %arg3[%get3A_16, %get3A_17] : memref<1x256xf32, #tpu.memory_space<vmem>>, vector<1x256xf32>
    %sub3A_19 = vector.broadcast %mul3A_6 : vector<1x256xf32> to vector<1000x256xf32>
    %sub3A_20 = arith.subf %get3A_1, %sub3A_19 : vector<1000x256xf32>
    %mul3A_21 = vector.broadcast %get3A_18 : vector<1x256xf32> to vector<1000x256xf32>
    %mul3A_22 = arith.mulf %mul3A_21, %sub3A_20 : vector<1000x256xf32>
    %mul3A_23 = vector.broadcast %rsqrt3A : vector<1x256xf32> to vector<1000x256xf32>
    %mul3A_24 = arith.mulf %mul3A_22, %mul3A_23 : vector<1000x256xf32>
    %get3A_25 = arith.constant 0 : index
    %get3A_26 = arith.constant 0 : index
    %get3A_27 = vector.load %arg4[%get3A_25, %get3A_26] : memref<1x256xf32, #tpu.memory_space<vmem>>, vector<1x256xf32>
    %add3A_28 = vector.broadcast %get3A_27 : vector<1x256xf32> to vector<1000x256xf32>
    %add3A_29 = arith.addf %mul3A_24, %add3A_28 : vector<1000x256xf32>
    %max3A = arith.constant 0.000000e+00 : f32
    %max3A_30 = vector.broadcast %max3A : f32 to vector<1000x256xf32>
    %max3A_31 = arith.maximumf %add3A_29, %max3A_30 : vector<1000x256xf32>
    %get3A_32 = arith.constant 0 : index
    %get3A_33 = arith.constant 0 : index
    %get3A_34 = vector.load %arg5[%get3A_32, %get3A_33] : memref<1000x128xf32, #tpu.memory_space<vmem>>, vector<1000x16xf32>
    %get3A_35 = arith.constant 0 : index
    %get3A_36 = arith.constant 0 : index
    %get3A_37 = vector.load %arg6[%get3A_35, %get3A_36] : memref<1000x128xf32, #tpu.memory_space<vmem>>, vector<1000x16xf32>
    %add3A_38 = arith.addf %get3A_34, %get3A_37 : vector<1000x16xf32>
    %get3A_39 = arith.constant 0 : index
    %get3A_40 = arith.constant 0 : index
    %get3A_41 = vector.load %arg7[%get3A_39, %get3A_40] : memref<16x256xf32, #tpu.memory_space<vmem>>, vector<16x256xf32>
    %dot_general3A = arith.constant dense<0.000000e+00> : vector<1000x256xf32>
    %dot_general3A_42 = tpu.matmul %add3A_38, %get3A_41, %dot_general3A {dimension_numbers = #tpu.dot_dimension_numbers<[1], [0], [0], [1], [0, 0, 1, 1], [], []>, precision = #tpu.contract_precision<fp32>, transpose_lhs_hint = false} : vector<1000x16xf32>, vector<16x256xf32>, vector<1000x256xf32> -> vector<1000x256xf32>
    %get3A_43 = arith.constant 0 : index
    %get3A_44 = arith.constant 0 : index
    %get3A_45 = vector.load %arg8[%get3A_43, %get3A_44] : memref<1x256xf32, #tpu.memory_space<vmem>>, vector<1x256xf32>
    %add3A_46 = vector.broadcast %get3A_45 : vector<1x256xf32> to vector<1000x256xf32>
    %add3A_47 = arith.addf %dot_general3A_42, %add3A_46 : vector<1000x256xf32>
    %add3A_48 = arith.addf %max3A_31, %add3A_47 : vector<1000x256xf32>
    %slice3A = vector.extract_strided_slice %max3A_31 {offsets = [0, 0], sizes = [1000, 128], strides = [1, 1]} : vector<1000x256xf32> to vector<1000x128xf32>
    %swap3A = arith.constant 0 : index
    %swap3A_49 = arith.constant 0 : index
    %swap3A_50 = arith.constant 0 : index
    %swap3A_51 = vector.load %arg9[%swap3A, %swap3A_49, %swap3A_50] : memref<2x1000x128xf32, #tpu.memory_space<vmem>>, vector<1x1000x128xf32>
    %swap3A_52 = vector.shape_cast %swap3A_51 : vector<1x1000x128xf32> to vector<1000x128xf32>
    %swap3A_53 = vector.shape_cast %slice3A : vector<1000x128xf32> to vector<1x1000x128xf32>
    tpu.vector_store %arg9[%swap3A, %swap3A_49, %swap3A_50], %swap3A_53 {strides = array<i32>} : memref<2x1000x128xf32, #tpu.memory_space<vmem>>, vector<1x1000x128xf32>,
    %slice3A_54 = vector.extract_strided_slice %max3A_31 {offsets = [0, 128], sizes = [1000, 128], strides = [1, 1]} : vector<1000x256xf32> to vector<1000x128xf32>
    %swap3A_55 = arith.constant 1 : index
    %swap3A_56 = arith.constant 0 : index
    %swap3A_57 = arith.constant 0 : index
    %swap3A_58 = vector.load %arg9[%swap3A_55, %swap3A_56, %swap3A_57] : memref<2x1000x128xf32, #tpu.memory_space<vmem>>, vector<1x1000x128xf32>
    %swap3A_59 = vector.shape_cast %swap3A_58 : vector<1x1000x128xf32> to vector<1000x128xf32>
    %swap3A_60 = vector.shape_cast %slice3A_54 : vector<1000x128xf32> to vector<1x1000x128xf32>
    tpu.vector_store %arg9[%swap3A_55, %swap3A_56, %swap3A_57], %swap3A_60 {strides = array<i32>} : memref<2x1000x128xf32, #tpu.memory_space<vmem>>, vector<1x1000x128xf32>,
    %slice3A_61 = vector.extract_strided_slice %add3A_48 {offsets = [0, 0], sizes = [1000, 128], strides = [1, 1]} : vector<1000x256xf32> to vector<1000x128xf32>
    %swap3A_62 = arith.constant 0 : index
    %swap3A_63 = arith.constant 0 : index
    %swap3A_64 = arith.constant 0 : index
    %swap3A_65 = vector.load %arg10[%swap3A_62, %swap3A_63, %swap3A_64] : memref<2x1000x128xf32, #tpu.memory_space<vmem>>, vector<1x1000x128xf32>
    %swap3A_66 = vector.shape_cast %swap3A_65 : vector<1x1000x128xf32> to vector<1000x128xf32>
    %swap3A_67 = vector.shape_cast %slice3A_61 : vector<1000x128xf32> to vector<1x1000x128xf32>
    tpu.vector_store %arg10[%swap3A_62, %swap3A_63, %swap3A_64], %swap3A_67 {strides = array<i32>} : memref<2x1000x128xf32, #tpu.memory_space<vmem>>, vector<1x1000x128xf32>,
    %slice3A_68 = vector.extract_strided_slice %add3A_48 {offsets = [0, 128], sizes = [1000, 128], strides = [1, 1]} : vector<1000x256xf32> to vector<1000x128xf32>
    %swap3A_69 = arith.constant 1 : index
    %swap3A_70 = arith.constant 0 : index
    %swap3A_71 = arith.constant 0 : index
    %swap3A_72 = vector.load %arg10[%swap3A_69, %swap3A_70, %swap3A_71] : memref<2x1000x128xf32, #tpu.memory_space<vmem>>, vector<1x1000x128xf32>
    %swap3A_73 = vector.shape_cast %swap3A_72 : vector<1x1000x128xf32> to vector<1000x128xf32>
    %swap3A_74 = vector.shape_cast %slice3A_68 : vector<1000x128xf32> to vector<1x1000x128xf32>
    tpu.vector_store %arg10[%swap3A_69, %swap3A_70, %swap3A_71], %swap3A_74 {strides = array<i32>} : memref<2x1000x128xf32, #tpu.memory_space<vmem>>, vector<1x1000x128xf32>,
    return
  }
  func.func @transform_0(%arg0: i32) -> (i32, i32) {
    %c0_i32 = arith.constant 0 : i32
    %c0_i32_0 = arith.constant 0 : i32
    return %arg0, %c0_i32 : i32, i32
  }
  func.func @transform_1(%arg0: i32) -> (i32, i32) {
    %c0_i32 = arith.constant 0 : i32
    %c0_i32_0 = arith.constant 0 : i32
    %c0_i32_1 = arith.constant 0 : i32
    return %c0_i32, %c0_i32_0 : i32, i32
  }
  func.func @transform_2(%arg0: i32) -> (i32, i32) {
    %c0_i32 = arith.constant 0 : i32
    %c0_i32_0 = arith.constant 0 : i32
    %c0_i32_1 = arith.constant 0 : i32
    return %c0_i32, %c0_i32_0 : i32, i32
  }
  func.func @transform_3(%arg0: i32) -> (i32, i32) {
    %c0_i32 = arith.constant 0 : i32
    %c0_i32_0 = arith.constant 0 : i32
    %c0_i32_1 = arith.constant 0 : i32
    return %c0_i32, %c0_i32_0 : i32, i32
  }
  func.func @transform_4(%arg0: i32) -> (i32, i32) {
    %c0_i32 = arith.constant 0 : i32
    %c0_i32_0 = arith.constant 0 : i32
    return %arg0, %c0_i32 : i32, i32
  }
  func.func @transform_5(%arg0: i32) -> (i32, i32) {
    %add3A = arith.constant 10 : i32
    %add3A_0 = arith.addi %arg0, %add3A : i32
    %c0_i32 = arith.constant 0 : i32
    %c0_i32_1 = arith.constant 0 : i32
    return %add3A_0, %c0_i32 : i32, i32
  }
  func.func @transform_6(%arg0: i32) -> (i32, i32) {
    %c0_i32 = arith.constant 0 : i32
    %c0_i32_0 = arith.constant 0 : i32
    %c0_i32_1 = arith.constant 0 : i32
    return %c0_i32, %c0_i32_0 : i32, i32
  }
  func.func @transform_7(%arg0: i32) -> (i32, i32) {
    %c0_i32 = arith.constant 0 : i32
    %c0_i32_0 = arith.constant 0 : i32
    %c0_i32_1 = arith.constant 0 : i32
    return %c0_i32, %c0_i32_0 : i32, i32
  }
  func.func @transform_8(%arg0: i32) -> (i32, i32, i32) {
    %c0_i32 = arith.constant 0 : i32
    %c0_i32_0 = arith.constant 0 : i32
    %c0_i32_1 = arith.constant 0 : i32
    return %c0_i32, %arg0, %c0_i32_0 : i32, i32, i32
  }
  func.func @transform_9(%arg0: i32) -> (i32, i32, i32) {
    %c0_i32 = arith.constant 0 : i32
    %c0_i32_0 = arith.constant 0 : i32
    %c0_i32_1 = arith.constant 0 : i32
    return %c0_i32, %arg0, %c0_i32_0 : i32, i32, i32
  }
}

module attributes {stable_mosaic.version = 14 : i64} {
  func.func @_norm_body(%arg0: i32, %arg1: memref<1000x256xf32, #tpu.memory_space<vmem>>, %arg2: memref<8x256xf32, #tpu.memory_space<vmem>>, %arg3: memref<1x256xf32, #tpu.memory_space<vmem>>, %arg4: memref<1x256xf32, #tpu.memory_space<vmem>>, %arg5: memref<1000x128xf32, #tpu.memory_space<vmem>>, %arg6: memref<1000x128xf32, #tpu.memory_space<vmem>>, %arg7: memref<16x256xf32, #tpu.memory_space<vmem>>, %arg8: memref<1x256xf32, #tpu.memory_space<vmem>>, %arg9: memref<2x1000x128xf32, #tpu.memory_space<vmem>>, %arg10: memref<2x1000x128xf32, #tpu.memory_space<vmem>>) attributes {dimension_semantics = [#tpu.dimension_semantics<arbitrary>], iteration_bounds = array<i64: 10>, scalar_prefetch = 0 : i64, scratch_operands = 0 : i64, tpu.core_type = #tpu.core_type<tc>, window_params = [{transform_indices = @transform_0, window_bounds = array<i64: 1000, 256>}, {pipeline_mode = #tpu.pipeline_mode<synchronous>, transform_indices = @transform_1, window_bounds = array<i64: 8, 256>}, {pipeline_mode = #tpu.pipeline_mode<synchronous>, transform_indices = @transform_2, window_bounds = array<i64: 1, 256>}, {pipeline_mode = #tpu.pipeline_mode<synchronous>, transform_indices = @transform_3, window_bounds = array<i64: 1, 256>}, {transform_indices = @transform_4, window_bounds = array<i64: 1000, 128>}, {transform_indices = @transform_5, window_bounds = array<i64: 1000, 128>}, {pipeline_mode = #tpu.pipeline_mode<synchronous>, transform_indices = @transform_6, window_bounds = array<i64: 16, 256>}, {pipeline_mode = #tpu.pipeline_mode<synchronous>, transform_indices = @transform_7, window_bounds = array<i64: 1, 256>}, {transform_indices = @transform_8, window_bounds = array<i64: 2, 1000, 128>}, {transform_indices = @transform_9, window_bounds = array<i64: 2, 1000, 128>}]} {
    %get3A = arith.constant 0 : index
    %get3A_0 = arith.constant 0 : index
    %get3A_1 = vector.load %arg1[%get3A, %get3A_0] : memref<1000x256xf32, #tpu.memory_space<vmem>>, vector<1000x256xf32>
    %get3A_2 = arith.constant 0 : index
    %get3A_3 = arith.constant 0 : index
    %get3A_4 = vector.load %arg2[%get3A_2, %get3A_3] : memref<8x256xf32, #tpu.memory_space<vmem>>, vector<1x256xf32>
    %mul3A = arith.constant 9.99999974E-5 : f32
    %mul3A_5 = vector.broadcast %mul3A : f32 to vector<1x256xf32>
    %mul3A_6 = arith.mulf %get3A_4, %mul3A_5 : vector<1x256xf32>
    %get3A_7 = arith.constant 1 : index
    %get3A_8 = arith.constant 0 : index
    %get3A_9 = vector.load %arg2[%get3A_7, %get3A_8] : memref<8x256xf32, #tpu.memory_space<vmem>>, vector<1x256xf32>
    %mul3A_10 = arith.constant 9.99999974E-5 : f32
    %mul3A_11 = vector.broadcast %mul3A_10 : f32 to vector<1x256xf32>
    %mul3A_12 = arith.mulf %get3A_9, %mul3A_11 : vector<1x256xf32>
    %mul3A_13 = arith.mulf %mul3A_6, %mul3A_6 : vector<1x256xf32>
    %sub3A = arith.subf %mul3A_12, %mul3A_13 : vector<1x256xf32>
    %add3A = arith.constant 9.99999974E-6 : f32
    %add3A_14 = vector.broadcast %add3A : f32 to vector<1x256xf32>
    %add3A_15 = arith.addf %sub3A, %add3A_14 : vector<1x256xf32>
    %rsqrt3A = math.rsqrt %add3A_15 : vector<1x256xf32>
    %get3A_16 = arith.constant 0 : index
    %get3A_17 = arith.constant 0 : index
    %get3A_18 = vector.load %arg3[%get3A_16, %get3A_17] : memref<1x256xf32, #tpu.memory_space<vmem>>, vector<1x256xf32>
    %sub3A_19 = vector.broadcast %mul3A_6 : vector<1x256xf32> to vector<1000x256xf32>
    %sub3A_20 = arith.subf %get3A_1, %sub3A_19 : vector<1000x256xf32>
    %mul3A_21 = vector.broadcast %get3A_18 : vector<1x256xf32> to vector<1000x256xf32>
    %mul3A_22 = arith.mulf %mul3A_21, %sub3A_20 : vector<1000x256xf32>
    %mul3A_23 = vector.broadcast %rsqrt3A : vector<1x256xf32> to vector<1000x256xf32>
    %mul3A_24 = arith.mulf %mul3A_22, %mul3A_23 : vector<1000x256xf32>
    %get3A_25 = arith.constant 0 : index
    %get3A_26 = arith.constant 0 : index
    %get3A_27 = vector.load %arg4[%get3A_25, %get3A_26] : memref<1x256xf32, #tpu.memory_space<vmem>>, vector<1x256xf32>
    %add3A_28 = vector.broadcast %get3A_27 : vector<1x256xf32> to vector<1000x256xf32>
    %add3A_29 = arith.addf %mul3A_24, %add3A_28 : vector<1000x256xf32>
    %max3A = arith.constant 0.000000e+00 : f32
    %max3A_30 = vector.broadcast %max3A : f32 to vector<1000x256xf32>
    %max3A_31 = arith.maximumf %add3A_29, %max3A_30 : vector<1000x256xf32>
    %get3A_32 = arith.constant 0 : index
    %get3A_33 = arith.constant 0 : index
    %get3A_34 = vector.load %arg5[%get3A_32, %get3A_33] : memref<1000x128xf32, #tpu.memory_space<vmem>>, vector<1000x16xf32>
    %get3A_35 = arith.constant 0 : index
    %get3A_36 = arith.constant 0 : index
    %get3A_37 = vector.load %arg6[%get3A_35, %get3A_36] : memref<1000x128xf32, #tpu.memory_space<vmem>>, vector<1000x16xf32>
    %add3A_38 = arith.addf %get3A_34, %get3A_37 : vector<1000x16xf32>
    %get3A_39 = arith.constant 0 : index
    %get3A_40 = arith.constant 0 : index
    %get3A_41 = vector.load %arg7[%get3A_39, %get3A_40] : memref<16x256xf32, #tpu.memory_space<vmem>>, vector<16x256xf32>
    %dot_general3A = arith.constant dense<0.000000e+00> : vector<1000x256xf32>
    %dot_general3A_42 = tpu.matmul %add3A_38, %get3A_41, %dot_general3A {dimension_numbers = #tpu.dot_dimension_numbers<[1], [0], [0], [1], [0, 0, 1, 1], [], []>, precision = #tpu.contract_precision<fp32>, transpose_lhs_hint = false} : vector<1000x16xf32>, vector<16x256xf32>, vector<1000x256xf32> -> vector<1000x256xf32>
    %get3A_43 = arith.constant 0 : index
    %get3A_44 = arith.constant 0 : index
    %get3A_45 = vector.load %arg8[%get3A_43, %get3A_44] : memref<1x256xf32, #tpu.memory_space<vmem>>, vector<1x256xf32>
    %add3A_46 = vector.broadcast %get3A_45 : vector<1x256xf32> to vector<1000x256xf32>
    %add3A_47 = arith.addf %dot_general3A_42, %add3A_46 : vector<1000x256xf32>
    %add3A_48 = arith.addf %max3A_31, %add3A_47 : vector<1000x256xf32>
    %slice3A = vector.extract_strided_slice %max3A_31 {offsets = [0, 0], sizes = [1000, 128], strides = [1, 1]} : vector<1000x256xf32> to vector<1000x128xf32>
    %swap3A = arith.constant 0 : index
    %swap3A_49 = arith.constant 0 : index
    %swap3A_50 = arith.constant 0 : index
    %swap3A_51 = vector.load %arg9[%swap3A, %swap3A_49, %swap3A_50] : memref<2x1000x128xf32, #tpu.memory_space<vmem>>, vector<1x1000x128xf32>
    %swap3A_52 = vector.shape_cast %swap3A_51 : vector<1x1000x128xf32> to vector<1000x128xf32>
    %swap3A_53 = vector.shape_cast %slice3A : vector<1000x128xf32> to vector<1x1000x128xf32>
    tpu.vector_store %arg9[%swap3A, %swap3A_49, %swap3A_50], %swap3A_53 {strides = array<i32>} : memref<2x1000x128xf32, #tpu.memory_space<vmem>>, vector<1x1000x128xf32>,
    %slice3A_54 = vector.extract_strided_slice %max3A_31 {offsets = [0, 128], sizes = [1000, 128], strides = [1, 1]} : vector<1000x256xf32> to vector<1000x128xf32>
    %swap3A_55 = arith.constant 1 : index
    %swap3A_56 = arith.constant 0 : index
    %swap3A_57 = arith.constant 0 : index
    %swap3A_58 = vector.load %arg9[%swap3A_55, %swap3A_56, %swap3A_57] : memref<2x1000x128xf32, #tpu.memory_space<vmem>>, vector<1x1000x128xf32>
    %swap3A_59 = vector.shape_cast %swap3A_58 : vector<1x1000x128xf32> to vector<1000x128xf32>
    %swap3A_60 = vector.shape_cast %slice3A_54 : vector<1000x128xf32> to vector<1x1000x128xf32>
    tpu.vector_store %arg9[%swap3A_55, %swap3A_56, %swap3A_57], %swap3A_60 {strides = array<i32>} : memref<2x1000x128xf32, #tpu.memory_space<vmem>>, vector<1x1000x128xf32>,
    %slice3A_61 = vector.extract_strided_slice %add3A_48 {offsets = [0, 0], sizes = [1000, 128], strides = [1, 1]} : vector<1000x256xf32> to vector<1000x128xf32>
    %swap3A_62 = arith.constant 0 : index
    %swap3A_63 = arith.constant 0 : index
    %swap3A_64 = arith.constant 0 : index
    %swap3A_65 = vector.load %arg10[%swap3A_62, %swap3A_63, %swap3A_64] : memref<2x1000x128xf32, #tpu.memory_space<vmem>>, vector<1x1000x128xf32>
    %swap3A_66 = vector.shape_cast %swap3A_65 : vector<1x1000x128xf32> to vector<1000x128xf32>
    %swap3A_67 = vector.shape_cast %slice3A_61 : vector<1000x128xf32> to vector<1x1000x128xf32>
    tpu.vector_store %arg10[%swap3A_62, %swap3A_63, %swap3A_64], %swap3A_67 {strides = array<i32>} : memref<2x1000x128xf32, #tpu.memory_space<vmem>>, vector<1x1000x128xf32>,
    %slice3A_68 = vector.extract_strided_slice %add3A_48 {offsets = [0, 128], sizes = [1000, 128], strides = [1, 1]} : vector<1000x256xf32> to vector<1000x128xf32>
    %swap3A_69 = arith.constant 1 : index
    %swap3A_70 = arith.constant 0 : index
    %swap3A_71 = arith.constant 0 : index
    %swap3A_72 = vector.load %arg10[%swap3A_69, %swap3A_70, %swap3A_71] : memref<2x1000x128xf32, #tpu.memory_space<vmem>>, vector<1x1000x128xf32>
    %swap3A_73 = vector.shape_cast %swap3A_72 : vector<1x1000x128xf32> to vector<1000x128xf32>
    %swap3A_74 = vector.shape_cast %slice3A_68 : vector<1000x128xf32> to vector<1x1000x128xf32>
    tpu.vector_store %arg10[%swap3A_69, %swap3A_70, %swap3A_71], %swap3A_74 {strides = array<i32>} : memref<2x1000x128xf32, #tpu.memory_space<vmem>>, vector<1x1000x128xf32>,
    return
  }
  func.func @transform_0(%arg0: i32) -> (i32, i32) {
    %c0_i32 = arith.constant 0 : i32
    %c0_i32_0 = arith.constant 0 : i32
    return %arg0, %c0_i32 : i32, i32
  }
  func.func @transform_1(%arg0: i32) -> (i32, i32) {
    %c0_i32 = arith.constant 0 : i32
    %c0_i32_0 = arith.constant 0 : i32
    %c0_i32_1 = arith.constant 0 : i32
    return %c0_i32, %c0_i32_0 : i32, i32
  }
  func.func @transform_2(%arg0: i32) -> (i32, i32) {
    %c0_i32 = arith.constant 0 : i32
    %c0_i32_0 = arith.constant 0 : i32
    %c0_i32_1 = arith.constant 0 : i32
    return %c0_i32, %c0_i32_0 : i32, i32
  }
  func.func @transform_3(%arg0: i32) -> (i32, i32) {
    %c0_i32 = arith.constant 0 : i32
    %c0_i32_0 = arith.constant 0 : i32
    %c0_i32_1 = arith.constant 0 : i32
    return %c0_i32, %c0_i32_0 : i32, i32
  }
  func.func @transform_4(%arg0: i32) -> (i32, i32) {
    %c0_i32 = arith.constant 0 : i32
    %c0_i32_0 = arith.constant 0 : i32
    return %arg0, %c0_i32 : i32, i32
  }
  func.func @transform_5(%arg0: i32) -> (i32, i32) {
    %add3A = arith.constant 10 : i32
    %add3A_0 = arith.addi %arg0, %add3A : i32
    %c0_i32 = arith.constant 0 : i32
    %c0_i32_1 = arith.constant 0 : i32
    return %add3A_0, %c0_i32 : i32, i32
  }
  func.func @transform_6(%arg0: i32) -> (i32, i32) {
    %c0_i32 = arith.constant 0 : i32
    %c0_i32_0 = arith.constant 0 : i32
    %c0_i32_1 = arith.constant 0 : i32
    return %c0_i32, %c0_i32_0 : i32, i32
  }
  func.func @transform_7(%arg0: i32) -> (i32, i32) {
    %c0_i32 = arith.constant 0 : i32
    %c0_i32_0 = arith.constant 0 : i32
    %c0_i32_1 = arith.constant 0 : i32
    return %c0_i32, %c0_i32_0 : i32, i32
  }
  func.func @transform_8(%arg0: i32) -> (i32, i32, i32) {
    %c0_i32 = arith.constant 0 : i32
    %c0_i32_0 = arith.constant 0 : i32
    %c0_i32_1 = arith.constant 0 : i32
    return %c0_i32, %arg0, %c0_i32_0 : i32, i32, i32
  }
  func.func @transform_9(%arg0: i32) -> (i32, i32, i32) {
    %c0_i32 = arith.constant 0 : i32
    %c0_i32_0 = arith.constant 0 : i32
    %c0_i32_1 = arith.constant 0 : i32
    return %c0_i32, %arg0, %c0_i32_0 : i32, i32, i32
  }
}

module attributes {stable_mosaic.version = 14 : i64} {
  func.func @_mm_body(%arg0: i32, %arg1: memref<1000x128xf32, #tpu.memory_space<vmem>>, %arg2: memref<1000x128xf32, #tpu.memory_space<vmem>>, %arg3: memref<256x256xf32, #tpu.memory_space<vmem>>, %arg4: memref<1x256xf32, #tpu.memory_space<vmem>>, %arg5: memref<1000x256xf32, #tpu.memory_space<vmem>>) attributes {dimension_semantics = [#tpu.dimension_semantics<arbitrary>], iteration_bounds = array<i64: 10>, scalar_prefetch = 0 : i64, scratch_operands = 0 : i64, tpu.core_type = #tpu.core_type<tc>, window_params = [{transform_indices = @transform_0, window_bounds = array<i64: 1000, 128>}, {transform_indices = @transform_1, window_bounds = array<i64: 1000, 128>}, {pipeline_mode = #tpu.pipeline_mode<synchronous>, transform_indices = @transform_2, window_bounds = array<i64: 256, 256>}, {pipeline_mode = #tpu.pipeline_mode<synchronous>, transform_indices = @transform_3, window_bounds = array<i64: 1, 256>}, {transform_indices = @transform_4, window_bounds = array<i64: 1000, 256>}]} {
    %get3A = arith.constant 0 : index
    %get3A_0 = arith.constant 0 : index
    %get3A_1 = vector.load %arg1[%get3A, %get3A_0] : memref<1000x128xf32, #tpu.memory_space<vmem>>, vector<1000x128xf32>
    %get3A_2 = arith.constant 0 : index
    %get3A_3 = arith.constant 0 : index
    %get3A_4 = vector.load %arg3[%get3A_2, %get3A_3] : memref<256x256xf32, #tpu.memory_space<vmem>>, vector<128x256xf32>
    %dot_general3A = arith.constant dense<0.000000e+00> : vector<1000x256xf32>
    %dot_general3A_5 = tpu.matmul %get3A_1, %get3A_4, %dot_general3A {dimension_numbers = #tpu.dot_dimension_numbers<[1], [0], [0], [1], [0, 0, 1, 1], [], []>, transpose_lhs_hint = false} : vector<1000x128xf32>, vector<128x256xf32>, vector<1000x256xf32> -> vector<1000x256xf32>
    %get3A_6 = arith.constant 0 : index
    %get3A_7 = arith.constant 0 : index
    %get3A_8 = vector.load %arg2[%get3A_6, %get3A_7] : memref<1000x128xf32, #tpu.memory_space<vmem>>, vector<1000x128xf32>
    %get3A_9 = arith.constant 128 : index
    %get3A_10 = arith.constant 0 : index
    %get3A_11 = vector.load %arg3[%get3A_9, %get3A_10] : memref<256x256xf32, #tpu.memory_space<vmem>>, vector<128x256xf32>
    %dot_general3A_12 = arith.constant dense<0.000000e+00> : vector<1000x256xf32>
    %dot_general3A_13 = tpu.matmul %get3A_8, %get3A_11, %dot_general3A_12 {dimension_numbers = #tpu.dot_dimension_numbers<[1], [0], [0], [1], [0, 0, 1, 1], [], []>, transpose_lhs_hint = false} : vector<1000x128xf32>, vector<128x256xf32>, vector<1000x256xf32> -> vector<1000x256xf32>
    %add3A = arith.addf %dot_general3A_5, %dot_general3A_13 : vector<1000x256xf32>
    %get3A_14 = arith.constant 0 : index
    %get3A_15 = arith.constant 0 : index
    %get3A_16 = vector.load %arg4[%get3A_14, %get3A_15] : memref<1x256xf32, #tpu.memory_space<vmem>>, vector<1x256xf32>
    %add3A_17 = vector.broadcast %get3A_16 : vector<1x256xf32> to vector<1000x256xf32>
    %add3A_18 = arith.addf %add3A, %add3A_17 : vector<1000x256xf32>
    %swap3A = arith.constant 0 : index
    %swap3A_19 = arith.constant 0 : index
    %swap3A_20 = vector.load %arg5[%swap3A, %swap3A_19] : memref<1000x256xf32, #tpu.memory_space<vmem>>, vector<1000x256xf32>
    tpu.vector_store %arg5[%swap3A, %swap3A_19], %add3A_18 {strides = array<i32>} : memref<1000x256xf32, #tpu.memory_space<vmem>>, vector<1000x256xf32>,
    return
  }
  func.func @transform_0(%arg0: i32) -> (i32, i32) {
    %c0_i32 = arith.constant 0 : i32
    %c0_i32_0 = arith.constant 0 : i32
    return %arg0, %c0_i32 : i32, i32
  }
  func.func @transform_1(%arg0: i32) -> (i32, i32) {
    %add3A = arith.constant 10 : i32
    %add3A_0 = arith.addi %arg0, %add3A : i32
    %c0_i32 = arith.constant 0 : i32
    %c0_i32_1 = arith.constant 0 : i32
    return %add3A_0, %c0_i32 : i32, i32
  }
  func.func @transform_2(%arg0: i32) -> (i32, i32) {
    %c0_i32 = arith.constant 0 : i32
    %c0_i32_0 = arith.constant 0 : i32
    %c0_i32_1 = arith.constant 0 : i32
    return %c0_i32, %c0_i32_0 : i32, i32
  }
  func.func @transform_3(%arg0: i32) -> (i32, i32) {
    %c0_i32 = arith.constant 0 : i32
    %c0_i32_0 = arith.constant 0 : i32
    %c0_i32_1 = arith.constant 0 : i32
    return %c0_i32, %c0_i32_0 : i32, i32
  }
  func.func @transform_4(%arg0: i32) -> (i32, i32) {
    %c0_i32 = arith.constant 0 : i32
    %c0_i32_0 = arith.constant 0 : i32
    return %arg0, %c0_i32 : i32, i32
  }
}

</mosaic_0001>

<sc_bundles>
// kernel: kernel.17.cloned.1.call-start
scs
__scs_entry_jumppad:
0x0: {  	(pc) =	sbr.rel $0x88, $3  }
0x1: {  	(tag) =	ssettag $0x0;
	lr =	simm.s32 $0x1  }
0x2: {  	[smem:$0x3F78] =	sst lr;
	_ =	strace $0xD0000000  }
0x3: {  	_ = 	snop  }
0x4: {  	_ = 	snop  }
0x5: {  	_ = 	snop  }
0x6: {  	_ = 	snop  }
0x7: {  	_ = 	snop  }
__scs_overlays_trampoline_lowered:
0x8: {  	[smem:$0x3F87] =	sst s0  }
0x9: {  	[smem:$0x3F88] =	sst s1  }
0xa: {  	[smem:$0x3F89] =	sst s2  }
0xb: {  	[smem:$0x3F8A] =	sst s3  }
0xc: {  	[smem:$0x3F8B] =	sst s4  }
0xd: {  	[smem:$0x3F8C] =	sst s5  }
0xe: {  	[smem:$0x3F8D] =	sst s6  }
0xf: {  	[smem:$0x3F8E] =	sst s7  }
0x10: {  	[smem:$0x3F8F] =	sst s8  }
0x11: {  	[smem:$0x3F90] =	sst s9;
	s0 =	simm.s32 @!p0 $0x0  }
0x12: {  	s1 =	sld [smem:$0x3F76];
	s0 =	simm.s32 @p0 $0x1  }
0x13: {  	[smem:$0x3F91] =	sst s0;
	s0 =	simm.s32 @!p1 $0x0  }
0x14: {  	s2 =	sld [smem:$0x3F75];
	s0 =	simm.s32 @p1 $0x1  }
0x15: {  	[smem:$0x3F92] =	sst s0;
	s0 =	simm.s32 @!p2 $0x0  }
0x16: {  	s3 =	sld [smem:$0x3FDB];
	s0 =	simm.s32 @p2 $0x1  }
0x17: {  	s4 =	simm.s32 $0x1BF5;
	[smem:$0x3F94] =	sst s0  }
0x18: {  	s0 =	sld [smem:$0x3F77];
	_ =	swait.ge [sflag:s4], $0x0  }
0x19: {  	s7 =	sld [smem:$0x3F78]  }
0x1a: {  	s8 =	sadd.s32 $0xFFFFE003, lr  }
0x1b: {  	s9 =	sadd.s32 $0xFFFFFEF7, lr;
	s5 =	simm.s32 $0xFFFFFFFF;
	p2 =	slt.u32 s8, $0xFFFFF086  }
0x1c: {  	p1 =	slt.u32 s9, $0xF7A;
	s5 =	simm.s32 @!p2 $0x0  }
0x1d: {  	s5 =	simm.s32 @p1 $0x1;
	p0 =	seq.s32 s7, s2  }
0x1e: {  	s7 =	smul.u32 @!p0 $0xF7A, s2;
	p2 =	seq.s32 @!p0 s5, $0x0  }
0x1f: {  	s9 =	smul.u32 $0xF7A, s1;
	s8 =	simm.s32 @!p0 $0x1BF5;
	p2 =	por !p2, p0  }
0x20: {  	[sflag:s8] =	ssyncset.s32 @!p0 $0xFFFFF086;
	s6 =	sadd.s32 @!p0 s3, s7;
	s7 =	simm.s32 @!p0 $0x108  }
0x21: {  	s3 =	sadd.s32 s3, s9;
	s6 =	sadd.s32 @!p0 $0x88, s6;
	s7 =	simm.s32 @p2 $0x1082  }
0x22: {  	[simem:s7], [sflag:s8] =	dma.local @!p0 [hbm:s6], $0xF7A  }
0x23: {  	s9 =	sor.u32 $0xD0000000, s2;
	s6 =	simm.s32 $0x108;
	_ =	swait.ge @!p0 [sflag:s8], $0x0  }
0x24: {  	s3 =	sadd.s32 $0x88, s3;
	s6 =	simm.s32 @!p1 $0x1082;
	[sflag:s4] =	ssyncset.s32 $0xFFFFF086  }
0x25: {  	[simem:s6], [sflag:s4] =	dma.local [hbm:s3], $0xF7A  }
0x26: {  	[smem:$0x3F78] =	sst s1;
	(tag) =	ssettag s2;
	_ =	strace s9  }
0x27: {  	s1 =	sld [smem:$0x3F88]  }
0x28: {  	s2 =	sld [smem:$0x3F89]  }
0x29: {  	s4 =	sld [smem:$0x3F8B]  }
0x2a: {  	p0 =	seq.s32 s5, $0x0;
	s5 =	sld [smem:$0x3F8C]  }
0x2b: {  	s6 =	sld [smem:$0x3F8D]  }
0x2c: {  	s7 =	sld [smem:$0x3F8E]  }
0x2d: {  	s3 =	simm.s32 $0x108;
	s8 =	sld [smem:$0x3F8F]  }
0x2e: {  	s3 =	simm.s32 @!p0 $0x1082;
	s9 =	sld [smem:$0x3F90]  }
0x2f: {  	lr =	sadd.s32 s0, s3;
	s0 =	sld [smem:$0x3F87]  }
0x30: {  	s3 =	sld [smem:$0x3F8A]  }
0x31: {  	[smem:$0x3F93] =	sst s10  }
0x32: {  	s10 =	sld [smem:$0x3F91];
	_ =	sdelay $0x3  }
0x33: {  	p0 =	seq.s32 s10, $0x1;
	s10 =	sld [smem:$0x3F93];
	_ =	sdelay $0x3  }
0x34: {  	[smem:$0x3F93] =	sst s10  }
0x35: {  	s10 =	sld [smem:$0x3F92];
	_ =	sdelay $0x3  }
0x36: {  	p1 =	seq.s32 s10, $0x1;
	s10 =	sld [smem:$0x3F93];
	_ =	sdelay $0x3  }
0x37: {  	[smem:$0x3F93] =	sst s10  }
0x38: {  	s10 =	sld [smem:$0x3F94]  }
0x39: {  	_ = 	snop;
	(pc) =	sbr.ind lr, $3  }
0x3a: {  	_ = 	snop  }
0x3b: {  	_ = 	snop  }
0x3c: {  	p2 =	seq.s32 s10, $0x1;
	s10 =	sld [smem:$0x3F93]  }
0x3d: {  	_ =	shalt  }
0x3e: {  	_ =	shalt  }
0x3f: {  	_ =	shalt  }
0x40: {  	_ =	shalt  }
0x41: {  	_ =	shalt  }
0x42: {  	_ =	shalt  }
0x43: {  	_ =	shalt  }
0x44: {  	_ =	shalt  }
0x45: {  	_ =	shalt  }
0x46: {  	_ =	shalt  }
0x47: {  	_ =	shalt  }
0x48: {  	_ =	shalt  }
0x49: {  	_ =	shalt  }
0x4a: {  	_ =	shalt  }
0x4b: {  	_ =	shalt  }
0x4c: {  	_ =	shalt  }
0x4d: {  	_ =	shalt  }
0x4e: {  	_ =	shalt  }
0x4f: {  	_ =	shalt  }
0x50: {  	_ =	shalt  }
0x51: {  	_ =	shalt  }
0x52: {  	_ =	shalt  }
0x53: {  	_ =	shalt  }
0x54: {  	_ =	shalt  }
0x55: {  	_ =	shalt  }
0x56: {  	_ =	shalt  }
0x57: {  	_ =	shalt  }
0x58: {  	_ =	shalt  }
0x59: {  	_ =	shalt  }
0x5a: {  	_ =	shalt  }
0x5b: {  	_ =	shalt  }
0x5c: {  	_ =	shalt  }
0x5d: {  	_ =	shalt  }
0x5e: {  	_ =	shalt  }
0x5f: {  	_ =	shalt  }
0x60: {  	_ =	shalt  }
0x61: {  	_ =	shalt  }
0x62: {  	_ =	shalt  }
0x63: {  	_ =	shalt  }
0x64: {  	_ =	shalt  }
0x65: {  	_ =	shalt  }
0x66: {  	_ =	shalt  }
0x67: {  	_ =	shalt  }
0x68: {  	_ =	shalt  }
0x69: {  	_ =	shalt  }
0x6a: {  	_ =	shalt  }
0x6b: {  	_ =	shalt  }
0x6c: {  	_ =	shalt  }
0x6d: {  	_ =	shalt  }
0x6e: {  	_ =	shalt  }
0x6f: {  	_ =	shalt  }
0x70: {  	_ =	shalt  }
0x71: {  	_ =	shalt  }
0x72: {  	_ =	shalt  }
0x73: {  	_ =	shalt  }
0x74: {  	_ =	shalt  }
0x75: {  	_ =	shalt  }
0x76: {  	_ =	shalt  }
0x77: {  	_ =	shalt  }
0x78: {  	_ =	shalt  }
0x79: {  	_ =	shalt  }
0x7a: {  	_ =	shalt  }
0x7b: {  	_ =	shalt  }
0x7c: {  	_ =	shalt  }
0x7d: {  	_ =	shalt  }
0x7e: {  	_ =	shalt  }
0x7f: {  	_ =	shalt  }
0x80: {  	_ =	shalt  }
0x81: {  	_ =	shalt  }
0x82: {  	_ =	shalt  }
0x83: {  	_ =	shalt  }
0x84: {  	_ =	shalt  }
0x85: {  	_ =	shalt  }
0x86: {  	_ =	shalt  }
0x87: {  	_ =	shalt  }
.Lfunc_end0:
.L_simem_size_0:
called_computation_lowered:
.L_overlay_start_0:
0x88: {  	s2 =	sld [smem:$0x3FD9]  }
0x89: {  	s3 =	sld [smem:$0x3FFE];
	_ =	sdelay $0x1  }
0x8a: {  	s1 =	srdreg.scid  }
0x8b: {  	s0 =	sand.u32 $0x1, s1  }
0x8c: {  	s17 =	sshll.u32 s0, $0xA;
	s2 =	sadd.s32 s3, s2  }
0x8d: {  	s2 =	sadd.s32 s2, s17  }
0x8e: {  	[smem:$0x3F9F] =	sst s2  }
0x8f: {  	_ = 	snop  }
0x90: {  	s2 =	sld [smem:$0x3FD0];
	(tm) =	ssettm $0x1  }
0x91: {  	s18 =	sld [smem:$0x3FFB];
	_ =	sdelay $0x3  }
0x92: {  	_ =	strace s18  }
0x93: {  	s3 =	sld [smem:$0x3FFC];
	_ =	sdelay $0x3  }
0x94: {  	_ =	strace s3  }
0x95: {  	s3 =	sld [smem:$0x3FFD];
	_ =	sdelay $0x3  }
0x96: {  	_ =	strace s3  }
0x97: {  	_ =	strace $0x8FFFFFFF  }
0x98: {  	s19 =	sld [smem:$0x3FDB];
	_ =	sdelay $0x1  }
0x99: {  	s4 =	simm.s32 $_scs_section_size  }
0x9a: {  	s5 =	simm.s32 $_size__tile_overlayer_lowered;
	s6 =	simm.s32 $_tile_overlayer_lowered  }
0x9b: {  	s22 =	simm.s32 $0x1BFF;
	s21 =	sshll.u32 s6, $0x1;
	s3 =	sadd.s32 s4, s19  }
0x9c: {  	s7 =	simm.s32 $0x0;
	s20 =	sshll.u32 s5, $0x1;
	s5 =	sadd.s32 s21, s3  }
0x9d: {  	[timem:s7], [sflag:s22] =	dma.local [hbm:s5], s20  }
0x9e: {  	_ =	swait.ge [sflag:s22], s20  }
0x9f: {  	s4 =	ssub.s32 $0x0, s20;
	[sflag:s22] =	ssyncset.done $0x0  }
0xa0: {  	[sflag:s22] =	ssyncadd.s32 s4;
	_ =	sdelay $0x1  }
0xa1: {  	s23 =	simm.s32 $0x1B8B  }
0xa2: {  	_ =	swait.ge [sflag:s23], $0x1  }
0xa3: {  	[sflag:s23] =	ssyncset.done $0x0  }
0xa4: {  	s25 =	simm.s32 $0x1B8E;
	s24 =	sld [smem:$0x3FFE];
	[sflag:s23] =	ssyncadd.s32 $0xFFFFFFFF  }
0xa5: {  	s26 =	simm.s32 $execute0_lowered;
	[smem:$0x3FD2] =	sst s25  }
0xa6: {  	s5 =	sshll.u32 s26, $0x1;
	_ =	strace $0x80000046;
	[dreg:$0x1] =	wrdreg $0xFFFFFFFF  }
0xa7: {  	s28 =	simm.s32 $_size_execute0_lowered;
	s3 =	sadd.s32 s3, s5;
	[dreg:$0x0] =	wrdreg $0x0  }
0xa8: {  	s5 =	sshll.u32 s28, $0x1;
	[dreg:$0x2] =	wrdreg s3  }
0xa9: {  	[dreg:$0x3] =	wrdreg s5  }
0xaa: {  	[dreg:$0x4] =	wrdreg $0xC0  }
0xab: {  	_ =	task [dreg:s7], $0x5FFFF  }
0xac: {  	[dreg:$0x1] =	wrdreg $0xFFFFFFFF  }
0xad: {  	[dreg:$0x0] =	wrdreg $0x60  }
0xae: {  	[dreg:$0x2] =	wrdreg s24  }
0xaf: {  	[dreg:$0x3] =	wrdreg s2  }
0xb0: {  	[dreg:$0x4] =	wrdreg $0x15000  }
0xb1: {  	[dreg:$0x5] =	wrdreg $0x9  }
0xb2: {  	_ =	task.clear_ibuf [dreg:s7], $0x6FFFF;
	_ =	strace $0x90000046  }
0xb3: {  	s29 =	simm.s32 $0x9;
	_ =	strace $0x80000048  }
0xb4: {  	_ =	swait.ge [sflag:s29], $0x1  }
0xb5: {  	[sflag:s29] =	ssyncadd.s32 $0xFFFFFFFF  }
0xb6: {  	_ =	strace $0x90000048  }
0xb7: {  	_ =	sfence  }
0xb8: {  	s30 =	sld [smem:$0x0];
	_ =	sdelay $0x2  }
0xb9: {  	s31 =	sshll.u32 s1, $0xD;
	s1 =	sshrl.u32 s1, $0x2  }
0xba: {  	s3 =	sand.u32 $0x4000, s31;
	s1 =	sadd.s32 s1, s30  }
0xbb: {  	s0 =	sor.u32 s3, s0;
	s1 =	sshll.u32 s1, $0x11  }
0xbc: {  	s0 =	sor.u32 s1, s0  }
0xbd: {  	s0 =	sadd.s32 $0x8F2B, s0  }
0xbe: {  	[sflag:s0] =	ssyncadd.remote.s32 $0x1  }
0xbf: {  	_ =	sfence.sel $0xFFFF  }
0xc0: {  	[dreg:$0x0] =	wrdreg $0xFFFFFFFF;
	(pc) =	sbr.abs _section_cstart, $3  }
0xc1: {  	[dreg:$0x1] =	wrdreg $0xFFFFFFFF  }
0xc2: {  	_ =	task.clear_ibuf [dreg:s7], $0x2FFFF;
	_ =	strace $0x9FFFFFFF  }
0xc3: {  	(tm) =	ssettm $0x7FFFFFFF  }
tec
execute0_lowered:
.L_overlay_start_1:
0x0: {  	(tag) =	ssettag $0x1  }
0x1: {  	s4 =	rddreg [dreg:$0x0]  }
0x2: {  	s6 =	rddreg [dreg:$0x1]  }
0x3: {  	s1 =	rddreg [dreg:$0x2];
	s2 =	srdreg.scid  }
0x4: {  	s0 =	rddreg [dreg:$0x3];
	s12 =	stileid.u32;
	s17 =	simm.s32 $0x100  }
0x5: {  	s18 =	simm.s32 $0x1;
	s19 =	simm.s32 $0x0;
	s8 =	smul.u32 $0x1388, s12  }
0x6: {  	s5 =	sand.u32 $0x1, s2;
	s2 =	simm.s32 $0x0;
	s9 =	smul.u32 $0x4E000, s12  }
0x7: {  	s3 =	sadd.s32 $0x12000, s4;
	s11 =	smul.u32 $0x270, s12;
	s14 =	sadd.s32 $0x12200, s4  }
0x8: {  	s29 =	sshll.u32 s12, $0x6;
	s16 =	sadd.s32 $0x138000, s1;
	s7 =	smul.u32 $0x13880, s5  }
0x9: {  	p0 =	sne.s32 s12, $0x0;
	[smem:$0x7FF] =	sst s2;
	s23 =	smul.u32 $0x2710, s5  }
0xa: {  	s10 =	ssub.s32 $0x2, s5;
	s5 =	smul.u32 $0x138800, s5;
	_ =	strace $0x80000047  }
0xb: {  	s24 =	sshrl.u32 s10, $0x1;
	s25 =	sshrl.u32 s9, $0x2;
	s7 =	sadd.s32 s8, s7  }
0xc: {  	s8 =	sadd.s32 s11, s23;
	s26 =	ssub.s32 s10, s24;
	s15 =	sadd.s32 s25, s1  }
0xd: {  	s30 =	sshrl.u32 s5, $0x3;
	s5 =	sor.u32 $0x1C02, s29;
	s7 =	sshrl.u32 s7, $0x3  }
0xe: {  	s28 =	sshll.u32 s8, $0x4;
	s31 =	sadd.s32 $0x27000, s30;
	s9 =	smax.u32 s26, $0x1  }
0xf: {  	s12 =	sshrl.u32 s15, $0x3;
	s15 =	simm.s32 $0x80;
	s13 =	sadd.s32 s7, s4  }
0x10: {  	s4 =	sadd.s32 s6, s28;
	s6 =	sadd.s32 s6, s31;
	s7 =	sadd.s32 s14, s28  }
0x11: {  	s8 =	sadd.s32 s14, s31;
	s14 =	sshrl.u32 @!p0 s16, $0x3;
	s16 =	simm.s32 $0x28  }
0x12: {  	s10 =	sadd.s32 $0x8000, s13;
	s11 =	sadd.s32 $0xD000, s13;
	s13 =	simm.s32 $0x2  }
.LBB2_1:
0x13: {  	[spmem:s12], [sflag:s5] =	dma.local [hbm:s4], $0x2700  }
0x14: {  	_ =	swait.ge [sflag:s13], $0x2700  }
0x15: {  	[sflag:s13] =	ssyncset.done $0x0  }
0x16: {  	s20 =	simm.s32 @!p0 $0x2;
	[sflag:s13] =	ssyncadd.s32 $0xFFFFD900  }
0x17: {  	[spmem:s14], [sflag:s5] =	dma.local @!p0 [hbm:s6], $0x100  }
0x18: {  	_ =	swait.ge @!p0 [sflag:s20], $0x100  }
0x19: {  	[sflag:s20] =	ssyncset.done @!p0 $0x0  }
0x1a: {  	[sflag:s20] =	ssyncadd.s32 @!p0 $0xFFFFFF00  }
0x1b: {  	s30 =	sadd.s32 $0x0, s11;
	[bflag:$0x0] =	sbarrier.arrive $0xFFFF  }
0x1c: {  	[tilespmem:s2], [sflag:$0x2] =	stream.linear.gather [hbm4b:s30+s2], $0x28, $0x38;
	[tilespmem:$0x14D80] =	vst v63  }
0x1d: {  	_ =	swait.ge [sflag:s13], $0x28  }
0x1e: {  	[sflag:s13] =	ssyncset.done $0x0  }
0x1f: {  	s31 =	sadd.s32 $0x0, s10;
	[sflag:s13] =	ssyncadd.s32 $0xFFFFFFD8  }
0x20: {  	[tilespmem:s15], [sflag:$0x2] =	stream.linear.gather [hbm4b:s31+s2], $0x28, $0x38;
	[tilespmem:$0x14D80] =	vst v63  }
0x21: {  	_ =	swait.ge [sflag:s13], $0x28  }
0x22: {  	[sflag:s13] =	ssyncset.done $0x0  }
0x23: {  	[sflag:s13] =	ssyncadd.s32 $0xFFFFFFD8  }
0x24: {  	[tilespmem:s17], [sflag:$0x1] =	stream.indirect.gather [hbm4b:s3+s16], $0x80, s2, s16, $0xb8;
	[tilespmem:$0x14D80] =	vst v63  }
0x25: {  	_ =	swait.ge [sflag:s18], $0x1400  }
0x26: {  	[sflag:s18] =	ssyncset.done $0x0  }
0x27: {  	[sflag:s18] =	ssyncadd.s32 $0xFFFFEC00  }
0x28: {  	[spmem:s1] =	stream.indirect.scatter.add.f32 [tilespmem:s17], [sflag:$0x2], $0x80, s15, s16, $0xb8;
	[tilespmem:$0x14D80] =	vst v63  }
0x29: {  	_ =	swait.ge [sflag:s13], $0x1400  }
0x2a: {  	s21 =	simm.s32 $0xA;
	s20 =	simm.s32 $0x5;
	[sflag:s13] =	ssyncset.done $0x0  }
.LBB2_2:
0x2b: {  	s22 =	sadd.s32 s20, s11  }
0x2c: {  	[sflag:s13] =	ssyncadd.s32 $0xFFFFEC00;
	s23 =	smov.u32 s21;
	s24 =	sadd.s32 $0x5, s21  }
0x2d: {  	[tilespmem:s2], [sflag:$0x2] =	stream.linear.gather [hbm4b:s22+s2], $0x28, $0x38;
	[tilespmem:$0x14D80] =	vst v63  }
0x2e: {  	p1 =	sne.s32 s21, $0x26C;
	_ =	swait.ge [sflag:s13], $0x28  }
0x2f: {  	[sflag:s13] =	ssyncset.done $0x0  }
0x30: {  	s21 =	sadd.s32 s20, s10;
	s20 =	smov.u32 s23;
	[sflag:s13] =	ssyncadd.s32 $0xFFFFFFD8  }
0x31: {  	[tilespmem:s15], [sflag:$0x2] =	stream.linear.gather [hbm4b:s21+s2], $0x28, $0x38;
	[tilespmem:$0x14D80] =	vst v63  }
0x32: {  	_ =	swait.ge [sflag:s13], $0x28  }
0x33: {  	[sflag:s13] =	ssyncset.done $0x0  }
0x34: {  	[sflag:s13] =	ssyncadd.s32 $0xFFFFFFD8  }
0x35: {  	[tilespmem:s17], [sflag:$0x1] =	stream.indirect.gather [hbm4b:s3+s16], $0x80, s2, s16, $0xb8;
	[tilespmem:$0x14D80] =	vst v63  }
0x36: {  	_ =	swait.ge [sflag:s18], $0x1400  }
.Ltmp0:
0x37: {  	[sflag:s18] =	ssyncset.done $0x0;
	(pc) =	sbr.rel @p1 .LBB2_2-.Ltmp0, $4  }
0x38: {  	[sflag:s18] =	ssyncadd.s32 $0xFFFFEC00  }
0x39: {  	[spmem:s1] =	stream.indirect.scatter.add.f32 [tilespmem:s17], [sflag:$0x2], $0x80, s15, s16, $0xb8;
	[tilespmem:$0x14D80] =	vst v63  }
0x3a: {  	_ =	swait.ge [sflag:s13], $0x1400  }
0x3b: {  	s21 =	smov.u32 s24;
	[sflag:s13] =	ssyncset.done $0x0  }
0x3c: {  	s21 =	sadd.s32 s20, s11;
	[sflag:s13] =	ssyncadd.s32 $0xFFFFEC00  }
0x3d: {  	[tilespmem:s2], [sflag:$0x2] =	stream.linear.gather [hbm4b:s21+s2], $0x28, $0x38;
	[tilespmem:$0x14D80] =	vst v63  }
0x3e: {  	_ =	swait.ge [sflag:s13], $0x28  }
0x3f: {  	[sflag:s13] =	ssyncset.done $0x0  }
0x40: {  	s31 =	sadd.s32 s20, s10;
	[sflag:s13] =	ssyncadd.s32 $0xFFFFFFD8  }
0x41: {  	[tilespmem:s15], [sflag:$0x2] =	stream.linear.gather [hbm4b:s31+s2], $0x28, $0x38;
	[tilespmem:$0x14D80] =	vst v63  }
0x42: {  	_ =	swait.ge [sflag:s13], $0x28  }
0x43: {  	[sflag:s13] =	ssyncset.done $0x0  }
0x44: {  	[sflag:s13] =	ssyncadd.s32 $0xFFFFFFD8  }
0x45: {  	[tilespmem:s17], [sflag:$0x1] =	stream.indirect.gather [hbm4b:s3+s16], $0x80, s2, s16, $0xb8;
	[tilespmem:$0x14D80] =	vst v63  }
0x46: {  	_ =	swait.ge [sflag:s18], $0x1400  }
0x47: {  	[sflag:s18] =	ssyncset.done $0x0  }
0x48: {  	[sflag:s18] =	ssyncadd.s32 $0xFFFFEC00  }
0x49: {  	[spmem:s1] =	stream.indirect.scatter.add.f32 [tilespmem:s17], [sflag:$0x2], $0x80, s15, s16, $0xb8;
	[tilespmem:$0x14D80] =	vst v63  }
0x4a: {  	_ =	swait.ge [sflag:s13], $0x1400  }
0x4b: {  	[sflag:s13] =	ssyncset.done $0x0  }
0x4c: {  	[sflag:s13] =	ssyncadd.s32 $0xFFFFEC00  }
0x4d: {  	[bflag:$0x0] =	sbarrier.arrive $0xFFFF  }
0x4e: {  	[hbm:s7], [sflag:s5] =	dma.local [spmem:s12], $0x2700  }
0x4f: {  	s19 =	sadd.s32 $0x1, s19;
	_ =	swait.ge [sflag:s13], $0x2700  }
0x50: {  	p1 =	sne.s32 s19, s9;
	[sflag:s13] =	ssyncset.done $0x0  }
.Ltmp1:
0x51: {  	s20 =	simm.s32 @!p0 $0x2;
	[sflag:s13] =	ssyncadd.s32 $0xFFFFD900;
	(pc) =	sbr.rel @p1 .LBB2_1-.Ltmp1, $4  }
0x52: {  	[hbm:s8], [sflag:s5] =	dma.local @!p0 [spmem:s14], $0x100  }
0x53: {  	_ =	swait.ge @!p0 [sflag:s20], $0x100  }
0x54: {  	[sflag:s20] =	ssyncset.done @!p0 $0x0  }
0x55: {  	[sflag:s20] =	ssyncadd.s32 @!p0 $0xFFFFFF00  }
0x56: {  	_ =	sfence.sel $0x180000  }
0x57: {  	[bflag:$0x0] =	sbarrier.arrive $0xFFFF  }
0x58: {  	_ =	strace $0x90000047  }
0x59: {  	s0 =	sadd.s32 @!p0 $0x100000, s0;
	[bflag:$0x2] =	sbarrier.arrive $0xFFFF  }
0x5a: {  	[sflag:s0] =	ssyncadd.tile.s32 @!p0 $0x1;
	_ =	shalt  }
.Lfunc_end2:
_tile_overlayer_lowered:
.L_overlay_start_2:
0x5b: {  	(tag) =	ssettag $0x2  }
0x5c: {  	s0 =	rddreg [dreg:$0x0];
	s2 =	stileid.u32  }
0x5d: {  	s1 =	rddreg [dreg:$0x1];
	p0 =	sne.s32 s2, $0x0  }
0x5e: {  	s3 =	rddreg [dreg:$0x2];
	[bflag:$0x3] =	sbarrier.arrive $0xFFFF;
	s2 =	simm.s32 @!p0 $0x1C02  }
0x5f: {  	[timem:s3], [sflag:s2] =	dma.local @!p0 [hbm:s0], s1  }
0x60: {  	s0 =	simm.s32 @!p0 $0x2  }
0x61: {  	_ =	swait.ge @!p0 [sflag:s0], s1  }
0x62: {  	s1 =	ssub.s32 @!p0 $0x0, s1;
	[sflag:s0] =	ssyncset.done @!p0 $0x0  }
0x63: {  	[sflag:s0] =	ssyncadd.s32 @!p0 s1  }
0x64: {  	[bflag:$0x3] =	sbarrier.arrive $0xFFFF  }
0x65: {  	_ =	shalt  }

// kernel: kernel.20.cloned.1.call-start
scs
__scs_entry_jumppad:
0x0: {  	(pc) =	sbr.rel $0x88, $3  }
0x1: {  	(tag) =	ssettag $0x0;
	lr =	simm.s32 $0x1  }
0x2: {  	[smem:$0x3F78] =	sst lr;
	_ =	strace $0xD0000000  }
0x3: {  	_ = 	snop  }
0x4: {  	_ = 	snop  }
0x5: {  	_ = 	snop  }
0x6: {  	_ = 	snop  }
0x7: {  	_ = 	snop  }
__scs_overlays_trampoline_lowered:
0x8: {  	[smem:$0x3F87] =	sst s0  }
0x9: {  	[smem:$0x3F88] =	sst s1  }
0xa: {  	[smem:$0x3F89] =	sst s2  }
0xb: {  	[smem:$0x3F8A] =	sst s3  }
0xc: {  	[smem:$0x3F8B] =	sst s4  }
0xd: {  	[smem:$0x3F8C] =	sst s5  }
0xe: {  	[smem:$0x3F8D] =	sst s6  }
0xf: {  	[smem:$0x3F8E] =	sst s7  }
0x10: {  	[smem:$0x3F8F] =	sst s8  }
0x11: {  	[smem:$0x3F90] =	sst s9;
	s0 =	simm.s32 @!p0 $0x0  }
0x12: {  	s1 =	sld [smem:$0x3F76];
	s0 =	simm.s32 @p0 $0x1  }
0x13: {  	[smem:$0x3F91] =	sst s0;
	s0 =	simm.s32 @!p1 $0x0  }
0x14: {  	s2 =	sld [smem:$0x3F75];
	s0 =	simm.s32 @p1 $0x1  }
0x15: {  	[smem:$0x3F92] =	sst s0;
	s0 =	simm.s32 @!p2 $0x0  }
0x16: {  	s3 =	sld [smem:$0x3FDB];
	s0 =	simm.s32 @p2 $0x1  }
0x17: {  	s4 =	simm.s32 $0x1BF5;
	[smem:$0x3F94] =	sst s0  }
0x18: {  	s0 =	sld [smem:$0x3F77];
	_ =	swait.ge [sflag:s4], $0x0  }
0x19: {  	s7 =	sld [smem:$0x3F78]  }
0x1a: {  	s8 =	sadd.s32 $0xFFFFE003, lr  }
0x1b: {  	s9 =	sadd.s32 $0xFFFFFEF7, lr;
	s5 =	simm.s32 $0xFFFFFFFF;
	p2 =	slt.u32 s8, $0xFFFFF086  }
0x1c: {  	p1 =	slt.u32 s9, $0xF7A;
	s5 =	simm.s32 @!p2 $0x0  }
0x1d: {  	s5 =	simm.s32 @p1 $0x1;
	p0 =	seq.s32 s7, s2  }
0x1e: {  	s7 =	smul.u32 @!p0 $0xF7A, s2;
	p2 =	seq.s32 @!p0 s5, $0x0  }
0x1f: {  	s9 =	smul.u32 $0xF7A, s1;
	s8 =	simm.s32 @!p0 $0x1BF5;
	p2 =	por !p2, p0  }
0x20: {  	[sflag:s8] =	ssyncset.s32 @!p0 $0xFFFFF086;
	s6 =	sadd.s32 @!p0 s3, s7;
	s7 =	simm.s32 @!p0 $0x108  }
0x21: {  	s3 =	sadd.s32 s3, s9;
	s6 =	sadd.s32 @!p0 $0x88, s6;
	s7 =	simm.s32 @p2 $0x1082  }
0x22: {  	[simem:s7], [sflag:s8] =	dma.local @!p0 [hbm:s6], $0xF7A  }
0x23: {  	s9 =	sor.u32 $0xD0000000, s2;
	s6 =	simm.s32 $0x108;
	_ =	swait.ge @!p0 [sflag:s8], $0x0  }
0x24: {  	s3 =	sadd.s32 $0x88, s3;
	s6 =	simm.s32 @!p1 $0x1082;
	[sflag:s4] =	ssyncset.s32 $0xFFFFF086  }
0x25: {  	[simem:s6], [sflag:s4] =	dma.local [hbm:s3], $0xF7A  }
0x26: {  	[smem:$0x3F78] =	sst s1;
	(tag) =	ssettag s2;
	_ =	strace s9  }
0x27: {  	s1 =	sld [smem:$0x3F88]  }
0x28: {  	s2 =	sld [smem:$0x3F89]  }
0x29: {  	s4 =	sld [smem:$0x3F8B]  }
0x2a: {  	p0 =	seq.s32 s5, $0x0;
	s5 =	sld [smem:$0x3F8C]  }
0x2b: {  	s6 =	sld [smem:$0x3F8D]  }
0x2c: {  	s7 =	sld [smem:$0x3F8E]  }
0x2d: {  	s3 =	simm.s32 $0x108;
	s8 =	sld [smem:$0x3F8F]  }
0x2e: {  	s3 =	simm.s32 @!p0 $0x1082;
	s9 =	sld [smem:$0x3F90]  }
0x2f: {  	lr =	sadd.s32 s0, s3;
	s0 =	sld [smem:$0x3F87]  }
0x30: {  	s3 =	sld [smem:$0x3F8A]  }
0x31: {  	[smem:$0x3F93] =	sst s10  }
0x32: {  	s10 =	sld [smem:$0x3F91];
	_ =	sdelay $0x3  }
0x33: {  	p0 =	seq.s32 s10, $0x1;
	s10 =	sld [smem:$0x3F93];
	_ =	sdelay $0x3  }
0x34: {  	[smem:$0x3F93] =	sst s10  }
0x35: {  	s10 =	sld [smem:$0x3F92];
	_ =	sdelay $0x3  }
0x36: {  	p1 =	seq.s32 s10, $0x1;
	s10 =	sld [smem:$0x3F93];
	_ =	sdelay $0x3  }
0x37: {  	[smem:$0x3F93] =	sst s10  }
0x38: {  	s10 =	sld [smem:$0x3F94]  }
0x39: {  	_ = 	snop;
	(pc) =	sbr.ind lr, $3  }
0x3a: {  	_ = 	snop  }
0x3b: {  	_ = 	snop  }
0x3c: {  	p2 =	seq.s32 s10, $0x1;
	s10 =	sld [smem:$0x3F93]  }
0x3d: {  	_ =	shalt  }
0x3e: {  	_ =	shalt  }
0x3f: {  	_ =	shalt  }
0x40: {  	_ =	shalt  }
0x41: {  	_ =	shalt  }
0x42: {  	_ =	shalt  }
0x43: {  	_ =	shalt  }
0x44: {  	_ =	shalt  }
0x45: {  	_ =	shalt  }
0x46: {  	_ =	shalt  }
0x47: {  	_ =	shalt  }
0x48: {  	_ =	shalt  }
0x49: {  	_ =	shalt  }
0x4a: {  	_ =	shalt  }
0x4b: {  	_ =	shalt  }
0x4c: {  	_ =	shalt  }
0x4d: {  	_ =	shalt  }
0x4e: {  	_ =	shalt  }
0x4f: {  	_ =	shalt  }
0x50: {  	_ =	shalt  }
0x51: {  	_ =	shalt  }
0x52: {  	_ =	shalt  }
0x53: {  	_ =	shalt  }
0x54: {  	_ =	shalt  }
0x55: {  	_ =	shalt  }
0x56: {  	_ =	shalt  }
0x57: {  	_ =	shalt  }
0x58: {  	_ =	shalt  }
0x59: {  	_ =	shalt  }
0x5a: {  	_ =	shalt  }
0x5b: {  	_ =	shalt  }
0x5c: {  	_ =	shalt  }
0x5d: {  	_ =	shalt  }
0x5e: {  	_ =	shalt  }
0x5f: {  	_ =	shalt  }
0x60: {  	_ =	shalt  }
0x61: {  	_ =	shalt  }
0x62: {  	_ =	shalt  }
0x63: {  	_ =	shalt  }
0x64: {  	_ =	shalt  }
0x65: {  	_ =	shalt  }
0x66: {  	_ =	shalt  }
0x67: {  	_ =	shalt  }
0x68: {  	_ =	shalt  }
0x69: {  	_ =	shalt  }
0x6a: {  	_ =	shalt  }
0x6b: {  	_ =	shalt  }
0x6c: {  	_ =	shalt  }
0x6d: {  	_ =	shalt  }
0x6e: {  	_ =	shalt  }
0x6f: {  	_ =	shalt  }
0x70: {  	_ =	shalt  }
0x71: {  	_ =	shalt  }
0x72: {  	_ =	shalt  }
0x73: {  	_ =	shalt  }
0x74: {  	_ =	shalt  }
0x75: {  	_ =	shalt  }
0x76: {  	_ =	shalt  }
0x77: {  	_ =	shalt  }
0x78: {  	_ =	shalt  }
0x79: {  	_ =	shalt  }
0x7a: {  	_ =	shalt  }
0x7b: {  	_ =	shalt  }
0x7c: {  	_ =	shalt  }
0x7d: {  	_ =	shalt  }
0x7e: {  	_ =	shalt  }
0x7f: {  	_ =	shalt  }
0x80: {  	_ =	shalt  }
0x81: {  	_ =	shalt  }
0x82: {  	_ =	shalt  }
0x83: {  	_ =	shalt  }
0x84: {  	_ =	shalt  }
0x85: {  	_ =	shalt  }
0x86: {  	_ =	shalt  }
0x87: {  	_ =	shalt  }
.Lfunc_end0:
.L_simem_size_0:
called_computation.1_lowered:
.L_overlay_start_0:
0x88: {  	s2 =	sld [smem:$0x3FD9]  }
0x89: {  	s3 =	sld [smem:$0x3FFE];
	_ =	sdelay $0x1  }
0x8a: {  	s1 =	srdreg.scid  }
0x8b: {  	s0 =	sand.u32 $0x1, s1  }
0x8c: {  	s17 =	sshll.u32 s0, $0xA;
	s2 =	sadd.s32 s3, s2  }
0x8d: {  	s2 =	sadd.s32 s2, s17  }
0x8e: {  	[smem:$0x3F9F] =	sst s2  }
0x8f: {  	_ = 	snop  }
0x90: {  	s2 =	sld [smem:$0x3FD0];
	(tm) =	ssettm $0x1  }
0x91: {  	s18 =	sld [smem:$0x3FFB];
	_ =	sdelay $0x3  }
0x92: {  	_ =	strace s18  }
0x93: {  	s3 =	sld [smem:$0x3FFC];
	_ =	sdelay $0x3  }
0x94: {  	_ =	strace s3  }
0x95: {  	s3 =	sld [smem:$0x3FFD];
	_ =	sdelay $0x3  }
0x96: {  	_ =	strace s3  }
0x97: {  	_ =	strace $0x8FFFFFFF  }
0x98: {  	s19 =	sld [smem:$0x3FDB];
	_ =	sdelay $0x1  }
0x99: {  	s4 =	simm.s32 $_scs_section_size  }
0x9a: {  	s5 =	simm.s32 $_size__tile_overlayer_lowered;
	s6 =	simm.s32 $_tile_overlayer_lowered  }
0x9b: {  	s22 =	simm.s32 $0x1BFF;
	s21 =	sshll.u32 s6, $0x1;
	s3 =	sadd.s32 s4, s19  }
0x9c: {  	s7 =	simm.s32 $0x0;
	s20 =	sshll.u32 s5, $0x1;
	s5 =	sadd.s32 s21, s3  }
0x9d: {  	[timem:s7], [sflag:s22] =	dma.local [hbm:s5], s20  }
0x9e: {  	_ =	swait.ge [sflag:s22], s20  }
0x9f: {  	s4 =	ssub.s32 $0x0, s20;
	[sflag:s22] =	ssyncset.done $0x0  }
0xa0: {  	[sflag:s22] =	ssyncadd.s32 s4;
	_ =	sdelay $0x1  }
0xa1: {  	s23 =	simm.s32 $0x1B8B  }
0xa2: {  	_ =	swait.ge [sflag:s23], $0x1  }
0xa3: {  	[sflag:s23] =	ssyncset.done $0x0  }
0xa4: {  	s25 =	simm.s32 $0x1B8E;
	s24 =	sld [smem:$0x3FFE];
	[sflag:s23] =	ssyncadd.s32 $0xFFFFFFFF  }
0xa5: {  	s26 =	simm.s32 $execute0_lowered;
	[smem:$0x3FD2] =	sst s25  }
0xa6: {  	s5 =	sshll.u32 s26, $0x1;
	_ =	strace $0x80000049;
	[dreg:$0x1] =	wrdreg $0xFFFFFFFF  }
0xa7: {  	s28 =	simm.s32 $_size_execute0_lowered;
	s3 =	sadd.s32 s3, s5;
	[dreg:$0x0] =	wrdreg $0x0  }
0xa8: {  	s5 =	sshll.u32 s28, $0x1;
	[dreg:$0x2] =	wrdreg s3  }
0xa9: {  	[dreg:$0x3] =	wrdreg s5  }
0xaa: {  	[dreg:$0x4] =	wrdreg $0xC0  }
0xab: {  	_ =	task [dreg:s7], $0x5FFFF  }
0xac: {  	[dreg:$0x1] =	wrdreg $0xFFFFFFFF  }
0xad: {  	[dreg:$0x0] =	wrdreg $0x60  }
0xae: {  	[dreg:$0x2] =	wrdreg s2  }
0xaf: {  	[dreg:$0x3] =	wrdreg s24  }
0xb0: {  	[dreg:$0x4] =	wrdreg $0x29000  }
0xb1: {  	[dreg:$0x5] =	wrdreg $0x9  }
0xb2: {  	_ =	task.clear_ibuf [dreg:s7], $0x6FFFF;
	_ =	strace $0x90000049  }
0xb3: {  	s29 =	simm.s32 $0x9;
	_ =	strace $0x8000004B  }
0xb4: {  	_ =	swait.ge [sflag:s29], $0x1  }
0xb5: {  	[sflag:s29] =	ssyncadd.s32 $0xFFFFFFFF  }
0xb6: {  	_ =	strace $0x9000004B  }
0xb7: {  	_ =	sfence  }
0xb8: {  	s30 =	sld [smem:$0x0];
	_ =	sdelay $0x2  }
0xb9: {  	s31 =	sshll.u32 s1, $0xD;
	s1 =	sshrl.u32 s1, $0x2  }
0xba: {  	s3 =	sand.u32 $0x4000, s31;
	s1 =	sadd.s32 s1, s30  }
0xbb: {  	s0 =	sor.u32 s3, s0;
	s1 =	sshll.u32 s1, $0x11  }
0xbc: {  	s0 =	sor.u32 s1, s0  }
0xbd: {  	s0 =	sadd.s32 $0x8F2B, s0  }
0xbe: {  	[sflag:s0] =	ssyncadd.remote.s32 $0x1  }
0xbf: {  	_ =	sfence.sel $0xFFFF  }
0xc0: {  	[dreg:$0x0] =	wrdreg $0xFFFFFFFF;
	(pc) =	sbr.abs _section_cstart, $3  }
0xc1: {  	[dreg:$0x1] =	wrdreg $0xFFFFFFFF  }
0xc2: {  	_ =	task.clear_ibuf [dreg:s7], $0x2FFFF;
	_ =	strace $0x9FFFFFFF  }
0xc3: {  	(tm) =	ssettm $0x7FFFFFFF  }
tec
execute0_lowered:
.L_overlay_start_1:
0x0: {  	(tag) =	ssettag $0x1  }
0x1: {  	s0 =	rddreg [dreg:$0x0]  }
0x2: {  	s1 =	srdreg.scid;
	s4 =	rddreg [dreg:$0x1]  }
0x3: {  	s12 =	stileid.u32;
	s2 =	rddreg [dreg:$0x2];
	s3 =	simm.s32 $0x0  }
0x4: {  	s17 =	simm.s32 $0x100;
	s18 =	simm.s32 $0x1;
	s7 =	smul.u32 $0x2710, s12  }
0x5: {  	s5 =	sand.u32 $0x1, s1;
	s1 =	rddreg [dreg:$0x3];
	s23 =	smul.u32 $0x4E2, s12  }
0x6: {  	s19 =	simm.s32 $0x0;
	[smem:$0x7FF] =	sst s3;
	s8 =	smul.u32 $0x4E000, s12  }
0x7: {  	s9 =	smul.u32 $0x270, s12;
	s13 =	sadd.s32 $0x6A200, s4;
	s14 =	sadd.s32 $0xB8400, s4  }
0x8: {  	s30 =	sshll.u32 s12, $0x6;
	s16 =	sadd.s32 $0x138000, s2;
	s6 =	smul.u32 $0x27100, s5  }
0x9: {  	p0 =	sne.s32 s12, $0x0;
	_ =	strace $0x8000004A;
	s24 =	smul.u32 $0x2710, s5  }
0xa: {  	s25 =	ssub.s32 $0x2, s5;
	s5 =	smul.u32 $0x138800, s5;
	s11 =	sadd.s32 s23, s4  }
0xb: {  	s26 =	sshrl.u32 s25, $0x1;
	s8 =	sshrl.u32 s8, $0x2;
	s6 =	sadd.s32 s7, s6  }
0xc: {  	s28 =	ssub.s32 s25, s26;
	s15 =	sadd.s32 s8, s2;
	s31 =	sshrl.u32 s5, $0x3  }
0xd: {  	s5 =	sor.u32 $0x1C02, s30;
	s11 =	sadd.s32 $0x8000, s11;
	s6 =	sshrl.u32 s6, $0x3  }
0xe: {  	s8 =	sadd.s32 $0x27000, s31;
	s12 =	sshrl.u32 s15, $0x3;
	s15 =	simm.s32 $0x80  }
0xf: {  	s10 =	sadd.s32 s6, s4;
	s6 =	sadd.s32 s9, s24;
	s9 =	smax.u32 s28, $0x1  }
0x10: {  	s29 =	sshll.u32 s6, $0x4;
	s6 =	sadd.s32 s13, s8;
	s8 =	sadd.s32 s14, s8  }
0x11: {  	s10 =	sadd.s32 $0x60400, s10;
	s4 =	sadd.s32 s13, s29;
	s7 =	sadd.s32 s14, s29  }
0x12: {  	s13 =	simm.s32 $0x2;
	s14 =	sshrl.u32 @!p0 s16, $0x3;
	s16 =	simm.s32 $0x50  }
.LBB2_1:
0x13: {  	[spmem:s12], [sflag:s5] =	dma.local [hbm:s4], $0x2700  }
0x14: {  	_ =	swait.ge [sflag:s13], $0x2700  }
0x15: {  	[sflag:s13] =	ssyncset.done $0x0  }
0x16: {  	s20 =	simm.s32 @!p0 $0x2;
	[sflag:s13] =	ssyncadd.s32 $0xFFFFD900  }
0x17: {  	[spmem:s14], [sflag:s5] =	dma.local @!p0 [hbm:s6], $0x100  }
0x18: {  	_ =	swait.ge @!p0 [sflag:s20], $0x100  }
0x19: {  	[sflag:s20] =	ssyncset.done @!p0 $0x0  }
0x1a: {  	[sflag:s20] =	ssyncadd.s32 @!p0 $0xFFFFFF00  }
0x1b: {  	s30 =	sadd.s32 $0x0, s10;
	[bflag:$0x0] =	sbarrier.arrive $0xFFFF  }
0x1c: {  	[tilespmem:s3], [sflag:$0x2] =	stream.linear.gather [hbm4b:s30+s3], $0x50, $0x38;
	[tilespmem:$0x16180] =	vst v63  }
0x1d: {  	_ =	swait.ge [sflag:s13], $0x50  }
0x1e: {  	[sflag:s13] =	ssyncset.done $0x0  }
0x1f: {  	s31 =	sadd.s32 $0x0, s11;
	[sflag:s13] =	ssyncadd.s32 $0xFFFFFFB0  }
0x20: {  	[tilespmem:s15], [sflag:$0x2] =	stream.linear.gather [hbm4b:s31+s3], $0x50, $0x38;
	[tilespmem:$0x16180] =	vst v63  }
0x21: {  	_ =	swait.ge [sflag:s13], $0x50  }
0x22: {  	[sflag:s13] =	ssyncset.done $0x0  }
0x23: {  	[sflag:s13] =	ssyncadd.s32 $0xFFFFFFB0  }
0x24: {  	[tilespmem:s17], [sflag:$0x1] =	stream.indirect.gather [hbm4b:s0+s16], $0x80, s3, s16, $0xb8;
	[tilespmem:$0x16180] =	vst v63  }
0x25: {  	_ =	swait.ge [sflag:s18], $0x2800  }
0x26: {  	[sflag:s18] =	ssyncset.done $0x0  }
0x27: {  	[sflag:s18] =	ssyncadd.s32 $0xFFFFD800  }
0x28: {  	[spmem:s2] =	stream.indirect.scatter.add.f32 [tilespmem:s17], [sflag:$0x2], $0x80, s15, s16, $0xb8;
	[tilespmem:$0x16180] =	vst v63  }
0x29: {  	_ =	swait.ge [sflag:s13], $0x2800  }
0x2a: {  	s21 =	simm.s32 $0x14;
	s20 =	simm.s32 $0xA;
	[sflag:s13] =	ssyncset.done $0x0  }
.LBB2_2:
0x2b: {  	s22 =	sadd.s32 s20, s10  }
0x2c: {  	[sflag:s13] =	ssyncadd.s32 $0xFFFFD800;
	s23 =	smov.u32 s21;
	s24 =	sadd.s32 $0xA, s21  }
0x2d: {  	[tilespmem:s3], [sflag:$0x2] =	stream.linear.gather [hbm4b:s22+s3], $0x50, $0x38;
	[tilespmem:$0x16180] =	vst v63  }
0x2e: {  	p1 =	sne.s32 s21, $0x4D8;
	_ =	swait.ge [sflag:s13], $0x50  }
0x2f: {  	[sflag:s13] =	ssyncset.done $0x0  }
0x30: {  	s21 =	sadd.s32 s20, s11;
	s20 =	smov.u32 s23;
	[sflag:s13] =	ssyncadd.s32 $0xFFFFFFB0  }
0x31: {  	[tilespmem:s15], [sflag:$0x2] =	stream.linear.gather [hbm4b:s21+s3], $0x50, $0x38;
	[tilespmem:$0x16180] =	vst v63  }
0x32: {  	_ =	swait.ge [sflag:s13], $0x50  }
0x33: {  	[sflag:s13] =	ssyncset.done $0x0  }
0x34: {  	[sflag:s13] =	ssyncadd.s32 $0xFFFFFFB0  }
0x35: {  	[tilespmem:s17], [sflag:$0x1] =	stream.indirect.gather [hbm4b:s0+s16], $0x80, s3, s16, $0xb8;
	[tilespmem:$0x16180] =	vst v63  }
0x36: {  	_ =	swait.ge [sflag:s18], $0x2800  }
.Ltmp0:
0x37: {  	[sflag:s18] =	ssyncset.done $0x0;
	(pc) =	sbr.rel @p1 .LBB2_2-.Ltmp0, $4  }
0x38: {  	[sflag:s18] =	ssyncadd.s32 $0xFFFFD800  }
0x39: {  	[spmem:s2] =	stream.indirect.scatter.add.f32 [tilespmem:s17], [sflag:$0x2], $0x80, s15, s16, $0xb8;
	[tilespmem:$0x16180] =	vst v63  }
0x3a: {  	_ =	swait.ge [sflag:s13], $0x2800  }
0x3b: {  	s21 =	smov.u32 s24;
	[sflag:s13] =	ssyncset.done $0x0  }
0x3c: {  	s21 =	sadd.s32 s20, s10;
	[sflag:s13] =	ssyncadd.s32 $0xFFFFD800  }
0x3d: {  	[tilespmem:s3], [sflag:$0x2] =	stream.linear.gather [hbm4b:s21+s3], $0x50, $0x38;
	[tilespmem:$0x16180] =	vst v63  }
0x3e: {  	_ =	swait.ge [sflag:s13], $0x50  }
0x3f: {  	[sflag:s13] =	ssyncset.done $0x0  }
0x40: {  	s31 =	sadd.s32 s20, s11;
	[sflag:s13] =	ssyncadd.s32 $0xFFFFFFB0  }
0x41: {  	[tilespmem:s15], [sflag:$0x2] =	stream.linear.gather [hbm4b:s31+s3], $0x50, $0x38;
	[tilespmem:$0x16180] =	vst v63  }
0x42: {  	_ =	swait.ge [sflag:s13], $0x50  }
0x43: {  	[sflag:s13] =	ssyncset.done $0x0  }
0x44: {  	[sflag:s13] =	ssyncadd.s32 $0xFFFFFFB0  }
0x45: {  	[tilespmem:s17], [sflag:$0x1] =	stream.indirect.gather [hbm4b:s0+s16], $0x80, s3, s16, $0xb8;
	[tilespmem:$0x16180] =	vst v63  }
0x46: {  	_ =	swait.ge [sflag:s18], $0x2800  }
0x47: {  	[sflag:s18] =	ssyncset.done $0x0  }
0x48: {  	[sflag:s18] =	ssyncadd.s32 $0xFFFFD800  }
0x49: {  	[spmem:s2] =	stream.indirect.scatter.add.f32 [tilespmem:s17], [sflag:$0x2], $0x80, s15, s16, $0xb8;
	[tilespmem:$0x16180] =	vst v63  }
0x4a: {  	_ =	swait.ge [sflag:s13], $0x2800  }
0x4b: {  	[sflag:s13] =	ssyncset.done $0x0  }
0x4c: {  	[sflag:s13] =	ssyncadd.s32 $0xFFFFD800  }
0x4d: {  	[bflag:$0x0] =	sbarrier.arrive $0xFFFF  }
0x4e: {  	[hbm:s7], [sflag:s5] =	dma.local [spmem:s12], $0x2700  }
0x4f: {  	s19 =	sadd.s32 $0x1, s19;
	_ =	swait.ge [sflag:s13], $0x2700  }
0x50: {  	p1 =	sne.s32 s19, s9;
	[sflag:s13] =	ssyncset.done $0x0  }
.Ltmp1:
0x51: {  	s20 =	simm.s32 @!p0 $0x2;
	[sflag:s13] =	ssyncadd.s32 $0xFFFFD900;
	(pc) =	sbr.rel @p1 .LBB2_1-.Ltmp1, $4  }
0x52: {  	[hbm:s8], [sflag:s5] =	dma.local @!p0 [spmem:s14], $0x100  }
0x53: {  	_ =	swait.ge @!p0 [sflag:s20], $0x100  }
0x54: {  	[sflag:s20] =	ssyncset.done @!p0 $0x0  }
0x55: {  	[sflag:s20] =	ssyncadd.s32 @!p0 $0xFFFFFF00  }
0x56: {  	_ =	sfence.sel $0x180000  }
0x57: {  	[bflag:$0x0] =	sbarrier.arrive $0xFFFF  }
0x58: {  	_ =	strace $0x9000004A  }
0x59: {  	s0 =	sadd.s32 @!p0 $0x100000, s1;
	[bflag:$0x2] =	sbarrier.arrive $0xFFFF  }
0x5a: {  	[sflag:s0] =	ssyncadd.tile.s32 @!p0 $0x1;
	_ =	shalt  }
.Lfunc_end2:
_tile_overlayer_lowered:
.L_overlay_start_2:
0x5b: {  	(tag) =	ssettag $0x2  }
0x5c: {  	s0 =	rddreg [dreg:$0x0];
	s2 =	stileid.u32  }
0x5d: {  	s1 =	rddreg [dreg:$0x1];
	p0 =	sne.s32 s2, $0x0  }
0x5e: {  	s3 =	rddreg [dreg:$0x2];
	[bflag:$0x3] =	sbarrier.arrive $0xFFFF;
	s2 =	simm.s32 @!p0 $0x1C02  }
0x5f: {  	[timem:s3], [sflag:s2] =	dma.local @!p0 [hbm:s0], s1  }
0x60: {  	s0 =	simm.s32 @!p0 $0x2  }
0x61: {  	_ =	swait.ge @!p0 [sflag:s0], s1  }
0x62: {  	s1 =	ssub.s32 @!p0 $0x0, s1;
	[sflag:s0] =	ssyncset.done @!p0 $0x0  }
0x63: {  	[sflag:s0] =	ssyncadd.s32 @!p0 s1  }
0x64: {  	[bflag:$0x3] =	sbarrier.arrive $0xFFFF  }
0x65: {  	_ =	shalt  }

// kernel: kernel.23.cloned.1.call-start
scs
__scs_entry_jumppad:
0x0: {  	(pc) =	sbr.rel $0x88, $3  }
0x1: {  	(tag) =	ssettag $0x0;
	lr =	simm.s32 $0x1  }
0x2: {  	[smem:$0x3F78] =	sst lr;
	_ =	strace $0xD0000000  }
0x3: {  	_ = 	snop  }
0x4: {  	_ = 	snop  }
0x5: {  	_ = 	snop  }
0x6: {  	_ = 	snop  }
0x7: {  	_ = 	snop  }
__scs_overlays_trampoline_lowered:
0x8: {  	[smem:$0x3F87] =	sst s0  }
0x9: {  	[smem:$0x3F88] =	sst s1  }
0xa: {  	[smem:$0x3F89] =	sst s2  }
0xb: {  	[smem:$0x3F8A] =	sst s3  }
0xc: {  	[smem:$0x3F8B] =	sst s4  }
0xd: {  	[smem:$0x3F8C] =	sst s5  }
0xe: {  	[smem:$0x3F8D] =	sst s6  }
0xf: {  	[smem:$0x3F8E] =	sst s7  }
0x10: {  	[smem:$0x3F8F] =	sst s8  }
0x11: {  	[smem:$0x3F90] =	sst s9;
	s0 =	simm.s32 @!p0 $0x0  }
0x12: {  	s1 =	sld [smem:$0x3F76];
	s0 =	simm.s32 @p0 $0x1  }
0x13: {  	[smem:$0x3F91] =	sst s0;
	s0 =	simm.s32 @!p1 $0x0  }
0x14: {  	s2 =	sld [smem:$0x3F75];
	s0 =	simm.s32 @p1 $0x1  }
0x15: {  	[smem:$0x3F92] =	sst s0;
	s0 =	simm.s32 @!p2 $0x0  }
0x16: {  	s3 =	sld [smem:$0x3FDB];
	s0 =	simm.s32 @p2 $0x1  }
0x17: {  	s4 =	simm.s32 $0x1BF5;
	[smem:$0x3F94] =	sst s0  }
0x18: {  	s0 =	sld [smem:$0x3F77];
	_ =	swait.ge [sflag:s4], $0x0  }
0x19: {  	s7 =	sld [smem:$0x3F78]  }
0x1a: {  	s8 =	sadd.s32 $0xFFFFE003, lr  }
0x1b: {  	s9 =	sadd.s32 $0xFFFFFEF7, lr;
	s5 =	simm.s32 $0xFFFFFFFF;
	p2 =	slt.u32 s8, $0xFFFFF086  }
0x1c: {  	p1 =	slt.u32 s9, $0xF7A;
	s5 =	simm.s32 @!p2 $0x0  }
0x1d: {  	s5 =	simm.s32 @p1 $0x1;
	p0 =	seq.s32 s7, s2  }
0x1e: {  	s7 =	smul.u32 @!p0 $0xF7A, s2;
	p2 =	seq.s32 @!p0 s5, $0x0  }
0x1f: {  	s9 =	smul.u32 $0xF7A, s1;
	s8 =	simm.s32 @!p0 $0x1BF5;
	p2 =	por !p2, p0  }
0x20: {  	[sflag:s8] =	ssyncset.s32 @!p0 $0xFFFFF086;
	s6 =	sadd.s32 @!p0 s3, s7;
	s7 =	simm.s32 @!p0 $0x108  }
0x21: {  	s3 =	sadd.s32 s3, s9;
	s6 =	sadd.s32 @!p0 $0x88, s6;
	s7 =	simm.s32 @p2 $0x1082  }
0x22: {  	[simem:s7], [sflag:s8] =	dma.local @!p0 [hbm:s6], $0xF7A  }
0x23: {  	s9 =	sor.u32 $0xD0000000, s2;
	s6 =	simm.s32 $0x108;
	_ =	swait.ge @!p0 [sflag:s8], $0x0  }
0x24: {  	s3 =	sadd.s32 $0x88, s3;
	s6 =	simm.s32 @!p1 $0x1082;
	[sflag:s4] =	ssyncset.s32 $0xFFFFF086  }
0x25: {  	[simem:s6], [sflag:s4] =	dma.local [hbm:s3], $0xF7A  }
0x26: {  	[smem:$0x3F78] =	sst s1;
	(tag) =	ssettag s2;
	_ =	strace s9  }
0x27: {  	s1 =	sld [smem:$0x3F88]  }
0x28: {  	s2 =	sld [smem:$0x3F89]  }
0x29: {  	s4 =	sld [smem:$0x3F8B]  }
0x2a: {  	p0 =	seq.s32 s5, $0x0;
	s5 =	sld [smem:$0x3F8C]  }
0x2b: {  	s6 =	sld [smem:$0x3F8D]  }
0x2c: {  	s7 =	sld [smem:$0x3F8E]  }
0x2d: {  	s3 =	simm.s32 $0x108;
	s8 =	sld [smem:$0x3F8F]  }
0x2e: {  	s3 =	simm.s32 @!p0 $0x1082;
	s9 =	sld [smem:$0x3F90]  }
0x2f: {  	lr =	sadd.s32 s0, s3;
	s0 =	sld [smem:$0x3F87]  }
0x30: {  	s3 =	sld [smem:$0x3F8A]  }
0x31: {  	[smem:$0x3F93] =	sst s10  }
0x32: {  	s10 =	sld [smem:$0x3F91];
	_ =	sdelay $0x3  }
0x33: {  	p0 =	seq.s32 s10, $0x1;
	s10 =	sld [smem:$0x3F93];
	_ =	sdelay $0x3  }
0x34: {  	[smem:$0x3F93] =	sst s10  }
0x35: {  	s10 =	sld [smem:$0x3F92];
	_ =	sdelay $0x3  }
0x36: {  	p1 =	seq.s32 s10, $0x1;
	s10 =	sld [smem:$0x3F93];
	_ =	sdelay $0x3  }
0x37: {  	[smem:$0x3F93] =	sst s10  }
0x38: {  	s10 =	sld [smem:$0x3F94]  }
0x39: {  	_ = 	snop;
	(pc) =	sbr.ind lr, $3  }
0x3a: {  	_ = 	snop  }
0x3b: {  	_ = 	snop  }
0x3c: {  	p2 =	seq.s32 s10, $0x1;
	s10 =	sld [smem:$0x3F93]  }
0x3d: {  	_ =	shalt  }
0x3e: {  	_ =	shalt  }
0x3f: {  	_ =	shalt  }
0x40: {  	_ =	shalt  }
0x41: {  	_ =	shalt  }
0x42: {  	_ =	shalt  }
0x43: {  	_ =	shalt  }
0x44: {  	_ =	shalt  }
0x45: {  	_ =	shalt  }
0x46: {  	_ =	shalt  }
0x47: {  	_ =	shalt  }
0x48: {  	_ =	shalt  }
0x49: {  	_ =	shalt  }
0x4a: {  	_ =	shalt  }
0x4b: {  	_ =	shalt  }
0x4c: {  	_ =	shalt  }
0x4d: {  	_ =	shalt  }
0x4e: {  	_ =	shalt  }
0x4f: {  	_ =	shalt  }
0x50: {  	_ =	shalt  }
0x51: {  	_ =	shalt  }
0x52: {  	_ =	shalt  }
0x53: {  	_ =	shalt  }
0x54: {  	_ =	shalt  }
0x55: {  	_ =	shalt  }
0x56: {  	_ =	shalt  }
0x57: {  	_ =	shalt  }
0x58: {  	_ =	shalt  }
0x59: {  	_ =	shalt  }
0x5a: {  	_ =	shalt  }
0x5b: {  	_ =	shalt  }
0x5c: {  	_ =	shalt  }
0x5d: {  	_ =	shalt  }
0x5e: {  	_ =	shalt  }
0x5f: {  	_ =	shalt  }
0x60: {  	_ =	shalt  }
0x61: {  	_ =	shalt  }
0x62: {  	_ =	shalt  }
0x63: {  	_ =	shalt  }
0x64: {  	_ =	shalt  }
0x65: {  	_ =	shalt  }
0x66: {  	_ =	shalt  }
0x67: {  	_ =	shalt  }
0x68: {  	_ =	shalt  }
0x69: {  	_ =	shalt  }
0x6a: {  	_ =	shalt  }
0x6b: {  	_ =	shalt  }
0x6c: {  	_ =	shalt  }
0x6d: {  	_ =	shalt  }
0x6e: {  	_ =	shalt  }
0x6f: {  	_ =	shalt  }
0x70: {  	_ =	shalt  }
0x71: {  	_ =	shalt  }
0x72: {  	_ =	shalt  }
0x73: {  	_ =	shalt  }
0x74: {  	_ =	shalt  }
0x75: {  	_ =	shalt  }
0x76: {  	_ =	shalt  }
0x77: {  	_ =	shalt  }
0x78: {  	_ =	shalt  }
0x79: {  	_ =	shalt  }
0x7a: {  	_ =	shalt  }
0x7b: {  	_ =	shalt  }
0x7c: {  	_ =	shalt  }
0x7d: {  	_ =	shalt  }
0x7e: {  	_ =	shalt  }
0x7f: {  	_ =	shalt  }
0x80: {  	_ =	shalt  }
0x81: {  	_ =	shalt  }
0x82: {  	_ =	shalt  }
0x83: {  	_ =	shalt  }
0x84: {  	_ =	shalt  }
0x85: {  	_ =	shalt  }
0x86: {  	_ =	shalt  }
0x87: {  	_ =	shalt  }
.Lfunc_end0:
.L_simem_size_0:
called_computation.2_lowered:
.L_overlay_start_0:
0x88: {  	s2 =	sld [smem:$0x3FD9]  }
0x89: {  	s3 =	sld [smem:$0x3FFE];
	_ =	sdelay $0x1  }
0x8a: {  	s1 =	srdreg.scid  }
0x8b: {  	s0 =	sand.u32 $0x1, s1  }
0x8c: {  	s17 =	sshll.u32 s0, $0xA;
	s2 =	sadd.s32 s3, s2  }
0x8d: {  	s2 =	sadd.s32 s2, s17  }
0x8e: {  	[smem:$0x3F9F] =	sst s2  }
0x8f: {  	_ = 	snop  }
0x90: {  	s2 =	sld [smem:$0x3FD0];
	(tm) =	ssettm $0x1  }
0x91: {  	s18 =	sld [smem:$0x3FFB];
	_ =	sdelay $0x3  }
0x92: {  	_ =	strace s18  }
0x93: {  	s3 =	sld [smem:$0x3FFC];
	_ =	sdelay $0x3  }
0x94: {  	_ =	strace s3  }
0x95: {  	s3 =	sld [smem:$0x3FFD];
	_ =	sdelay $0x3  }
0x96: {  	_ =	strace s3  }
0x97: {  	_ =	strace $0x8FFFFFFF  }
0x98: {  	s19 =	sld [smem:$0x3FDB];
	_ =	sdelay $0x1  }
0x99: {  	s4 =	simm.s32 $_scs_section_size  }
0x9a: {  	s5 =	simm.s32 $_size__tile_overlayer_lowered;
	s6 =	simm.s32 $_tile_overlayer_lowered  }
0x9b: {  	s22 =	simm.s32 $0x1BFF;
	s21 =	sshll.u32 s6, $0x1;
	s3 =	sadd.s32 s4, s19  }
0x9c: {  	s7 =	simm.s32 $0x0;
	s20 =	sshll.u32 s5, $0x1;
	s5 =	sadd.s32 s21, s3  }
0x9d: {  	[timem:s7], [sflag:s22] =	dma.local [hbm:s5], s20  }
0x9e: {  	_ =	swait.ge [sflag:s22], s20  }
0x9f: {  	s4 =	ssub.s32 $0x0, s20;
	[sflag:s22] =	ssyncset.done $0x0  }
0xa0: {  	[sflag:s22] =	ssyncadd.s32 s4;
	_ =	sdelay $0x1  }
0xa1: {  	s23 =	simm.s32 $0x1B8B  }
0xa2: {  	_ =	swait.ge [sflag:s23], $0x1  }
0xa3: {  	[sflag:s23] =	ssyncset.done $0x0  }
0xa4: {  	s25 =	simm.s32 $0x1B8E;
	s24 =	sld [smem:$0x3FFE];
	[sflag:s23] =	ssyncadd.s32 $0xFFFFFFFF  }
0xa5: {  	s26 =	simm.s32 $execute0_lowered;
	[smem:$0x3FD2] =	sst s25  }
0xa6: {  	s5 =	sshll.u32 s26, $0x1;
	_ =	strace $0x8000004C;
	[dreg:$0x1] =	wrdreg $0xFFFFFFFF  }
0xa7: {  	s28 =	simm.s32 $_size_execute0_lowered;
	s3 =	sadd.s32 s3, s5;
	[dreg:$0x0] =	wrdreg $0x0  }
0xa8: {  	s5 =	sshll.u32 s28, $0x1;
	[dreg:$0x2] =	wrdreg s3  }
0xa9: {  	[dreg:$0x3] =	wrdreg s5  }
0xaa: {  	[dreg:$0x4] =	wrdreg $0xC0  }
0xab: {  	_ =	task [dreg:s7], $0x5FFFF  }
0xac: {  	[dreg:$0x1] =	wrdreg $0xFFFFFFFF  }
0xad: {  	[dreg:$0x0] =	wrdreg $0x60  }
0xae: {  	[dreg:$0x2] =	wrdreg s2  }
0xaf: {  	[dreg:$0x3] =	wrdreg s24  }
0xb0: {  	[dreg:$0x4] =	wrdreg $0x29000  }
0xb1: {  	[dreg:$0x5] =	wrdreg $0x9  }
0xb2: {  	_ =	task.clear_ibuf [dreg:s7], $0x6FFFF;
	_ =	strace $0x9000004C  }
0xb3: {  	s29 =	simm.s32 $0x9;
	_ =	strace $0x8000004E  }
0xb4: {  	_ =	swait.ge [sflag:s29], $0x1  }
0xb5: {  	[sflag:s29] =	ssyncadd.s32 $0xFFFFFFFF  }
0xb6: {  	_ =	strace $0x9000004E  }
0xb7: {  	_ =	sfence  }
0xb8: {  	s30 =	sld [smem:$0x0];
	_ =	sdelay $0x2  }
0xb9: {  	s31 =	sshll.u32 s1, $0xD;
	s1 =	sshrl.u32 s1, $0x2  }
0xba: {  	s3 =	sand.u32 $0x4000, s31;
	s1 =	sadd.s32 s1, s30  }
0xbb: {  	s0 =	sor.u32 s3, s0;
	s1 =	sshll.u32 s1, $0x11  }
0xbc: {  	s0 =	sor.u32 s1, s0  }
0xbd: {  	s0 =	sadd.s32 $0x8F2B, s0  }
0xbe: {  	[sflag:s0] =	ssyncadd.remote.s32 $0x1  }
0xbf: {  	_ =	sfence.sel $0xFFFF  }
0xc0: {  	[dreg:$0x0] =	wrdreg $0xFFFFFFFF;
	(pc) =	sbr.abs _section_cstart, $3  }
0xc1: {  	[dreg:$0x1] =	wrdreg $0xFFFFFFFF  }
0xc2: {  	_ =	task.clear_ibuf [dreg:s7], $0x2FFFF;
	_ =	strace $0x9FFFFFFF  }
0xc3: {  	(tm) =	ssettm $0x7FFFFFFF  }
tec
execute0_lowered:
.L_overlay_start_1:
0x0: {  	(tag) =	ssettag $0x1  }
0x1: {  	s0 =	rddreg [dreg:$0x0]  }
0x2: {  	s1 =	srdreg.scid;
	s4 =	rddreg [dreg:$0x1]  }
0x3: {  	s12 =	stileid.u32;
	s2 =	rddreg [dreg:$0x2];
	s3 =	simm.s32 $0x0  }
0x4: {  	s17 =	simm.s32 $0x100;
	s18 =	simm.s32 $0x1;
	s7 =	smul.u32 $0x2710, s12  }
0x5: {  	s5 =	sand.u32 $0x1, s1;
	s1 =	rddreg [dreg:$0x3];
	s23 =	smul.u32 $0x4E2, s12  }
0x6: {  	s19 =	simm.s32 $0x0;
	[smem:$0x7FF] =	sst s3;
	s8 =	smul.u32 $0x4E000, s12  }
0x7: {  	s9 =	smul.u32 $0x270, s12;
	s13 =	sadd.s32 $0x6A200, s4;
	s14 =	sadd.s32 $0xB8400, s4  }
0x8: {  	s30 =	sshll.u32 s12, $0x6;
	s16 =	sadd.s32 $0x138000, s2;
	s6 =	smul.u32 $0x27100, s5  }
0x9: {  	p0 =	sne.s32 s12, $0x0;
	_ =	strace $0x8000004D;
	s24 =	smul.u32 $0x2710, s5  }
0xa: {  	s25 =	ssub.s32 $0x2, s5;
	s5 =	smul.u32 $0x138800, s5;
	s11 =	sadd.s32 s23, s4  }
0xb: {  	s26 =	sshrl.u32 s25, $0x1;
	s8 =	sshrl.u32 s8, $0x2;
	s6 =	sadd.s32 s7, s6  }
0xc: {  	s28 =	ssub.s32 s25, s26;
	s15 =	sadd.s32 s8, s2;
	s31 =	sshrl.u32 s5, $0x3  }
0xd: {  	s5 =	sor.u32 $0x1C02, s30;
	s11 =	sadd.s32 $0x8000, s11;
	s6 =	sshrl.u32 s6, $0x3  }
0xe: {  	s8 =	sadd.s32 $0x27000, s31;
	s12 =	sshrl.u32 s15, $0x3;
	s15 =	simm.s32 $0x80  }
0xf: {  	s10 =	sadd.s32 s6, s4;
	s6 =	sadd.s32 s9, s24;
	s9 =	smax.u32 s28, $0x1  }
0x10: {  	s29 =	sshll.u32 s6, $0x4;
	s6 =	sadd.s32 s13, s8;
	s8 =	sadd.s32 s14, s8  }
0x11: {  	s10 =	sadd.s32 $0x60400, s10;
	s4 =	sadd.s32 s13, s29;
	s7 =	sadd.s32 s14, s29  }
0x12: {  	s13 =	simm.s32 $0x2;
	s14 =	sshrl.u32 @!p0 s16, $0x3;
	s16 =	simm.s32 $0x50  }
.LBB2_1:
0x13: {  	[spmem:s12], [sflag:s5] =	dma.local [hbm:s4], $0x2700  }
0x14: {  	_ =	swait.ge [sflag:s13], $0x2700  }
0x15: {  	[sflag:s13] =	ssyncset.done $0x0  }
0x16: {  	s20 =	simm.s32 @!p0 $0x2;
	[sflag:s13] =	ssyncadd.s32 $0xFFFFD900  }
0x17: {  	[spmem:s14], [sflag:s5] =	dma.local @!p0 [hbm:s6], $0x100  }
0x18: {  	_ =	swait.ge @!p0 [sflag:s20], $0x100  }
0x19: {  	[sflag:s20] =	ssyncset.done @!p0 $0x0  }
0x1a: {  	[sflag:s20] =	ssyncadd.s32 @!p0 $0xFFFFFF00  }
0x1b: {  	s30 =	sadd.s32 $0x0, s10;
	[bflag:$0x0] =	sbarrier.arrive $0xFFFF  }
0x1c: {  	[tilespmem:s3], [sflag:$0x2] =	stream.linear.gather [hbm4b:s30+s3], $0x50, $0x38;
	[tilespmem:$0x16180] =	vst v63  }
0x1d: {  	_ =	swait.ge [sflag:s13], $0x50  }
0x1e: {  	[sflag:s13] =	ssyncset.done $0x0  }
0x1f: {  	s31 =	sadd.s32 $0x0, s11;
	[sflag:s13] =	ssyncadd.s32 $0xFFFFFFB0  }
0x20: {  	[tilespmem:s15], [sflag:$0x2] =	stream.linear.gather [hbm4b:s31+s3], $0x50, $0x38;
	[tilespmem:$0x16180] =	vst v63  }
0x21: {  	_ =	swait.ge [sflag:s13], $0x50  }
0x22: {  	[sflag:s13] =	ssyncset.done $0x0  }
0x23: {  	[sflag:s13] =	ssyncadd.s32 $0xFFFFFFB0  }
0x24: {  	[tilespmem:s17], [sflag:$0x1] =	stream.indirect.gather [hbm4b:s0+s16], $0x80, s3, s16, $0xb8;
	[tilespmem:$0x16180] =	vst v63  }
0x25: {  	_ =	swait.ge [sflag:s18], $0x2800  }
0x26: {  	[sflag:s18] =	ssyncset.done $0x0  }
0x27: {  	[sflag:s18] =	ssyncadd.s32 $0xFFFFD800  }
0x28: {  	[spmem:s2] =	stream.indirect.scatter.add.f32 [tilespmem:s17], [sflag:$0x2], $0x80, s15, s16, $0xb8;
	[tilespmem:$0x16180] =	vst v63  }
0x29: {  	_ =	swait.ge [sflag:s13], $0x2800  }
0x2a: {  	s21 =	simm.s32 $0x14;
	s20 =	simm.s32 $0xA;
	[sflag:s13] =	ssyncset.done $0x0  }
.LBB2_2:
0x2b: {  	s22 =	sadd.s32 s20, s10  }
0x2c: {  	[sflag:s13] =	ssyncadd.s32 $0xFFFFD800;
	s23 =	smov.u32 s21;
	s24 =	sadd.s32 $0xA, s21  }
0x2d: {  	[tilespmem:s3], [sflag:$0x2] =	stream.linear.gather [hbm4b:s22+s3], $0x50, $0x38;
	[tilespmem:$0x16180] =	vst v63  }
0x2e: {  	p1 =	sne.s32 s21, $0x4D8;
	_ =	swait.ge [sflag:s13], $0x50  }
0x2f: {  	[sflag:s13] =	ssyncset.done $0x0  }
0x30: {  	s21 =	sadd.s32 s20, s11;
	s20 =	smov.u32 s23;
	[sflag:s13] =	ssyncadd.s32 $0xFFFFFFB0  }
0x31: {  	[tilespmem:s15], [sflag:$0x2] =	stream.linear.gather [hbm4b:s21+s3], $0x50, $0x38;
	[tilespmem:$0x16180] =	vst v63  }
0x32: {  	_ =	swait.ge [sflag:s13], $0x50  }
0x33: {  	[sflag:s13] =	ssyncset.done $0x0  }
0x34: {  	[sflag:s13] =	ssyncadd.s32 $0xFFFFFFB0  }
0x35: {  	[tilespmem:s17], [sflag:$0x1] =	stream.indirect.gather [hbm4b:s0+s16], $0x80, s3, s16, $0xb8;
	[tilespmem:$0x16180] =	vst v63  }
0x36: {  	_ =	swait.ge [sflag:s18], $0x2800  }
.Ltmp0:
0x37: {  	[sflag:s18] =	ssyncset.done $0x0;
	(pc) =	sbr.rel @p1 .LBB2_2-.Ltmp0, $4  }
0x38: {  	[sflag:s18] =	ssyncadd.s32 $0xFFFFD800  }
0x39: {  	[spmem:s2] =	stream.indirect.scatter.add.f32 [tilespmem:s17], [sflag:$0x2], $0x80, s15, s16, $0xb8;
	[tilespmem:$0x16180] =	vst v63  }
0x3a: {  	_ =	swait.ge [sflag:s13], $0x2800  }
0x3b: {  	s21 =	smov.u32 s24;
	[sflag:s13] =	ssyncset.done $0x0  }
0x3c: {  	s21 =	sadd.s32 s20, s10;
	[sflag:s13] =	ssyncadd.s32 $0xFFFFD800  }
0x3d: {  	[tilespmem:s3], [sflag:$0x2] =	stream.linear.gather [hbm4b:s21+s3], $0x50, $0x38;
	[tilespmem:$0x16180] =	vst v63  }
0x3e: {  	_ =	swait.ge [sflag:s13], $0x50  }
0x3f: {  	[sflag:s13] =	ssyncset.done $0x0  }
0x40: {  	s31 =	sadd.s32 s20, s11;
	[sflag:s13] =	ssyncadd.s32 $0xFFFFFFB0  }
0x41: {  	[tilespmem:s15], [sflag:$0x2] =	stream.linear.gather [hbm4b:s31+s3], $0x50, $0x38;
	[tilespmem:$0x16180] =	vst v63  }
0x42: {  	_ =	swait.ge [sflag:s13], $0x50  }
0x43: {  	[sflag:s13] =	ssyncset.done $0x0  }
0x44: {  	[sflag:s13] =	ssyncadd.s32 $0xFFFFFFB0  }
0x45: {  	[tilespmem:s17], [sflag:$0x1] =	stream.indirect.gather [hbm4b:s0+s16], $0x80, s3, s16, $0xb8;
	[tilespmem:$0x16180] =	vst v63  }
0x46: {  	_ =	swait.ge [sflag:s18], $0x2800  }
0x47: {  	[sflag:s18] =	ssyncset.done $0x0  }
0x48: {  	[sflag:s18] =	ssyncadd.s32 $0xFFFFD800  }
0x49: {  	[spmem:s2] =	stream.indirect.scatter.add.f32 [tilespmem:s17], [sflag:$0x2], $0x80, s15, s16, $0xb8;
	[tilespmem:$0x16180] =	vst v63  }
0x4a: {  	_ =	swait.ge [sflag:s13], $0x2800  }
0x4b: {  	[sflag:s13] =	ssyncset.done $0x0  }
0x4c: {  	[sflag:s13] =	ssyncadd.s32 $0xFFFFD800  }
0x4d: {  	[bflag:$0x0] =	sbarrier.arrive $0xFFFF  }
0x4e: {  	[hbm:s7], [sflag:s5] =	dma.local [spmem:s12], $0x2700  }
0x4f: {  	s19 =	sadd.s32 $0x1, s19;
	_ =	swait.ge [sflag:s13], $0x2700  }
0x50: {  	p1 =	sne.s32 s19, s9;
	[sflag:s13] =	ssyncset.done $0x0  }
.Ltmp1:
0x51: {  	s20 =	simm.s32 @!p0 $0x2;
	[sflag:s13] =	ssyncadd.s32 $0xFFFFD900;
	(pc) =	sbr.rel @p1 .LBB2_1-.Ltmp1, $4  }
0x52: {  	[hbm:s8], [sflag:s5] =	dma.local @!p0 [spmem:s14], $0x100  }
0x53: {  	_ =	swait.ge @!p0 [sflag:s20], $0x100  }
0x54: {  	[sflag:s20] =	ssyncset.done @!p0 $0x0  }
0x55: {  	[sflag:s20] =	ssyncadd.s32 @!p0 $0xFFFFFF00  }
0x56: {  	_ =	sfence.sel $0x180000  }
0x57: {  	[bflag:$0x0] =	sbarrier.arrive $0xFFFF  }
0x58: {  	_ =	strace $0x9000004D  }
0x59: {  	s0 =	sadd.s32 @!p0 $0x100000, s1;
	[bflag:$0x2] =	sbarrier.arrive $0xFFFF  }
0x5a: {  	[sflag:s0] =	ssyncadd.tile.s32 @!p0 $0x1;
	_ =	shalt  }
.Lfunc_end2:
_tile_overlayer_lowered:
.L_overlay_start_2:
0x5b: {  	(tag) =	ssettag $0x2  }
0x5c: {  	s0 =	rddreg [dreg:$0x0];
	s2 =	stileid.u32  }
0x5d: {  	s1 =	rddreg [dreg:$0x1];
	p0 =	sne.s32 s2, $0x0  }
0x5e: {  	s3 =	rddreg [dreg:$0x2];
	[bflag:$0x3] =	sbarrier.arrive $0xFFFF;
	s2 =	simm.s32 @!p0 $0x1C02  }
0x5f: {  	[timem:s3], [sflag:s2] =	dma.local @!p0 [hbm:s0], s1  }
0x60: {  	s0 =	simm.s32 @!p0 $0x2  }
0x61: {  	_ =	swait.ge @!p0 [sflag:s0], s1  }
0x62: {  	s1 =	ssub.s32 @!p0 $0x0, s1;
	[sflag:s0] =	ssyncset.done @!p0 $0x0  }
0x63: {  	[sflag:s0] =	ssyncadd.s32 @!p0 s1  }
0x64: {  	[bflag:$0x3] =	sbarrier.arrive $0xFFFF  }
0x65: {  	_ =	shalt  }

// kernel: kernel.26.cloned.1.call-start
scs
__scs_entry_jumppad:
0x0: {  	(pc) =	sbr.rel $0x88, $3  }
0x1: {  	(tag) =	ssettag $0x0;
	lr =	simm.s32 $0x1  }
0x2: {  	[smem:$0x3F78] =	sst lr;
	_ =	strace $0xD0000000  }
0x3: {  	_ = 	snop  }
0x4: {  	_ = 	snop  }
0x5: {  	_ = 	snop  }
0x6: {  	_ = 	snop  }
0x7: {  	_ = 	snop  }
__scs_overlays_trampoline_lowered:
0x8: {  	[smem:$0x3F87] =	sst s0  }
0x9: {  	[smem:$0x3F88] =	sst s1  }
0xa: {  	[smem:$0x3F89] =	sst s2  }
0xb: {  	[smem:$0x3F8A] =	sst s3  }
0xc: {  	[smem:$0x3F8B] =	sst s4  }
0xd: {  	[smem:$0x3F8C] =	sst s5  }
0xe: {  	[smem:$0x3F8D] =	sst s6  }
0xf: {  	[smem:$0x3F8E] =	sst s7  }
0x10: {  	[smem:$0x3F8F] =	sst s8  }
0x11: {  	[smem:$0x3F90] =	sst s9;
	s0 =	simm.s32 @!p0 $0x0  }
0x12: {  	s1 =	sld [smem:$0x3F76];
	s0 =	simm.s32 @p0 $0x1  }
0x13: {  	[smem:$0x3F91] =	sst s0;
	s0 =	simm.s32 @!p1 $0x0  }
0x14: {  	s2 =	sld [smem:$0x3F75];
	s0 =	simm.s32 @p1 $0x1  }
0x15: {  	[smem:$0x3F92] =	sst s0;
	s0 =	simm.s32 @!p2 $0x0  }
0x16: {  	s3 =	sld [smem:$0x3FDB];
	s0 =	simm.s32 @p2 $0x1  }
0x17: {  	s4 =	simm.s32 $0x1BF5;
	[smem:$0x3F94] =	sst s0  }
0x18: {  	s0 =	sld [smem:$0x3F77];
	_ =	swait.ge [sflag:s4], $0x0  }
0x19: {  	s7 =	sld [smem:$0x3F78]  }
0x1a: {  	s8 =	sadd.s32 $0xFFFFE003, lr  }
0x1b: {  	s9 =	sadd.s32 $0xFFFFFEF7, lr;
	s5 =	simm.s32 $0xFFFFFFFF;
	p2 =	slt.u32 s8, $0xFFFFF086  }
0x1c: {  	p1 =	slt.u32 s9, $0xF7A;
	s5 =	simm.s32 @!p2 $0x0  }
0x1d: {  	s5 =	simm.s32 @p1 $0x1;
	p0 =	seq.s32 s7, s2  }
0x1e: {  	s7 =	smul.u32 @!p0 $0xF7A, s2;
	p2 =	seq.s32 @!p0 s5, $0x0  }
0x1f: {  	s9 =	smul.u32 $0xF7A, s1;
	s8 =	simm.s32 @!p0 $0x1BF5;
	p2 =	por !p2, p0  }
0x20: {  	[sflag:s8] =	ssyncset.s32 @!p0 $0xFFFFF086;
	s6 =	sadd.s32 @!p0 s3, s7;
	s7 =	simm.s32 @!p0 $0x108  }
0x21: {  	s3 =	sadd.s32 s3, s9;
	s6 =	sadd.s32 @!p0 $0x88, s6;
	s7 =	simm.s32 @p2 $0x1082  }
0x22: {  	[simem:s7], [sflag:s8] =	dma.local @!p0 [hbm:s6], $0xF7A  }
0x23: {  	s9 =	sor.u32 $0xD0000000, s2;
	s6 =	simm.s32 $0x108;
	_ =	swait.ge @!p0 [sflag:s8], $0x0  }
0x24: {  	s3 =	sadd.s32 $0x88, s3;
	s6 =	simm.s32 @!p1 $0x1082;
	[sflag:s4] =	ssyncset.s32 $0xFFFFF086  }
0x25: {  	[simem:s6], [sflag:s4] =	dma.local [hbm:s3], $0xF7A  }
0x26: {  	[smem:$0x3F78] =	sst s1;
	(tag) =	ssettag s2;
	_ =	strace s9  }
0x27: {  	s1 =	sld [smem:$0x3F88]  }
0x28: {  	s2 =	sld [smem:$0x3F89]  }
0x29: {  	s4 =	sld [smem:$0x3F8B]  }
0x2a: {  	p0 =	seq.s32 s5, $0x0;
	s5 =	sld [smem:$0x3F8C]  }
0x2b: {  	s6 =	sld [smem:$0x3F8D]  }
0x2c: {  	s7 =	sld [smem:$0x3F8E]  }
0x2d: {  	s3 =	simm.s32 $0x108;
	s8 =	sld [smem:$0x3F8F]  }
0x2e: {  	s3 =	simm.s32 @!p0 $0x1082;
	s9 =	sld [smem:$0x3F90]  }
0x2f: {  	lr =	sadd.s32 s0, s3;
	s0 =	sld [smem:$0x3F87]  }
0x30: {  	s3 =	sld [smem:$0x3F8A]  }
0x31: {  	[smem:$0x3F93] =	sst s10  }
0x32: {  	s10 =	sld [smem:$0x3F91];
	_ =	sdelay $0x3  }
0x33: {  	p0 =	seq.s32 s10, $0x1;
	s10 =	sld [smem:$0x3F93];
	_ =	sdelay $0x3  }
0x34: {  	[smem:$0x3F93] =	sst s10  }
0x35: {  	s10 =	sld [smem:$0x3F92];
	_ =	sdelay $0x3  }
0x36: {  	p1 =	seq.s32 s10, $0x1;
	s10 =	sld [smem:$0x3F93];
	_ =	sdelay $0x3  }
0x37: {  	[smem:$0x3F93] =	sst s10  }
0x38: {  	s10 =	sld [smem:$0x3F94]  }
0x39: {  	_ = 	snop;
	(pc) =	sbr.ind lr, $3  }
0x3a: {  	_ = 	snop  }
0x3b: {  	_ = 	snop  }
0x3c: {  	p2 =	seq.s32 s10, $0x1;
	s10 =	sld [smem:$0x3F93]  }
0x3d: {  	_ =	shalt  }
0x3e: {  	_ =	shalt  }
0x3f: {  	_ =	shalt  }
0x40: {  	_ =	shalt  }
0x41: {  	_ =	shalt  }
0x42: {  	_ =	shalt  }
0x43: {  	_ =	shalt  }
0x44: {  	_ =	shalt  }
0x45: {  	_ =	shalt  }
0x46: {  	_ =	shalt  }
0x47: {  	_ =	shalt  }
0x48: {  	_ =	shalt  }
0x49: {  	_ =	shalt  }
0x4a: {  	_ =	shalt  }
0x4b: {  	_ =	shalt  }
0x4c: {  	_ =	shalt  }
0x4d: {  	_ =	shalt  }
0x4e: {  	_ =	shalt  }
0x4f: {  	_ =	shalt  }
0x50: {  	_ =	shalt  }
0x51: {  	_ =	shalt  }
0x52: {  	_ =	shalt  }
0x53: {  	_ =	shalt  }
0x54: {  	_ =	shalt  }
0x55: {  	_ =	shalt  }
0x56: {  	_ =	shalt  }
0x57: {  	_ =	shalt  }
0x58: {  	_ =	shalt  }
0x59: {  	_ =	shalt  }
0x5a: {  	_ =	shalt  }
0x5b: {  	_ =	shalt  }
0x5c: {  	_ =	shalt  }
0x5d: {  	_ =	shalt  }
0x5e: {  	_ =	shalt  }
0x5f: {  	_ =	shalt  }
0x60: {  	_ =	shalt  }
0x61: {  	_ =	shalt  }
0x62: {  	_ =	shalt  }
0x63: {  	_ =	shalt  }
0x64: {  	_ =	shalt  }
0x65: {  	_ =	shalt  }
0x66: {  	_ =	shalt  }
0x67: {  	_ =	shalt  }
0x68: {  	_ =	shalt  }
0x69: {  	_ =	shalt  }
0x6a: {  	_ =	shalt  }
0x6b: {  	_ =	shalt  }
0x6c: {  	_ =	shalt  }
0x6d: {  	_ =	shalt  }
0x6e: {  	_ =	shalt  }
0x6f: {  	_ =	shalt  }
0x70: {  	_ =	shalt  }
0x71: {  	_ =	shalt  }
0x72: {  	_ =	shalt  }
0x73: {  	_ =	shalt  }
0x74: {  	_ =	shalt  }
0x75: {  	_ =	shalt  }
0x76: {  	_ =	shalt  }
0x77: {  	_ =	shalt  }
0x78: {  	_ =	shalt  }
0x79: {  	_ =	shalt  }
0x7a: {  	_ =	shalt  }
0x7b: {  	_ =	shalt  }
0x7c: {  	_ =	shalt  }
0x7d: {  	_ =	shalt  }
0x7e: {  	_ =	shalt  }
0x7f: {  	_ =	shalt  }
0x80: {  	_ =	shalt  }
0x81: {  	_ =	shalt  }
0x82: {  	_ =	shalt  }
0x83: {  	_ =	shalt  }
0x84: {  	_ =	shalt  }
0x85: {  	_ =	shalt  }
0x86: {  	_ =	shalt  }
0x87: {  	_ =	shalt  }
.Lfunc_end0:
.L_simem_size_0:
called_computation.3_lowered:
.L_overlay_start_0:
0x88: {  	s2 =	sld [smem:$0x3FD9]  }
0x89: {  	s3 =	sld [smem:$0x3FFE];
	_ =	sdelay $0x1  }
0x8a: {  	s1 =	srdreg.scid  }
0x8b: {  	s0 =	sand.u32 $0x1, s1  }
0x8c: {  	s17 =	sshll.u32 s0, $0xA;
	s2 =	sadd.s32 s3, s2  }
0x8d: {  	s2 =	sadd.s32 s2, s17  }
0x8e: {  	[smem:$0x3F9F] =	sst s2  }
0x8f: {  	_ = 	snop  }
0x90: {  	s2 =	sld [smem:$0x3FD0];
	(tm) =	ssettm $0x1  }
0x91: {  	s18 =	sld [smem:$0x3FFB];
	_ =	sdelay $0x3  }
0x92: {  	_ =	strace s18  }
0x93: {  	s3 =	sld [smem:$0x3FFC];
	_ =	sdelay $0x3  }
0x94: {  	_ =	strace s3  }
0x95: {  	s3 =	sld [smem:$0x3FFD];
	_ =	sdelay $0x3  }
0x96: {  	_ =	strace s3  }
0x97: {  	_ =	strace $0x8FFFFFFF  }
0x98: {  	s19 =	sld [smem:$0x3FDB];
	_ =	sdelay $0x1  }
0x99: {  	s4 =	simm.s32 $_scs_section_size  }
0x9a: {  	s5 =	simm.s32 $_size__tile_overlayer_lowered;
	s6 =	simm.s32 $_tile_overlayer_lowered  }
0x9b: {  	s22 =	simm.s32 $0x1BFF;
	s21 =	sshll.u32 s6, $0x1;
	s3 =	sadd.s32 s4, s19  }
0x9c: {  	s7 =	simm.s32 $0x0;
	s20 =	sshll.u32 s5, $0x1;
	s5 =	sadd.s32 s21, s3  }
0x9d: {  	[timem:s7], [sflag:s22] =	dma.local [hbm:s5], s20  }
0x9e: {  	_ =	swait.ge [sflag:s22], s20  }
0x9f: {  	s4 =	ssub.s32 $0x0, s20;
	[sflag:s22] =	ssyncset.done $0x0  }
0xa0: {  	[sflag:s22] =	ssyncadd.s32 s4;
	_ =	sdelay $0x1  }
0xa1: {  	s23 =	simm.s32 $0x1B8B  }
0xa2: {  	_ =	swait.ge [sflag:s23], $0x1  }
0xa3: {  	[sflag:s23] =	ssyncset.done $0x0  }
0xa4: {  	s25 =	simm.s32 $0x1B8E;
	s24 =	sld [smem:$0x3FFE];
	[sflag:s23] =	ssyncadd.s32 $0xFFFFFFFF  }
0xa5: {  	s26 =	simm.s32 $execute0_lowered;
	[smem:$0x3FD2] =	sst s25  }
0xa6: {  	s5 =	sshll.u32 s26, $0x1;
	_ =	strace $0x8000004F;
	[dreg:$0x1] =	wrdreg $0xFFFFFFFF  }
0xa7: {  	s28 =	simm.s32 $_size_execute0_lowered;
	s3 =	sadd.s32 s3, s5;
	[dreg:$0x0] =	wrdreg $0x0  }
0xa8: {  	s5 =	sshll.u32 s28, $0x1;
	[dreg:$0x2] =	wrdreg s3  }
0xa9: {  	[dreg:$0x3] =	wrdreg s5  }
0xaa: {  	[dreg:$0x4] =	wrdreg $0xC0  }
0xab: {  	_ =	task [dreg:s7], $0x5FFFF  }
0xac: {  	[dreg:$0x1] =	wrdreg $0xFFFFFFFF  }
0xad: {  	[dreg:$0x0] =	wrdreg $0x60  }
0xae: {  	[dreg:$0x2] =	wrdreg s2  }
0xaf: {  	[dreg:$0x3] =	wrdreg s24  }
0xb0: {  	[dreg:$0x4] =	wrdreg $0x29000  }
0xb1: {  	[dreg:$0x5] =	wrdreg $0x9  }
0xb2: {  	_ =	task.clear_ibuf [dreg:s7], $0x6FFFF;
	_ =	strace $0x9000004F  }
0xb3: {  	s29 =	simm.s32 $0x9;
	_ =	strace $0x80000051  }
0xb4: {  	_ =	swait.ge [sflag:s29], $0x1  }
0xb5: {  	[sflag:s29] =	ssyncadd.s32 $0xFFFFFFFF  }
0xb6: {  	_ =	strace $0x90000051  }
0xb7: {  	_ =	sfence  }
0xb8: {  	s30 =	sld [smem:$0x0];
	_ =	sdelay $0x2  }
0xb9: {  	s31 =	sshll.u32 s1, $0xD;
	s1 =	sshrl.u32 s1, $0x2  }
0xba: {  	s3 =	sand.u32 $0x4000, s31;
	s1 =	sadd.s32 s1, s30  }
0xbb: {  	s0 =	sor.u32 s3, s0;
	s1 =	sshll.u32 s1, $0x11  }
0xbc: {  	s0 =	sor.u32 s1, s0  }
0xbd: {  	s0 =	sadd.s32 $0x8F2B, s0  }
0xbe: {  	[sflag:s0] =	ssyncadd.remote.s32 $0x1  }
0xbf: {  	_ =	sfence.sel $0xFFFF  }
0xc0: {  	[dreg:$0x0] =	wrdreg $0xFFFFFFFF;
	(pc) =	sbr.abs _section_cstart, $3  }
0xc1: {  	[dreg:$0x1] =	wrdreg $0xFFFFFFFF  }
0xc2: {  	_ =	task.clear_ibuf [dreg:s7], $0x2FFFF;
	_ =	strace $0x9FFFFFFF  }
0xc3: {  	(tm) =	ssettm $0x7FFFFFFF  }
tec
execute0_lowered:
.L_overlay_start_1:
0x0: {  	(tag) =	ssettag $0x1  }
0x1: {  	s0 =	rddreg [dreg:$0x0]  }
0x2: {  	s1 =	srdreg.scid;
	s4 =	rddreg [dreg:$0x1]  }
0x3: {  	s12 =	stileid.u32;
	s2 =	rddreg [dreg:$0x2];
	s3 =	simm.s32 $0x0  }
0x4: {  	s17 =	simm.s32 $0x100;
	s18 =	simm.s32 $0x1;
	s7 =	smul.u32 $0x2710, s12  }
0x5: {  	s5 =	sand.u32 $0x1, s1;
	s1 =	rddreg [dreg:$0x3];
	s23 =	smul.u32 $0x4E2, s12  }
0x6: {  	s19 =	simm.s32 $0x0;
	[smem:$0x7FF] =	sst s3;
	s8 =	smul.u32 $0x4E000, s12  }
0x7: {  	s9 =	smul.u32 $0x270, s12;
	s13 =	sadd.s32 $0x6A200, s4;
	s14 =	sadd.s32 $0xB8400, s4  }
0x8: {  	s30 =	sshll.u32 s12, $0x6;
	s16 =	sadd.s32 $0x138000, s2;
	s6 =	smul.u32 $0x27100, s5  }
0x9: {  	p0 =	sne.s32 s12, $0x0;
	_ =	strace $0x80000050;
	s24 =	smul.u32 $0x2710, s5  }
0xa: {  	s25 =	ssub.s32 $0x2, s5;
	s5 =	smul.u32 $0x138800, s5;
	s11 =	sadd.s32 s23, s4  }
0xb: {  	s26 =	sshrl.u32 s25, $0x1;
	s8 =	sshrl.u32 s8, $0x2;
	s6 =	sadd.s32 s7, s6  }
0xc: {  	s28 =	ssub.s32 s25, s26;
	s15 =	sadd.s32 s8, s2;
	s31 =	sshrl.u32 s5, $0x3  }
0xd: {  	s5 =	sor.u32 $0x1C02, s30;
	s11 =	sadd.s32 $0x8000, s11;
	s6 =	sshrl.u32 s6, $0x3  }
0xe: {  	s8 =	sadd.s32 $0x27000, s31;
	s12 =	sshrl.u32 s15, $0x3;
	s15 =	simm.s32 $0x80  }
0xf: {  	s10 =	sadd.s32 s6, s4;
	s6 =	sadd.s32 s9, s24;
	s9 =	smax.u32 s28, $0x1  }
0x10: {  	s29 =	sshll.u32 s6, $0x4;
	s6 =	sadd.s32 s13, s8;
	s8 =	sadd.s32 s14, s8  }
0x11: {  	s10 =	sadd.s32 $0x60400, s10;
	s4 =	sadd.s32 s13, s29;
	s7 =	sadd.s32 s14, s29  }
0x12: {  	s13 =	simm.s32 $0x2;
	s14 =	sshrl.u32 @!p0 s16, $0x3;
	s16 =	simm.s32 $0x50  }
.LBB2_1:
0x13: {  	[spmem:s12], [sflag:s5] =	dma.local [hbm:s4], $0x2700  }
0x14: {  	_ =	swait.ge [sflag:s13], $0x2700  }
0x15: {  	[sflag:s13] =	ssyncset.done $0x0  }
0x16: {  	s20 =	simm.s32 @!p0 $0x2;
	[sflag:s13] =	ssyncadd.s32 $0xFFFFD900  }
0x17: {  	[spmem:s14], [sflag:s5] =	dma.local @!p0 [hbm:s6], $0x100  }
0x18: {  	_ =	swait.ge @!p0 [sflag:s20], $0x100  }
0x19: {  	[sflag:s20] =	ssyncset.done @!p0 $0x0  }
0x1a: {  	[sflag:s20] =	ssyncadd.s32 @!p0 $0xFFFFFF00  }
0x1b: {  	s30 =	sadd.s32 $0x0, s10;
	[bflag:$0x0] =	sbarrier.arrive $0xFFFF  }
0x1c: {  	[tilespmem:s3], [sflag:$0x2] =	stream.linear.gather [hbm4b:s30+s3], $0x50, $0x38;
	[tilespmem:$0x16180] =	vst v63  }
0x1d: {  	_ =	swait.ge [sflag:s13], $0x50  }
0x1e: {  	[sflag:s13] =	ssyncset.done $0x0  }
0x1f: {  	s31 =	sadd.s32 $0x0, s11;
	[sflag:s13] =	ssyncadd.s32 $0xFFFFFFB0  }
0x20: {  	[tilespmem:s15], [sflag:$0x2] =	stream.linear.gather [hbm4b:s31+s3], $0x50, $0x38;
	[tilespmem:$0x16180] =	vst v63  }
0x21: {  	_ =	swait.ge [sflag:s13], $0x50  }
0x22: {  	[sflag:s13] =	ssyncset.done $0x0  }
0x23: {  	[sflag:s13] =	ssyncadd.s32 $0xFFFFFFB0  }
0x24: {  	[tilespmem:s17], [sflag:$0x1] =	stream.indirect.gather [hbm4b:s0+s16], $0x80, s3, s16, $0xb8;
	[tilespmem:$0x16180] =	vst v63  }
0x25: {  	_ =	swait.ge [sflag:s18], $0x2800  }
0x26: {  	[sflag:s18] =	ssyncset.done $0x0  }
0x27: {  	[sflag:s18] =	ssyncadd.s32 $0xFFFFD800  }
0x28: {  	[spmem:s2] =	stream.indirect.scatter.add.f32 [tilespmem:s17], [sflag:$0x2], $0x80, s15, s16, $0xb8;
	[tilespmem:$0x16180] =	vst v63  }
0x29: {  	_ =	swait.ge [sflag:s13], $0x2800  }
0x2a: {  	s21 =	simm.s32 $0x14;
	s20 =	simm.s32 $0xA;
	[sflag:s13] =	ssyncset.done $0x0  }
.LBB2_2:
0x2b: {  	s22 =	sadd.s32 s20, s10  }
0x2c: {  	[sflag:s13] =	ssyncadd.s32 $0xFFFFD800;
	s23 =	smov.u32 s21;
	s24 =	sadd.s32 $0xA, s21  }
0x2d: {  	[tilespmem:s3], [sflag:$0x2] =	stream.linear.gather [hbm4b:s22+s3], $0x50, $0x38;
	[tilespmem:$0x16180] =	vst v63  }
0x2e: {  	p1 =	sne.s32 s21, $0x4D8;
	_ =	swait.ge [sflag:s13], $0x50  }
0x2f: {  	[sflag:s13] =	ssyncset.done $0x0  }
0x30: {  	s21 =	sadd.s32 s20, s11;
	s20 =	smov.u32 s23;
	[sflag:s13] =	ssyncadd.s32 $0xFFFFFFB0  }
0x31: {  	[tilespmem:s15], [sflag:$0x2] =	stream.linear.gather [hbm4b:s21+s3], $0x50, $0x38;
	[tilespmem:$0x16180] =	vst v63  }
0x32: {  	_ =	swait.ge [sflag:s13], $0x50  }
0x33: {  	[sflag:s13] =	ssyncset.done $0x0  }
0x34: {  	[sflag:s13] =	ssyncadd.s32 $0xFFFFFFB0  }
0x35: {  	[tilespmem:s17], [sflag:$0x1] =	stream.indirect.gather [hbm4b:s0+s16], $0x80, s3, s16, $0xb8;
	[tilespmem:$0x16180] =	vst v63  }
0x36: {  	_ =	swait.ge [sflag:s18], $0x2800  }
.Ltmp0:
0x37: {  	[sflag:s18] =	ssyncset.done $0x0;
	(pc) =	sbr.rel @p1 .LBB2_2-.Ltmp0, $4  }
0x38: {  	[sflag:s18] =	ssyncadd.s32 $0xFFFFD800  }
0x39: {  	[spmem:s2] =	stream.indirect.scatter.add.f32 [tilespmem:s17], [sflag:$0x2], $0x80, s15, s16, $0xb8;
	[tilespmem:$0x16180] =	vst v63  }
0x3a: {  	_ =	swait.ge [sflag:s13], $0x2800  }
0x3b: {  	s21 =	smov.u32 s24;
	[sflag:s13] =	ssyncset.done $0x0  }
0x3c: {  	s21 =	sadd.s32 s20, s10;
	[sflag:s13] =	ssyncadd.s32 $0xFFFFD800  }
0x3d: {  	[tilespmem:s3], [sflag:$0x2] =	stream.linear.gather [hbm4b:s21+s3], $0x50, $0x38;
	[tilespmem:$0x16180] =	vst v63  }
0x3e: {  	_ =	swait.ge [sflag:s13], $0x50  }
0x3f: {  	[sflag:s13] =	ssyncset.done $0x0  }
0x40: {  	s31 =	sadd.s32 s20, s11;
	[sflag:s13] =	ssyncadd.s32 $0xFFFFFFB0  }
0x41: {  	[tilespmem:s15], [sflag:$0x2] =	stream.linear.gather [hbm4b:s31+s3], $0x50, $0x38;
	[tilespmem:$0x16180] =	vst v63  }
0x42: {  	_ =	swait.ge [sflag:s13], $0x50  }
0x43: {  	[sflag:s13] =	ssyncset.done $0x0  }
0x44: {  	[sflag:s13] =	ssyncadd.s32 $0xFFFFFFB0  }
0x45: {  	[tilespmem:s17], [sflag:$0x1] =	stream.indirect.gather [hbm4b:s0+s16], $0x80, s3, s16, $0xb8;
	[tilespmem:$0x16180] =	vst v63  }
0x46: {  	_ =	swait.ge [sflag:s18], $0x2800  }
0x47: {  	[sflag:s18] =	ssyncset.done $0x0  }
0x48: {  	[sflag:s18] =	ssyncadd.s32 $0xFFFFD800  }
0x49: {  	[spmem:s2] =	stream.indirect.scatter.add.f32 [tilespmem:s17], [sflag:$0x2], $0x80, s15, s16, $0xb8;
	[tilespmem:$0x16180] =	vst v63  }
0x4a: {  	_ =	swait.ge [sflag:s13], $0x2800  }
0x4b: {  	[sflag:s13] =	ssyncset.done $0x0  }
0x4c: {  	[sflag:s13] =	ssyncadd.s32 $0xFFFFD800  }
0x4d: {  	[bflag:$0x0] =	sbarrier.arrive $0xFFFF  }
0x4e: {  	[hbm:s7], [sflag:s5] =	dma.local [spmem:s12], $0x2700  }
0x4f: {  	s19 =	sadd.s32 $0x1, s19;
	_ =	swait.ge [sflag:s13], $0x2700  }
0x50: {  	p1 =	sne.s32 s19, s9;
	[sflag:s13] =	ssyncset.done $0x0  }
.Ltmp1:
0x51: {  	s20 =	simm.s32 @!p0 $0x2;
	[sflag:s13] =	ssyncadd.s32 $0xFFFFD900;
	(pc) =	sbr.rel @p1 .LBB2_1-.Ltmp1, $4  }
0x52: {  	[hbm:s8], [sflag:s5] =	dma.local @!p0 [spmem:s14], $0x100  }
0x53: {  	_ =	swait.ge @!p0 [sflag:s20], $0x100  }
0x54: {  	[sflag:s20] =	ssyncset.done @!p0 $0x0  }
0x55: {  	[sflag:s20] =	ssyncadd.s32 @!p0 $0xFFFFFF00  }
0x56: {  	_ =	sfence.sel $0x180000  }
0x57: {  	[bflag:$0x0] =	sbarrier.arrive $0xFFFF  }
0x58: {  	_ =	strace $0x90000050  }
0x59: {  	s0 =	sadd.s32 @!p0 $0x100000, s1;
	[bflag:$0x2] =	sbarrier.arrive $0xFFFF  }
0x5a: {  	[sflag:s0] =	ssyncadd.tile.s32 @!p0 $0x1;
	_ =	shalt  }
.Lfunc_end2:
_tile_overlayer_lowered:
.L_overlay_start_2:
0x5b: {  	(tag) =	ssettag $0x2  }
0x5c: {  	s0 =	rddreg [dreg:$0x0];
	s2 =	stileid.u32  }
0x5d: {  	s1 =	rddreg [dreg:$0x1];
	p0 =	sne.s32 s2, $0x0  }
0x5e: {  	s3 =	rddreg [dreg:$0x2];
	[bflag:$0x3] =	sbarrier.arrive $0xFFFF;
	s2 =	simm.s32 @!p0 $0x1C02  }
0x5f: {  	[timem:s3], [sflag:s2] =	dma.local @!p0 [hbm:s0], s1  }
0x60: {  	s0 =	simm.s32 @!p0 $0x2  }
0x61: {  	_ =	swait.ge @!p0 [sflag:s0], s1  }
0x62: {  	s1 =	ssub.s32 @!p0 $0x0, s1;
	[sflag:s0] =	ssyncset.done @!p0 $0x0  }
0x63: {  	[sflag:s0] =	ssyncadd.s32 @!p0 s1  }
0x64: {  	[bflag:$0x3] =	sbarrier.arrive $0xFFFF  }
0x65: {  	_ =	shalt  }

// kernel: kernel.29.cloned.1.call-start
scs
__scs_entry_jumppad:
0x0: {  	(pc) =	sbr.rel $0x88, $3  }
0x1: {  	(tag) =	ssettag $0x0;
	lr =	simm.s32 $0x1  }
0x2: {  	[smem:$0x3F78] =	sst lr;
	_ =	strace $0xD0000000  }
0x3: {  	_ = 	snop  }
0x4: {  	_ = 	snop  }
0x5: {  	_ = 	snop  }
0x6: {  	_ = 	snop  }
0x7: {  	_ = 	snop  }
__scs_overlays_trampoline_lowered:
0x8: {  	[smem:$0x3F87] =	sst s0  }
0x9: {  	[smem:$0x3F88] =	sst s1  }
0xa: {  	[smem:$0x3F89] =	sst s2  }
0xb: {  	[smem:$0x3F8A] =	sst s3  }
0xc: {  	[smem:$0x3F8B] =	sst s4  }
0xd: {  	[smem:$0x3F8C] =	sst s5  }
0xe: {  	[smem:$0x3F8D] =	sst s6  }
0xf: {  	[smem:$0x3F8E] =	sst s7  }
0x10: {  	[smem:$0x3F8F] =	sst s8  }
0x11: {  	[smem:$0x3F90] =	sst s9;
	s0 =	simm.s32 @!p0 $0x0  }
0x12: {  	s1 =	sld [smem:$0x3F76];
	s0 =	simm.s32 @p0 $0x1  }
0x13: {  	[smem:$0x3F91] =	sst s0;
	s0 =	simm.s32 @!p1 $0x0  }
0x14: {  	s2 =	sld [smem:$0x3F75];
	s0 =	simm.s32 @p1 $0x1  }
0x15: {  	[smem:$0x3F92] =	sst s0;
	s0 =	simm.s32 @!p2 $0x0  }
0x16: {  	s3 =	sld [smem:$0x3FDB];
	s0 =	simm.s32 @p2 $0x1  }
0x17: {  	s4 =	simm.s32 $0x1BF5;
	[smem:$0x3F94] =	sst s0  }
0x18: {  	s0 =	sld [smem:$0x3F77];
	_ =	swait.ge [sflag:s4], $0x0  }
0x19: {  	s7 =	sld [smem:$0x3F78]  }
0x1a: {  	s8 =	sadd.s32 $0xFFFFE003, lr  }
0x1b: {  	s9 =	sadd.s32 $0xFFFFFEF7, lr;
	s5 =	simm.s32 $0xFFFFFFFF;
	p2 =	slt.u32 s8, $0xFFFFF086  }
0x1c: {  	p1 =	slt.u32 s9, $0xF7A;
	s5 =	simm.s32 @!p2 $0x0  }
0x1d: {  	s5 =	simm.s32 @p1 $0x1;
	p0 =	seq.s32 s7, s2  }
0x1e: {  	s7 =	smul.u32 @!p0 $0xF7A, s2;
	p2 =	seq.s32 @!p0 s5, $0x0  }
0x1f: {  	s9 =	smul.u32 $0xF7A, s1;
	s8 =	simm.s32 @!p0 $0x1BF5;
	p2 =	por !p2, p0  }
0x20: {  	[sflag:s8] =	ssyncset.s32 @!p0 $0xFFFFF086;
	s6 =	sadd.s32 @!p0 s3, s7;
	s7 =	simm.s32 @!p0 $0x108  }
0x21: {  	s3 =	sadd.s32 s3, s9;
	s6 =	sadd.s32 @!p0 $0x88, s6;
	s7 =	simm.s32 @p2 $0x1082  }
0x22: {  	[simem:s7], [sflag:s8] =	dma.local @!p0 [hbm:s6], $0xF7A  }
0x23: {  	s9 =	sor.u32 $0xD0000000, s2;
	s6 =	simm.s32 $0x108;
	_ =	swait.ge @!p0 [sflag:s8], $0x0  }
0x24: {  	s3 =	sadd.s32 $0x88, s3;
	s6 =	simm.s32 @!p1 $0x1082;
	[sflag:s4] =	ssyncset.s32 $0xFFFFF086  }
0x25: {  	[simem:s6], [sflag:s4] =	dma.local [hbm:s3], $0xF7A  }
0x26: {  	[smem:$0x3F78] =	sst s1;
	(tag) =	ssettag s2;
	_ =	strace s9  }
0x27: {  	s1 =	sld [smem:$0x3F88]  }
0x28: {  	s2 =	sld [smem:$0x3F89]  }
0x29: {  	s4 =	sld [smem:$0x3F8B]  }
0x2a: {  	p0 =	seq.s32 s5, $0x0;
	s5 =	sld [smem:$0x3F8C]  }
0x2b: {  	s6 =	sld [smem:$0x3F8D]  }
0x2c: {  	s7 =	sld [smem:$0x3F8E]  }
0x2d: {  	s3 =	simm.s32 $0x108;
	s8 =	sld [smem:$0x3F8F]  }
0x2e: {  	s3 =	simm.s32 @!p0 $0x1082;
	s9 =	sld [smem:$0x3F90]  }
0x2f: {  	lr =	sadd.s32 s0, s3;
	s0 =	sld [smem:$0x3F87]  }
0x30: {  	s3 =	sld [smem:$0x3F8A]  }
0x31: {  	[smem:$0x3F93] =	sst s10  }
0x32: {  	s10 =	sld [smem:$0x3F91];
	_ =	sdelay $0x3  }
0x33: {  	p0 =	seq.s32 s10, $0x1;
	s10 =	sld [smem:$0x3F93];
	_ =	sdelay $0x3  }
0x34: {  	[smem:$0x3F93] =	sst s10  }
0x35: {  	s10 =	sld [smem:$0x3F92];
	_ =	sdelay $0x3  }
0x36: {  	p1 =	seq.s32 s10, $0x1;
	s10 =	sld [smem:$0x3F93];
	_ =	sdelay $0x3  }
0x37: {  	[smem:$0x3F93] =	sst s10  }
0x38: {  	s10 =	sld [smem:$0x3F94]  }
0x39: {  	_ = 	snop;
	(pc) =	sbr.ind lr, $3  }
0x3a: {  	_ = 	snop  }
0x3b: {  	_ = 	snop  }
0x3c: {  	p2 =	seq.s32 s10, $0x1;
	s10 =	sld [smem:$0x3F93]  }
0x3d: {  	_ =	shalt  }
0x3e: {  	_ =	shalt  }
0x3f: {  	_ =	shalt  }
0x40: {  	_ =	shalt  }
0x41: {  	_ =	shalt  }
0x42: {  	_ =	shalt  }
0x43: {  	_ =	shalt  }
0x44: {  	_ =	shalt  }
0x45: {  	_ =	shalt  }
0x46: {  	_ =	shalt  }
0x47: {  	_ =	shalt  }
0x48: {  	_ =	shalt  }
0x49: {  	_ =	shalt  }
0x4a: {  	_ =	shalt  }
0x4b: {  	_ =	shalt  }
0x4c: {  	_ =	shalt  }
0x4d: {  	_ =	shalt  }
0x4e: {  	_ =	shalt  }
0x4f: {  	_ =	shalt  }
0x50: {  	_ =	shalt  }
0x51: {  	_ =	shalt  }
0x52: {  	_ =	shalt  }
0x53: {  	_ =	shalt  }
0x54: {  	_ =	shalt  }
0x55: {  	_ =	shalt  }
0x56: {  	_ =	shalt  }
0x57: {  	_ =	shalt  }
0x58: {  	_ =	shalt  }
0x59: {  	_ =	shalt  }
0x5a: {  	_ =	shalt  }
0x5b: {  	_ =	shalt  }
0x5c: {  	_ =	shalt  }
0x5d: {  	_ =	shalt  }
0x5e: {  	_ =	shalt  }
0x5f: {  	_ =	shalt  }
0x60: {  	_ =	shalt  }
0x61: {  	_ =	shalt  }
0x62: {  	_ =	shalt  }
0x63: {  	_ =	shalt  }
0x64: {  	_ =	shalt  }
0x65: {  	_ =	shalt  }
0x66: {  	_ =	shalt  }
0x67: {  	_ =	shalt  }
0x68: {  	_ =	shalt  }
0x69: {  	_ =	shalt  }
0x6a: {  	_ =	shalt  }
0x6b: {  	_ =	shalt  }
0x6c: {  	_ =	shalt  }
0x6d: {  	_ =	shalt  }
0x6e: {  	_ =	shalt  }
0x6f: {  	_ =	shalt  }
0x70: {  	_ =	shalt  }
0x71: {  	_ =	shalt  }
0x72: {  	_ =	shalt  }
0x73: {  	_ =	shalt  }
0x74: {  	_ =	shalt  }
0x75: {  	_ =	shalt  }
0x76: {  	_ =	shalt  }
0x77: {  	_ =	shalt  }
0x78: {  	_ =	shalt  }
0x79: {  	_ =	shalt  }
0x7a: {  	_ =	shalt  }
0x7b: {  	_ =	shalt  }
0x7c: {  	_ =	shalt  }
0x7d: {  	_ =	shalt  }
0x7e: {  	_ =	shalt  }
0x7f: {  	_ =	shalt  }
0x80: {  	_ =	shalt  }
0x81: {  	_ =	shalt  }
0x82: {  	_ =	shalt  }
0x83: {  	_ =	shalt  }
0x84: {  	_ =	shalt  }
0x85: {  	_ =	shalt  }
0x86: {  	_ =	shalt  }
0x87: {  	_ =	shalt  }
.Lfunc_end0:
.L_simem_size_0:
called_computation.4_lowered:
.L_overlay_start_0:
0x88: {  	s2 =	sld [smem:$0x3FD9]  }
0x89: {  	s3 =	sld [smem:$0x3FFE];
	_ =	sdelay $0x1  }
0x8a: {  	s1 =	srdreg.scid  }
0x8b: {  	s0 =	sand.u32 $0x1, s1  }
0x8c: {  	s17 =	sshll.u32 s0, $0xA;
	s2 =	sadd.s32 s3, s2  }
0x8d: {  	s2 =	sadd.s32 s2, s17  }
0x8e: {  	[smem:$0x3F9F] =	sst s2  }
0x8f: {  	_ = 	snop  }
0x90: {  	s2 =	sld [smem:$0x3FD0];
	(tm) =	ssettm $0x1  }
0x91: {  	s18 =	sld [smem:$0x3FFB];
	_ =	sdelay $0x3  }
0x92: {  	_ =	strace s18  }
0x93: {  	s3 =	sld [smem:$0x3FFC];
	_ =	sdelay $0x3  }
0x94: {  	_ =	strace s3  }
0x95: {  	s3 =	sld [smem:$0x3FFD];
	_ =	sdelay $0x3  }
0x96: {  	_ =	strace s3  }
0x97: {  	_ =	strace $0x8FFFFFFF  }
0x98: {  	s19 =	sld [smem:$0x3FDB];
	_ =	sdelay $0x1  }
0x99: {  	s4 =	simm.s32 $_scs_section_size  }
0x9a: {  	s5 =	simm.s32 $_size__tile_overlayer_lowered;
	s6 =	simm.s32 $_tile_overlayer_lowered  }
0x9b: {  	s22 =	simm.s32 $0x1BFF;
	s21 =	sshll.u32 s6, $0x1;
	s3 =	sadd.s32 s4, s19  }
0x9c: {  	s7 =	simm.s32 $0x0;
	s20 =	sshll.u32 s5, $0x1;
	s5 =	sadd.s32 s21, s3  }
0x9d: {  	[timem:s7], [sflag:s22] =	dma.local [hbm:s5], s20  }
0x9e: {  	_ =	swait.ge [sflag:s22], s20  }
0x9f: {  	s4 =	ssub.s32 $0x0, s20;
	[sflag:s22] =	ssyncset.done $0x0  }
0xa0: {  	[sflag:s22] =	ssyncadd.s32 s4;
	_ =	sdelay $0x1  }
0xa1: {  	s23 =	simm.s32 $0x1B8B  }
0xa2: {  	_ =	swait.ge [sflag:s23], $0x1  }
0xa3: {  	[sflag:s23] =	ssyncset.done $0x0  }
0xa4: {  	s25 =	simm.s32 $0x1B8E;
	s24 =	sld [smem:$0x3FFE];
	[sflag:s23] =	ssyncadd.s32 $0xFFFFFFFF  }
0xa5: {  	s26 =	simm.s32 $execute0_lowered;
	[smem:$0x3FD2] =	sst s25  }
0xa6: {  	s5 =	sshll.u32 s26, $0x1;
	_ =	strace $0x80000052;
	[dreg:$0x1] =	wrdreg $0xFFFFFFFF  }
0xa7: {  	s28 =	simm.s32 $_size_execute0_lowered;
	s3 =	sadd.s32 s3, s5;
	[dreg:$0x0] =	wrdreg $0x0  }
0xa8: {  	s5 =	sshll.u32 s28, $0x1;
	[dreg:$0x2] =	wrdreg s3  }
0xa9: {  	[dreg:$0x3] =	wrdreg s5  }
0xaa: {  	[dreg:$0x4] =	wrdreg $0xC0  }
0xab: {  	_ =	task [dreg:s7], $0x5FFFF  }
0xac: {  	[dreg:$0x1] =	wrdreg $0xFFFFFFFF  }
0xad: {  	[dreg:$0x0] =	wrdreg $0x60  }
0xae: {  	[dreg:$0x2] =	wrdreg s2  }
0xaf: {  	[dreg:$0x3] =	wrdreg s24  }
0xb0: {  	[dreg:$0x4] =	wrdreg $0x29000  }
0xb1: {  	[dreg:$0x5] =	wrdreg $0x9  }
0xb2: {  	_ =	task.clear_ibuf [dreg:s7], $0x6FFFF;
	_ =	strace $0x90000052  }
0xb3: {  	s29 =	simm.s32 $0x9;
	_ =	strace $0x80000054  }
0xb4: {  	_ =	swait.ge [sflag:s29], $0x1  }
0xb5: {  	[sflag:s29] =	ssyncadd.s32 $0xFFFFFFFF  }
0xb6: {  	_ =	strace $0x90000054  }
0xb7: {  	_ =	sfence  }
0xb8: {  	s30 =	sld [smem:$0x0];
	_ =	sdelay $0x2  }
0xb9: {  	s31 =	sshll.u32 s1, $0xD;
	s1 =	sshrl.u32 s1, $0x2  }
0xba: {  	s3 =	sand.u32 $0x4000, s31;
	s1 =	sadd.s32 s1, s30  }
0xbb: {  	s0 =	sor.u32 s3, s0;
	s1 =	sshll.u32 s1, $0x11  }
0xbc: {  	s0 =	sor.u32 s1, s0  }
0xbd: {  	s0 =	sadd.s32 $0x8F2B, s0  }
0xbe: {  	[sflag:s0] =	ssyncadd.remote.s32 $0x1  }
0xbf: {  	_ =	sfence.sel $0xFFFF  }
0xc0: {  	[dreg:$0x0] =	wrdreg $0xFFFFFFFF;
	(pc) =	sbr.abs _section_cstart, $3  }
0xc1: {  	[dreg:$0x1] =	wrdreg $0xFFFFFFFF  }
0xc2: {  	_ =	task.clear_ibuf [dreg:s7], $0x2FFFF;
	_ =	strace $0x9FFFFFFF  }
0xc3: {  	(tm) =	ssettm $0x7FFFFFFF  }
tec
execute0_lowered:
.L_overlay_start_1:
0x0: {  	(tag) =	ssettag $0x1  }
0x1: {  	s0 =	rddreg [dreg:$0x0]  }
0x2: {  	s1 =	srdreg.scid;
	s4 =	rddreg [dreg:$0x1]  }
0x3: {  	s12 =	stileid.u32;
	s2 =	rddreg [dreg:$0x2];
	s3 =	simm.s32 $0x0  }
0x4: {  	s17 =	simm.s32 $0x100;
	s18 =	simm.s32 $0x1;
	s7 =	smul.u32 $0x2710, s12  }
0x5: {  	s5 =	sand.u32 $0x1, s1;
	s1 =	rddreg [dreg:$0x3];
	s23 =	smul.u32 $0x4E2, s12  }
0x6: {  	s19 =	simm.s32 $0x0;
	[smem:$0x7FF] =	sst s3;
	s8 =	smul.u32 $0x4E000, s12  }
0x7: {  	s9 =	smul.u32 $0x270, s12;
	s13 =	sadd.s32 $0x6A200, s4;
	s14 =	sadd.s32 $0xB8400, s4  }
0x8: {  	s30 =	sshll.u32 s12, $0x6;
	s16 =	sadd.s32 $0x138000, s2;
	s6 =	smul.u32 $0x27100, s5  }
0x9: {  	p0 =	sne.s32 s12, $0x0;
	_ =	strace $0x80000053;
	s24 =	smul.u32 $0x2710, s5  }
0xa: {  	s25 =	ssub.s32 $0x2, s5;
	s5 =	smul.u32 $0x138800, s5;
	s11 =	sadd.s32 s23, s4  }
0xb: {  	s26 =	sshrl.u32 s25, $0x1;
	s8 =	sshrl.u32 s8, $0x2;
	s6 =	sadd.s32 s7, s6  }
0xc: {  	s28 =	ssub.s32 s25, s26;
	s15 =	sadd.s32 s8, s2;
	s31 =	sshrl.u32 s5, $0x3  }
0xd: {  	s5 =	sor.u32 $0x1C02, s30;
	s11 =	sadd.s32 $0x8000, s11;
	s6 =	sshrl.u32 s6, $0x3  }
0xe: {  	s8 =	sadd.s32 $0x27000, s31;
	s12 =	sshrl.u32 s15, $0x3;
	s15 =	simm.s32 $0x80  }
0xf: {  	s10 =	sadd.s32 s6, s4;
	s6 =	sadd.s32 s9, s24;
	s9 =	smax.u32 s28, $0x1  }
0x10: {  	s29 =	sshll.u32 s6, $0x4;
	s6 =	sadd.s32 s13, s8;
	s8 =	sadd.s32 s14, s8  }
0x11: {  	s10 =	sadd.s32 $0x60400, s10;
	s4 =	sadd.s32 s13, s29;
	s7 =	sadd.s32 s14, s29  }
0x12: {  	s13 =	simm.s32 $0x2;
	s14 =	sshrl.u32 @!p0 s16, $0x3;
	s16 =	simm.s32 $0x50  }
.LBB2_1:
0x13: {  	[spmem:s12], [sflag:s5] =	dma.local [hbm:s4], $0x2700  }
0x14: {  	_ =	swait.ge [sflag:s13], $0x2700  }
0x15: {  	[sflag:s13] =	ssyncset.done $0x0  }
0x16: {  	s20 =	simm.s32 @!p0 $0x2;
	[sflag:s13] =	ssyncadd.s32 $0xFFFFD900  }
0x17: {  	[spmem:s14], [sflag:s5] =	dma.local @!p0 [hbm:s6], $0x100  }
0x18: {  	_ =	swait.ge @!p0 [sflag:s20], $0x100  }
0x19: {  	[sflag:s20] =	ssyncset.done @!p0 $0x0  }
0x1a: {  	[sflag:s20] =	ssyncadd.s32 @!p0 $0xFFFFFF00  }
0x1b: {  	s30 =	sadd.s32 $0x0, s10;
	[bflag:$0x0] =	sbarrier.arrive $0xFFFF  }
0x1c: {  	[tilespmem:s3], [sflag:$0x2] =	stream.linear.gather [hbm4b:s30+s3], $0x50, $0x38;
	[tilespmem:$0x16180] =	vst v63  }
0x1d: {  	_ =	swait.ge [sflag:s13], $0x50  }
0x1e: {  	[sflag:s13] =	ssyncset.done $0x0  }
0x1f: {  	s31 =	sadd.s32 $0x0, s11;
	[sflag:s13] =	ssyncadd.s32 $0xFFFFFFB0  }
0x20: {  	[tilespmem:s15], [sflag:$0x2] =	stream.linear.gather [hbm4b:s31+s3], $0x50, $0x38;
	[tilespmem:$0x16180] =	vst v63  }
0x21: {  	_ =	swait.ge [sflag:s13], $0x50  }
0x22: {  	[sflag:s13] =	ssyncset.done $0x0  }
0x23: {  	[sflag:s13] =	ssyncadd.s32 $0xFFFFFFB0  }
0x24: {  	[tilespmem:s17], [sflag:$0x1] =	stream.indirect.gather [hbm4b:s0+s16], $0x80, s3, s16, $0xb8;
	[tilespmem:$0x16180] =	vst v63  }
0x25: {  	_ =	swait.ge [sflag:s18], $0x2800  }
0x26: {  	[sflag:s18] =	ssyncset.done $0x0  }
0x27: {  	[sflag:s18] =	ssyncadd.s32 $0xFFFFD800  }
0x28: {  	[spmem:s2] =	stream.indirect.scatter.add.f32 [tilespmem:s17], [sflag:$0x2], $0x80, s15, s16, $0xb8;
	[tilespmem:$0x16180] =	vst v63  }
0x29: {  	_ =	swait.ge [sflag:s13], $0x2800  }
0x2a: {  	s21 =	simm.s32 $0x14;
	s20 =	simm.s32 $0xA;
	[sflag:s13] =	ssyncset.done $0x0  }
.LBB2_2:
0x2b: {  	s22 =	sadd.s32 s20, s10  }
0x2c: {  	[sflag:s13] =	ssyncadd.s32 $0xFFFFD800;
	s23 =	smov.u32 s21;
	s24 =	sadd.s32 $0xA, s21  }
0x2d: {  	[tilespmem:s3], [sflag:$0x2] =	stream.linear.gather [hbm4b:s22+s3], $0x50, $0x38;
	[tilespmem:$0x16180] =	vst v63  }
0x2e: {  	p1 =	sne.s32 s21, $0x4D8;
	_ =	swait.ge [sflag:s13], $0x50  }
0x2f: {  	[sflag:s13] =	ssyncset.done $0x0  }
0x30: {  	s21 =	sadd.s32 s20, s11;
	s20 =	smov.u32 s23;
	[sflag:s13] =	ssyncadd.s32 $0xFFFFFFB0  }
0x31: {  	[tilespmem:s15], [sflag:$0x2] =	stream.linear.gather [hbm4b:s21+s3], $0x50, $0x38;
	[tilespmem:$0x16180] =	vst v63  }
0x32: {  	_ =	swait.ge [sflag:s13], $0x50  }
0x33: {  	[sflag:s13] =	ssyncset.done $0x0  }
0x34: {  	[sflag:s13] =	ssyncadd.s32 $0xFFFFFFB0  }
0x35: {  	[tilespmem:s17], [sflag:$0x1] =	stream.indirect.gather [hbm4b:s0+s16], $0x80, s3, s16, $0xb8;
	[tilespmem:$0x16180] =	vst v63  }
0x36: {  	_ =	swait.ge [sflag:s18], $0x2800  }
.Ltmp0:
0x37: {  	[sflag:s18] =	ssyncset.done $0x0;
	(pc) =	sbr.rel @p1 .LBB2_2-.Ltmp0, $4  }
0x38: {  	[sflag:s18] =	ssyncadd.s32 $0xFFFFD800  }
0x39: {  	[spmem:s2] =	stream.indirect.scatter.add.f32 [tilespmem:s17], [sflag:$0x2], $0x80, s15, s16, $0xb8;
	[tilespmem:$0x16180] =	vst v63  }
0x3a: {  	_ =	swait.ge [sflag:s13], $0x2800  }
0x3b: {  	s21 =	smov.u32 s24;
	[sflag:s13] =	ssyncset.done $0x0  }
0x3c: {  	s21 =	sadd.s32 s20, s10;
	[sflag:s13] =	ssyncadd.s32 $0xFFFFD800  }
0x3d: {  	[tilespmem:s3], [sflag:$0x2] =	stream.linear.gather [hbm4b:s21+s3], $0x50, $0x38;
	[tilespmem:$0x16180] =	vst v63  }
0x3e: {  	_ =	swait.ge [sflag:s13], $0x50  }
0x3f: {  	[sflag:s13] =	ssyncset.done $0x0  }
0x40: {  	s31 =	sadd.s32 s20, s11;
	[sflag:s13] =	ssyncadd.s32 $0xFFFFFFB0  }
0x41: {  	[tilespmem:s15], [sflag:$0x2] =	stream.linear.gather [hbm4b:s31+s3], $0x50, $0x38;
	[tilespmem:$0x16180] =	vst v63  }
0x42: {  	_ =	swait.ge [sflag:s13], $0x50  }
0x43: {  	[sflag:s13] =	ssyncset.done $0x0  }
0x44: {  	[sflag:s13] =	ssyncadd.s32 $0xFFFFFFB0  }
0x45: {  	[tilespmem:s17], [sflag:$0x1] =	stream.indirect.gather [hbm4b:s0+s16], $0x80, s3, s16, $0xb8;
	[tilespmem:$0x16180] =	vst v63  }
0x46: {  	_ =	swait.ge [sflag:s18], $0x2800  }
0x47: {  	[sflag:s18] =	ssyncset.done $0x0  }
0x48: {  	[sflag:s18] =	ssyncadd.s32 $0xFFFFD800  }
0x49: {  	[spmem:s2] =	stream.indirect.scatter.add.f32 [tilespmem:s17], [sflag:$0x2], $0x80, s15, s16, $0xb8;
	[tilespmem:$0x16180] =	vst v63  }
0x4a: {  	_ =	swait.ge [sflag:s13], $0x2800  }
0x4b: {  	[sflag:s13] =	ssyncset.done $0x0  }
0x4c: {  	[sflag:s13] =	ssyncadd.s32 $0xFFFFD800  }
0x4d: {  	[bflag:$0x0] =	sbarrier.arrive $0xFFFF  }
0x4e: {  	[hbm:s7], [sflag:s5] =	dma.local [spmem:s12], $0x2700  }
0x4f: {  	s19 =	sadd.s32 $0x1, s19;
	_ =	swait.ge [sflag:s13], $0x2700  }
0x50: {  	p1 =	sne.s32 s19, s9;
	[sflag:s13] =	ssyncset.done $0x0  }
.Ltmp1:
0x51: {  	s20 =	simm.s32 @!p0 $0x2;
	[sflag:s13] =	ssyncadd.s32 $0xFFFFD900;
	(pc) =	sbr.rel @p1 .LBB2_1-.Ltmp1, $4  }
0x52: {  	[hbm:s8], [sflag:s5] =	dma.local @!p0 [spmem:s14], $0x100  }
0x53: {  	_ =	swait.ge @!p0 [sflag:s20], $0x100  }
0x54: {  	[sflag:s20] =	ssyncset.done @!p0 $0x0  }
0x55: {  	[sflag:s20] =	ssyncadd.s32 @!p0 $0xFFFFFF00  }
0x56: {  	_ =	sfence.sel $0x180000  }
0x57: {  	[bflag:$0x0] =	sbarrier.arrive $0xFFFF  }
0x58: {  	_ =	strace $0x90000053  }
0x59: {  	s0 =	sadd.s32 @!p0 $0x100000, s1;
	[bflag:$0x2] =	sbarrier.arrive $0xFFFF  }
0x5a: {  	[sflag:s0] =	ssyncadd.tile.s32 @!p0 $0x1;
	_ =	shalt  }
.Lfunc_end2:
_tile_overlayer_lowered:
.L_overlay_start_2:
0x5b: {  	(tag) =	ssettag $0x2  }
0x5c: {  	s0 =	rddreg [dreg:$0x0];
	s2 =	stileid.u32  }
0x5d: {  	s1 =	rddreg [dreg:$0x1];
	p0 =	sne.s32 s2, $0x0  }
0x5e: {  	s3 =	rddreg [dreg:$0x2];
	[bflag:$0x3] =	sbarrier.arrive $0xFFFF;
	s2 =	simm.s32 @!p0 $0x1C02  }
0x5f: {  	[timem:s3], [sflag:s2] =	dma.local @!p0 [hbm:s0], s1  }
0x60: {  	s0 =	simm.s32 @!p0 $0x2  }
0x61: {  	_ =	swait.ge @!p0 [sflag:s0], s1  }
0x62: {  	s1 =	ssub.s32 @!p0 $0x0, s1;
	[sflag:s0] =	ssyncset.done @!p0 $0x0  }
0x63: {  	[sflag:s0] =	ssyncadd.s32 @!p0 s1  }
0x64: {  	[bflag:$0x3] =	sbarrier.arrive $0xFFFF  }
0x65: {  	_ =	shalt  }

</sc_bundles>
